<compile_context>
chip_gen: v7x
topology: tpu7x:2x2x1
jax: 0.10.2.dev20260603
libtpu: 0.0.44.dev20260713+nightly
codegen_flags: <defaults>
</compile_context>

<pallas_src>
import functools

import jax
import jax.numpy as jnp
from jax import lax
from jax.experimental import pallas as pl
from jax.experimental.pallas import tpu as pltpu
from jax.experimental.pallas import tpu_sc as plsc

BATCH = 16384
HIST = 200
D = 64
B = BATCH * HIST

_info = plsc.get_sparse_core_info()
NC, NS, NL = _info.num_cores, _info.num_subcores, _info.num_lanes
NW = NC * NS
B_PER_W = B // NW
CHUNK = 256
N_BLOCKS = B_PER_W // CHUNK
BG_PER_CHUNK = CHUNK // 128

assert B % (8 * NW) == 0
assert B_PER_W % CHUNK == 0
assert BATCH % CHUNK == 0
assert N_BLOCKS % 2 == 0 and N_BLOCKS >= 4


def _sc_lookup(x_hmajor, emb):
    mesh = plsc.VectorSubcoreMesh(core_axis_name="c", subcore_axis_name="s")

    @functools.partial(
        pl.kernel,
        mesh=mesh,
        out_type=jax.ShapeDtypeStruct((HIST, D // 8, BATCH // 16, 128),
                                      jnp.float32),
        scratch_types=[
            pltpu.VMEM((CHUNK,), jnp.int32),
            pltpu.VMEM((CHUNK,), jnp.int32),
            pltpu.VMEM((CHUNK, D), jnp.float32),
            pltpu.VMEM((CHUNK, D), jnp.float32),
            pltpu.VMEM((D * BG_PER_CHUNK, 131), jnp.float32),
            pltpu.VMEM((D * BG_PER_CHUNK, 131), jnp.float32),
            pltpu.SemaphoreType.DMA,
            pltpu.SemaphoreType.DMA,
            pltpu.SemaphoreType.DMA,
            pltpu.SemaphoreType.DMA,
            pltpu.SemaphoreType.DMA,
        ],
        compiler_params=pltpu.CompilerParams(use_tc_tiling_on_sc=False,
                                             needs_layout_passes=False),
    )
    def body(x_hbm, emb_hbm, out_hbm, idx0, idx1, rows0, rows1, tr0, tr1,
             s_i0, s_i1, s_g, s_st0, s_st1):
        wid = lax.axis_index("s") * NC + lax.axis_index("c")
        base = wid * B_PER_W
        idx_v = (idx0, idx1)
        rows_v = (rows0, rows1)
        tr_v = (tr0, tr1)
        s_i = (s_i0, s_i1)
        s_st = (s_st0, s_st1)

        iota = lax.iota(jnp.int32, NL)
        prwc = [((c0 + iota) >> 3) * (8 * BG_PER_CHUNK) + bgp * 8
                + ((c0 + iota) & 7)
                for bgp in range(BG_PER_CHUNK)
                for c0 in range(0, D, NL)]

        def idx_start(i, s):
            j0 = base + i * CHUNK
            h = j0 // BATCH
            bg0 = (j0 % BATCH) // 128
            for q in range(BG_PER_CHUNK):
                pltpu.async_copy(x_hbm.at[h // 8, bg0 + q, h % 8],
                                 idx_v[s].at[pl.ds(q * 128, 128)], s_i[s])

        def idx_wait(s):
            for q in range(BG_PER_CHUNK):
                pltpu.make_async_copy(x_hbm.at[0, 0, 0],
                                      idx_v[s].at[pl.ds(0, 128)],
                                      s_i[s]).wait()

        def gather_start(s):
            pltpu.async_copy(emb_hbm.at[idx_v[s]], rows_v[s], s_g)

        def gather_wait(s):
            pltpu.make_async_copy(emb_hbm.at[idx_v[s]], rows_v[s],
                                  s_g).wait()

        def store_start(i, s):
            j0 = base + i * CHUNK
            h = j0 // BATCH
            bg0 = (j0 % BATCH) // 128
            for dg in range(D // 8):
                pltpu.async_copy(
                    tr_v[s].at[pl.ds(dg * BG_PER_CHUNK * 8,
                                     BG_PER_CHUNK * 8), pl.ds(0, 128)],
                    out_hbm.at[h, dg, pl.ds(bg0 * 8, BG_PER_CHUNK * 8)],
                    s_st[s])

        def store_wait(s):
            for _ in range(D // 8):
                pltpu.make_async_copy(
                    tr_v[s].at[pl.ds(0, BG_PER_CHUNK * 8), pl.ds(0, 128)],
                    out_hbm.at[0, 0, pl.ds(0, BG_PER_CHUNK * 8)],
                    s_st[s]).wait()

        def transpose(s):
            rows, tr = rows_v[s], tr_v[s]

            @plsc.parallel_loop(0, 128, unroll=2)
            def rr_body(rr):
                col = jnp.full((NL,), rr, jnp.int32)
                for bgp in range(BG_PER_CHUNK):
                    for c0g in range(D // NL):
                        v = rows[bgp * 128 + rr, pl.ds(c0g * NL, NL)]
                        plsc.store_scatter(
                            tr, [prwc[bgp * (D // NL) + c0g], col], v)

        def block(i, s):
            gather_wait(s)

            @pl.when(i + 1 < N_BLOCKS)
            def _():
                idx_wait(1 - s)
                gather_start(1 - s)

            @pl.when(i + 2 < N_BLOCKS)
            def _():
                idx_start(i + 2, s)

            @pl.when(i >= 2)
            def _():
                store_wait(s)

            transpose(s)
            store_start(i, s)

        idx_start(0, 0)
        idx_start(1, 1)
        idx_wait(0)
        gather_start(0)

        def group(g, carry):
            block(2 * g, 0)
            block(2 * g + 1, 1)
            return carry

        lax.fori_loop(0, N_BLOCKS // 2, group, 0, unroll=False)

        store_wait(0)
        store_wait(1)

    return body(x_hmajor, emb)


def kernel(x, emb):
    x4 = (x.astype(jnp.int32)
          .reshape(BATCH // 128, 128, HIST // 8, 8)
          .transpose(2, 0, 3, 1))
    out4 = _sc_lookup(x4, emb)
    out5 = out4.reshape(HIST, D // 8, BATCH // 128, 8, 128)
    return out5.transpose(2, 4, 0, 1, 3).reshape(BATCH, HIST, D)

# --- scband reference (transcript-rebuilt; emitter-appended) ---
"""Pipeline reference for scband-embeddings-12979391169090 (READ-ONLY COPY).

The authoritative reference and input builder live on the scoring server;
editing this copy changes nothing except your own understanding.
"""

import jax, jax.numpy as jnp
import numpy as np

VOCAB = 1000000
D_MODEL = 64
BATCH = 16384
HIST = 200


def setup_inputs(seed: int = 0) -> dict:
    key = jax.random.key(seed)
    k_idx, k_emb = jax.random.split(key)
    x = jax.random.randint(k_idx, (BATCH, HIST), 0, VOCAB, dtype=jnp.int64)
    emb = jax.random.normal(k_emb, (VOCAB, D_MODEL), dtype=jnp.float32)
    return {"x": x, "emb": emb}


def reference(x, emb):
    # Embeddings.forward: return self.lut(x)  (plain embedding lookup; no sqrt(d_model) scaling here)
    return jnp.take(emb, x, axis=0)

if __name__ == "__main__":
    import jax
    _d = setup_inputs()
    print(jax.jit(kernel)(*tuple(_d.values())))

</pallas_src>

<mosaic_0001>
#map = affine_map<(d0, d1) -> (0, 0, 0, 0)>
#map1 = affine_map<(d0, d1) -> (0, 0)>
module attributes {stable_mosaic.version = 14 : i64} {
  func.func @body(%arg0: i32, %arg1: i32, %arg2: memref<25x128x8x128xi32, #tpu.memory_space<hbm>>, %arg3: memref<1000000x64xf32, #tpu.memory_space<hbm>>, %arg4: memref<200x8x1024x128xf32, #tpu.memory_space<hbm>>, %arg5: memref<256xi32, #tpu.memory_space<vmem>>, %arg6: memref<256xi32, #tpu.memory_space<vmem>>, %arg7: memref<256x64xf32, #tpu.memory_space<vmem>>, %arg8: memref<256x64xf32, #tpu.memory_space<vmem>>, %arg9: memref<128x131xf32, #tpu.memory_space<vmem>>, %arg10: memref<128x131xf32, #tpu.memory_space<vmem>>, %arg11: memref<!tpu.dma_semaphore, #tpu.memory_space<semaphore_mem>>, %arg12: memref<!tpu.dma_semaphore, #tpu.memory_space<semaphore_mem>>, %arg13: memref<!tpu.dma_semaphore, #tpu.memory_space<semaphore_mem>>, %arg14: memref<!tpu.dma_semaphore, #tpu.memory_space<semaphore_mem>>, %arg15: memref<!tpu.dma_semaphore, #tpu.memory_space<semaphore_mem>>) attributes {dimension_semantics = [#tpu.dimension_semantics<core_parallel>, #tpu.dimension_semantics<subcore_parallel>], iteration_bounds = array<i64: 2, 16>, scalar_prefetch = 0 : i64, scratch_operands = 11 : i64, tpu.core_type = #tpu.core_type<sc_vector_subcore>, window_params = [{transform_indices = #map}, {transform_indices = #map1}, {transform_indices = #map}]} {
    %mul3A = arith.constant 2 : i32
    %mul3A_0 = arith.muli %arg1, %mul3A : i32
    %add3A = arith.addi %mul3A_0, %arg0 : i32
    %mul3A_1 = arith.constant 102400 : i32
    %mul3A_2 = arith.muli %add3A, %mul3A_1 : i32
    %iota3A = tpu.iota {dimensions = array<i32: 0>} : vector<16xi32>
    %add3A_3 = arith.constant 0 : i32
    %add3A_4 = vector.broadcast %add3A_3 : i32 to vector<16xi32>
    %add3A_5 = arith.addi %add3A_4, %iota3A : vector<16xi32>
    %shift_right_arithmetic3A = arith.constant 3 : i32
    %shift_right_arithmetic3A_6 = vector.broadcast %shift_right_arithmetic3A : i32 to vector<16xi32>
    %shift_right_arithmetic3A_7 = arith.shrsi %add3A_5, %shift_right_arithmetic3A_6 : vector<16xi32>
    %mul3A_8 = arith.constant 16 : i32
    %mul3A_9 = vector.broadcast %mul3A_8 : i32 to vector<16xi32>
    %mul3A_10 = arith.muli %shift_right_arithmetic3A_7, %mul3A_9 : vector<16xi32>
    %add3A_11 = arith.constant 0 : i32
    %add3A_12 = vector.broadcast %add3A_11 : i32 to vector<16xi32>
    %add3A_13 = arith.addi %mul3A_10, %add3A_12 : vector<16xi32>
    %add3A_14 = arith.constant 0 : i32
    %add3A_15 = vector.broadcast %add3A_14 : i32 to vector<16xi32>
    %add3A_16 = arith.addi %add3A_15, %iota3A : vector<16xi32>
    %and3A = arith.constant 7 : i32
    %and3A_17 = vector.broadcast %and3A : i32 to vector<16xi32>
    %and3A_18 = arith.andi %add3A_16, %and3A_17 : vector<16xi32>
    %add3A_19 = arith.addi %add3A_13, %and3A_18 : vector<16xi32>
    %add3A_20 = arith.constant 16 : i32
    %add3A_21 = vector.broadcast %add3A_20 : i32 to vector<16xi32>
    %add3A_22 = arith.addi %add3A_21, %iota3A : vector<16xi32>
    %shift_right_arithmetic3A_23 = arith.constant 3 : i32
    %shift_right_arithmetic3A_24 = vector.broadcast %shift_right_arithmetic3A_23 : i32 to vector<16xi32>
    %shift_right_arithmetic3A_25 = arith.shrsi %add3A_22, %shift_right_arithmetic3A_24 : vector<16xi32>
    %mul3A_26 = arith.constant 16 : i32
    %mul3A_27 = vector.broadcast %mul3A_26 : i32 to vector<16xi32>
    %mul3A_28 = arith.muli %shift_right_arithmetic3A_25, %mul3A_27 : vector<16xi32>
    %add3A_29 = arith.constant 0 : i32
    %add3A_30 = vector.broadcast %add3A_29 : i32 to vector<16xi32>
    %add3A_31 = arith.addi %mul3A_28, %add3A_30 : vector<16xi32>
    %add3A_32 = arith.constant 16 : i32
    %add3A_33 = vector.broadcast %add3A_32 : i32 to vector<16xi32>
    %add3A_34 = arith.addi %add3A_33, %iota3A : vector<16xi32>
    %and3A_35 = arith.constant 7 : i32
    %and3A_36 = vector.broadcast %and3A_35 : i32 to vector<16xi32>
    %and3A_37 = arith.andi %add3A_34, %and3A_36 : vector<16xi32>
    %add3A_38 = arith.addi %add3A_31, %and3A_37 : vector<16xi32>
    %add3A_39 = arith.constant 32 : i32
    %add3A_40 = vector.broadcast %add3A_39 : i32 to vector<16xi32>
    %add3A_41 = arith.addi %add3A_40, %iota3A : vector<16xi32>
    %shift_right_arithmetic3A_42 = arith.constant 3 : i32
    %shift_right_arithmetic3A_43 = vector.broadcast %shift_right_arithmetic3A_42 : i32 to vector<16xi32>
    %shift_right_arithmetic3A_44 = arith.shrsi %add3A_41, %shift_right_arithmetic3A_43 : vector<16xi32>
    %mul3A_45 = arith.constant 16 : i32
    %mul3A_46 = vector.broadcast %mul3A_45 : i32 to vector<16xi32>
    %mul3A_47 = arith.muli %shift_right_arithmetic3A_44, %mul3A_46 : vector<16xi32>
    %add3A_48 = arith.constant 0 : i32
    %add3A_49 = vector.broadcast %add3A_48 : i32 to vector<16xi32>
    %add3A_50 = arith.addi %mul3A_47, %add3A_49 : vector<16xi32>
    %add3A_51 = arith.constant 32 : i32
    %add3A_52 = vector.broadcast %add3A_51 : i32 to vector<16xi32>
    %add3A_53 = arith.addi %add3A_52, %iota3A : vector<16xi32>
    %and3A_54 = arith.constant 7 : i32
    %and3A_55 = vector.broadcast %and3A_54 : i32 to vector<16xi32>
    %and3A_56 = arith.andi %add3A_53, %and3A_55 : vector<16xi32>
    %add3A_57 = arith.addi %add3A_50, %and3A_56 : vector<16xi32>
    %add3A_58 = arith.constant 48 : i32
    %add3A_59 = vector.broadcast %add3A_58 : i32 to vector<16xi32>
    %add3A_60 = arith.addi %add3A_59, %iota3A : vector<16xi32>
    %shift_right_arithmetic3A_61 = arith.constant 3 : i32
    %shift_right_arithmetic3A_62 = vector.broadcast %shift_right_arithmetic3A_61 : i32 to vector<16xi32>
    %shift_right_arithmetic3A_63 = arith.shrsi %add3A_60, %shift_right_arithmetic3A_62 : vector<16xi32>
    %mul3A_64 = arith.constant 16 : i32
    %mul3A_65 = vector.broadcast %mul3A_64 : i32 to vector<16xi32>
    %mul3A_66 = arith.muli %shift_right_arithmetic3A_63, %mul3A_65 : vector<16xi32>
    %add3A_67 = arith.constant 0 : i32
    %add3A_68 = vector.broadcast %add3A_67 : i32 to vector<16xi32>
    %add3A_69 = arith.addi %mul3A_66, %add3A_68 : vector<16xi32>
    %add3A_70 = arith.constant 48 : i32
    %add3A_71 = vector.broadcast %add3A_70 : i32 to vector<16xi32>
    %add3A_72 = arith.addi %add3A_71, %iota3A : vector<16xi32>
    %and3A_73 = arith.constant 7 : i32
    %and3A_74 = vector.broadcast %and3A_73 : i32 to vector<16xi32>
    %and3A_75 = arith.andi %add3A_72, %and3A_74 : vector<16xi32>
    %add3A_76 = arith.addi %add3A_69, %and3A_75 : vector<16xi32>
    %add3A_77 = arith.constant 0 : i32
    %add3A_78 = vector.broadcast %add3A_77 : i32 to vector<16xi32>
    %add3A_79 = arith.addi %add3A_78, %iota3A : vector<16xi32>
    %shift_right_arithmetic3A_80 = arith.constant 3 : i32
    %shift_right_arithmetic3A_81 = vector.broadcast %shift_right_arithmetic3A_80 : i32 to vector<16xi32>
    %shift_right_arithmetic3A_82 = arith.shrsi %add3A_79, %shift_right_arithmetic3A_81 : vector<16xi32>
    %mul3A_83 = arith.constant 16 : i32
    %mul3A_84 = vector.broadcast %mul3A_83 : i32 to vector<16xi32>
    %mul3A_85 = arith.muli %shift_right_arithmetic3A_82, %mul3A_84 : vector<16xi32>
    %add3A_86 = arith.constant 8 : i32
    %add3A_87 = vector.broadcast %add3A_86 : i32 to vector<16xi32>
    %add3A_88 = arith.addi %mul3A_85, %add3A_87 : vector<16xi32>
    %add3A_89 = arith.constant 0 : i32
    %add3A_90 = vector.broadcast %add3A_89 : i32 to vector<16xi32>
    %add3A_91 = arith.addi %add3A_90, %iota3A : vector<16xi32>
    %and3A_92 = arith.constant 7 : i32
    %and3A_93 = vector.broadcast %and3A_92 : i32 to vector<16xi32>
    %and3A_94 = arith.andi %add3A_91, %and3A_93 : vector<16xi32>
    %add3A_95 = arith.addi %add3A_88, %and3A_94 : vector<16xi32>
    %add3A_96 = arith.constant 16 : i32
    %add3A_97 = vector.broadcast %add3A_96 : i32 to vector<16xi32>
    %add3A_98 = arith.addi %add3A_97, %iota3A : vector<16xi32>
    %shift_right_arithmetic3A_99 = arith.constant 3 : i32
    %shift_right_arithmetic3A_100 = vector.broadcast %shift_right_arithmetic3A_99 : i32 to vector<16xi32>
    %shift_right_arithmetic3A_101 = arith.shrsi %add3A_98, %shift_right_arithmetic3A_100 : vector<16xi32>
    %mul3A_102 = arith.constant 16 : i32
    %mul3A_103 = vector.broadcast %mul3A_102 : i32 to vector<16xi32>
    %mul3A_104 = arith.muli %shift_right_arithmetic3A_101, %mul3A_103 : vector<16xi32>
    %add3A_105 = arith.constant 8 : i32
    %add3A_106 = vector.broadcast %add3A_105 : i32 to vector<16xi32>
    %add3A_107 = arith.addi %mul3A_104, %add3A_106 : vector<16xi32>
    %add3A_108 = arith.constant 16 : i32
    %add3A_109 = vector.broadcast %add3A_108 : i32 to vector<16xi32>
    %add3A_110 = arith.addi %add3A_109, %iota3A : vector<16xi32>
    %and3A_111 = arith.constant 7 : i32
    %and3A_112 = vector.broadcast %and3A_111 : i32 to vector<16xi32>
    %and3A_113 = arith.andi %add3A_110, %and3A_112 : vector<16xi32>
    %add3A_114 = arith.addi %add3A_107, %and3A_113 : vector<16xi32>
    %add3A_115 = arith.constant 32 : i32
    %add3A_116 = vector.broadcast %add3A_115 : i32 to vector<16xi32>
    %add3A_117 = arith.addi %add3A_116, %iota3A : vector<16xi32>
    %shift_right_arithmetic3A_118 = arith.constant 3 : i32
    %shift_right_arithmetic3A_119 = vector.broadcast %shift_right_arithmetic3A_118 : i32 to vector<16xi32>
    %shift_right_arithmetic3A_120 = arith.shrsi %add3A_117, %shift_right_arithmetic3A_119 : vector<16xi32>
    %mul3A_121 = arith.constant 16 : i32
    %mul3A_122 = vector.broadcast %mul3A_121 : i32 to vector<16xi32>
    %mul3A_123 = arith.muli %shift_right_arithmetic3A_120, %mul3A_122 : vector<16xi32>
    %add3A_124 = arith.constant 8 : i32
    %add3A_125 = vector.broadcast %add3A_124 : i32 to vector<16xi32>
    %add3A_126 = arith.addi %mul3A_123, %add3A_125 : vector<16xi32>
    %add3A_127 = arith.constant 32 : i32
    %add3A_128 = vector.broadcast %add3A_127 : i32 to vector<16xi32>
    %add3A_129 = arith.addi %add3A_128, %iota3A : vector<16xi32>
    %and3A_130 = arith.constant 7 : i32
    %and3A_131 = vector.broadcast %and3A_130 : i32 to vector<16xi32>
    %and3A_132 = arith.andi %add3A_129, %and3A_131 : vector<16xi32>
    %add3A_133 = arith.addi %add3A_126, %and3A_132 : vector<16xi32>
    %add3A_134 = arith.constant 48 : i32
    %add3A_135 = vector.broadcast %add3A_134 : i32 to vector<16xi32>
    %add3A_136 = arith.addi %add3A_135, %iota3A : vector<16xi32>
    %shift_right_arithmetic3A_137 = arith.constant 3 : i32
    %shift_right_arithmetic3A_138 = vector.broadcast %shift_right_arithmetic3A_137 : i32 to vector<16xi32>
    %shift_right_arithmetic3A_139 = arith.shrsi %add3A_136, %shift_right_arithmetic3A_138 : vector<16xi32>
    %mul3A_140 = arith.constant 16 : i32
    %mul3A_141 = vector.broadcast %mul3A_140 : i32 to vector<16xi32>
    %mul3A_142 = arith.muli %shift_right_arithmetic3A_139, %mul3A_141 : vector<16xi32>
    %add3A_143 = arith.constant 8 : i32
    %add3A_144 = vector.broadcast %add3A_143 : i32 to vector<16xi32>
    %add3A_145 = arith.addi %mul3A_142, %add3A_144 : vector<16xi32>
    %add3A_146 = arith.constant 48 : i32
    %add3A_147 = vector.broadcast %add3A_146 : i32 to vector<16xi32>
    %add3A_148 = arith.addi %add3A_147, %iota3A : vector<16xi32>
    %and3A_149 = arith.constant 7 : i32
    %and3A_150 = vector.broadcast %and3A_149 : i32 to vector<16xi32>
    %and3A_151 = arith.andi %add3A_148, %and3A_150 : vector<16xi32>
    %add3A_152 = arith.addi %add3A_145, %and3A_151 : vector<16xi32>
    %add3A_153 = arith.constant 0 : i32
    %add3A_154 = arith.addi %mul3A_2, %add3A_153 : i32
    %jit3A = arith.constant 16384 : i32
    %div3A = arith.divsi %add3A_154, %jit3A : i32
    %sign3A = arith.constant 0 : i32
    %sign3A_155 = arith.cmpi sgt, %add3A_154, %sign3A : i32
    %sign3A_156 = arith.extui %sign3A_155 : i1 to i32
    %sign3A_157 = arith.constant 0 : i32
    %sign3A_158 = arith.cmpi slt, %add3A_154, %sign3A_157 : i32
    %sign3A_159 = arith.extui %sign3A_158 : i1 to i32
    %sign3A_160 = arith.subi %sign3A_156, %sign3A_159 : i32
    %sign3A_161 = arith.constant 0 : i32
    %sign3A_162 = arith.cmpi sgt, %jit3A, %sign3A_161 : i32
    %sign3A_163 = arith.extui %sign3A_162 : i1 to i32
    %sign3A_164 = arith.constant 0 : i32
    %sign3A_165 = arith.cmpi slt, %jit3A, %sign3A_164 : i32
    %sign3A_166 = arith.extui %sign3A_165 : i1 to i32
    %sign3A_167 = arith.subi %sign3A_163, %sign3A_166 : i32
    %ne3A = arith.cmpi ne, %sign3A_160, %sign3A_167 : i32
    %rem3A = arith.remsi %add3A_154, %jit3A : i32
    %ne3A_168 = arith.constant 0 : i32
    %ne3A_169 = arith.cmpi ne, %rem3A, %ne3A_168 : i32
    %and3A_170 = arith.andi %ne3A, %ne3A_169 : i1
    %sub3A = arith.constant 1 : i32
    %sub3A_171 = arith.subi %div3A, %sub3A : i32
    %select_n3A = arith.select %and3A_170, %sub3A_171, %div3A : i32
    %jit3A_172 = arith.constant 16384 : i32
    %eq3A = arith.constant 0 : i32
    %eq3A_173 = arith.cmpi eq, %jit3A_172, %eq3A : i32
    %jit3A_174 = arith.constant 1 : i32
    %select_n3A_175 = arith.select %eq3A_173, %jit3A_174, %jit3A_172 : i32
    %rem3A_176 = arith.remsi %add3A_154, %select_n3A_175 : i32
    %ne3A_177 = arith.constant 0 : i32
    %ne3A_178 = arith.cmpi ne, %rem3A_176, %ne3A_177 : i32
    %lt3A = arith.constant 0 : i32
    %lt3A_179 = arith.cmpi slt, %rem3A_176, %lt3A : i32
    %lt3A_180 = arith.constant 0 : i32
    %lt3A_181 = arith.cmpi slt, %select_n3A_175, %lt3A_180 : i32
    %ne3A_182 = arith.xori %lt3A_179, %lt3A_181 : i1
    %and3A_183 = arith.andi %ne3A_182, %ne3A_178 : i1
    %add3A_184 = arith.addi %rem3A_176, %select_n3A_175 : i32
    %select_n3A_185 = arith.select %and3A_183, %add3A_184, %rem3A_176 : i32
    %jit3A_186 = arith.constant 128 : i32
    %div3A_187 = arith.divsi %select_n3A_185, %jit3A_186 : i32
    %sign3A_188 = arith.constant 0 : i32
    %sign3A_189 = arith.cmpi sgt, %select_n3A_185, %sign3A_188 : i32
    %sign3A_190 = arith.extui %sign3A_189 : i1 to i32
    %sign3A_191 = arith.constant 0 : i32
    %sign3A_192 = arith.cmpi slt, %select_n3A_185, %sign3A_191 : i32
    %sign3A_193 = arith.extui %sign3A_192 : i1 to i32
    %sign3A_194 = arith.subi %sign3A_190, %sign3A_193 : i32
    %sign3A_195 = arith.constant 0 : i32
    %sign3A_196 = arith.cmpi sgt, %jit3A_186, %sign3A_195 : i32
    %sign3A_197 = arith.extui %sign3A_196 : i1 to i32
    %sign3A_198 = arith.constant 0 : i32
    %sign3A_199 = arith.cmpi slt, %jit3A_186, %sign3A_198 : i32
    %sign3A_200 = arith.extui %sign3A_199 : i1 to i32
    %sign3A_201 = arith.subi %sign3A_197, %sign3A_200 : i32
    %ne3A_202 = arith.cmpi ne, %sign3A_194, %sign3A_201 : i32
    %rem3A_203 = arith.remsi %select_n3A_185, %jit3A_186 : i32
    %ne3A_204 = arith.constant 0 : i32
    %ne3A_205 = arith.cmpi ne, %rem3A_203, %ne3A_204 : i32
    %and3A_206 = arith.andi %ne3A_202, %ne3A_205 : i1
    %sub3A_207 = arith.constant 1 : i32
    %sub3A_208 = arith.subi %div3A_187, %sub3A_207 : i32
    %select_n3A_209 = arith.select %and3A_206, %sub3A_208, %div3A_187 : i32
    %jit3A_210 = arith.constant 8 : i32
    %div3A_211 = arith.divsi %select_n3A, %jit3A_210 : i32
    %sign3A_212 = arith.constant 0 : i32
    %sign3A_213 = arith.cmpi sgt, %select_n3A, %sign3A_212 : i32
    %sign3A_214 = arith.extui %sign3A_213 : i1 to i32
    %sign3A_215 = arith.constant 0 : i32
    %sign3A_216 = arith.cmpi slt, %select_n3A, %sign3A_215 : i32
    %sign3A_217 = arith.extui %sign3A_216 : i1 to i32
    %sign3A_218 = arith.subi %sign3A_214, %sign3A_217 : i32
    %sign3A_219 = arith.constant 0 : i32
    %sign3A_220 = arith.cmpi sgt, %jit3A_210, %sign3A_219 : i32
    %sign3A_221 = arith.extui %sign3A_220 : i1 to i32
    %sign3A_222 = arith.constant 0 : i32
    %sign3A_223 = arith.cmpi slt, %jit3A_210, %sign3A_222 : i32
    %sign3A_224 = arith.extui %sign3A_223 : i1 to i32
    %sign3A_225 = arith.subi %sign3A_221, %sign3A_224 : i32
    %ne3A_226 = arith.cmpi ne, %sign3A_218, %sign3A_225 : i32
    %rem3A_227 = arith.remsi %select_n3A, %jit3A_210 : i32
    %ne3A_228 = arith.constant 0 : i32
    %ne3A_229 = arith.cmpi ne, %rem3A_227, %ne3A_228 : i32
    %and3A_230 = arith.andi %ne3A_226, %ne3A_229 : i1
    %sub3A_231 = arith.constant 1 : i32
    %sub3A_232 = arith.subi %div3A_211, %sub3A_231 : i32
    %select_n3A_233 = arith.select %and3A_230, %sub3A_232, %div3A_211 : i32
    %add3A_234 = arith.constant 0 : i32
    %add3A_235 = arith.addi %select_n3A_209, %add3A_234 : i32
    %jit3A_236 = arith.constant 8 : i32
    %eq3A_237 = arith.constant 0 : i32
    %eq3A_238 = arith.cmpi eq, %jit3A_236, %eq3A_237 : i32
    %jit3A_239 = arith.constant 1 : i32
    %select_n3A_240 = arith.select %eq3A_238, %jit3A_239, %jit3A_236 : i32
    %rem3A_241 = arith.remsi %select_n3A, %select_n3A_240 : i32
    %ne3A_242 = arith.constant 0 : i32
    %ne3A_243 = arith.cmpi ne, %rem3A_241, %ne3A_242 : i32
    %lt3A_244 = arith.constant 0 : i32
    %lt3A_245 = arith.cmpi slt, %rem3A_241, %lt3A_244 : i32
    %lt3A_246 = arith.constant 0 : i32
    %lt3A_247 = arith.cmpi slt, %select_n3A_240, %lt3A_246 : i32
    %ne3A_248 = arith.xori %lt3A_245, %lt3A_247 : i1
    %and3A_249 = arith.andi %ne3A_248, %ne3A_243 : i1
    %add3A_250 = arith.addi %rem3A_241, %select_n3A_240 : i32
    %select_n3A_251 = arith.select %and3A_249, %add3A_250, %rem3A_241 : i32
    %dma_start3A = arith.constant 0 : i32
    %dma_start3A_252 = tpu.memref_slice %arg5[%dma_start3A] : memref<256xi32, #tpu.memory_space<vmem>> -> memref<128xi32, #tpu.memory_space<vmem>>
    %dma_start3A_253 = arith.constant 0 : i32
    %dma_start3A_254 = tpu.memref_slice %arg2[%select_n3A_233, %add3A_235, %select_n3A_251, %dma_start3A_253] : memref<25x128x8x128xi32, #tpu.memory_space<hbm>> -> memref<1x1x1x128xi32, #tpu.memory_space<hbm>>
    %dma_start3A_255 = tpu.memref_squeeze %dma_start3A_254 : memref<1x1x1x128xi32, #tpu.memory_space<hbm>> -> memref<128xi32, #tpu.memory_space<hbm>>
    %dma_start3A_256 = arith.constant 0 : i32
    %dma_start3A_257 = tpu.memref_slice %arg5[%dma_start3A_256] : memref<256xi32, #tpu.memory_space<vmem>> -> memref<128xi32, #tpu.memory_space<vmem>>
    %dma_start3A_258 = arith.constant 0 : i32
    %dma_start3A_259 = tpu.memref_slice %arg2[%select_n3A_233, %add3A_235, %select_n3A_251, %dma_start3A_258] : memref<25x128x8x128xi32, #tpu.memory_space<hbm>> -> memref<1x1x1x128xi32, #tpu.memory_space<hbm>>
    %dma_start3A_260 = tpu.memref_squeeze %dma_start3A_259 : memref<1x1x1x128xi32, #tpu.memory_space<hbm>> -> memref<128xi32, #tpu.memory_space<hbm>>
    tpu.enqueue_dma source(%dma_start3A_260 : memref<128xi32, #tpu.memory_space<hbm>>) target(%dma_start3A_257 : memref<128xi32, #tpu.memory_space<vmem>>) target_semaphore(%arg11 : memref<!tpu.dma_semaphore, #tpu.memory_space<semaphore_mem>>)
    %jit3A_261 = arith.constant 8 : i32
    %div3A_262 = arith.divsi %select_n3A, %jit3A_261 : i32
    %sign3A_263 = arith.constant 0 : i32
    %sign3A_264 = arith.cmpi sgt, %select_n3A, %sign3A_263 : i32
    %sign3A_265 = arith.extui %sign3A_264 : i1 to i32
    %sign3A_266 = arith.constant 0 : i32
    %sign3A_267 = arith.cmpi slt, %select_n3A, %sign3A_266 : i32
    %sign3A_268 = arith.extui %sign3A_267 : i1 to i32
    %sign3A_269 = arith.subi %sign3A_265, %sign3A_268 : i32
    %sign3A_270 = arith.constant 0 : i32
    %sign3A_271 = arith.cmpi sgt, %jit3A_261, %sign3A_270 : i32
    %sign3A_272 = arith.extui %sign3A_271 : i1 to i32
    %sign3A_273 = arith.constant 0 : i32
    %sign3A_274 = arith.cmpi slt, %jit3A_261, %sign3A_273 : i32
    %sign3A_275 = arith.extui %sign3A_274 : i1 to i32
    %sign3A_276 = arith.subi %sign3A_272, %sign3A_275 : i32
    %ne3A_277 = arith.cmpi ne, %sign3A_269, %sign3A_276 : i32
    %rem3A_278 = arith.remsi %select_n3A, %jit3A_261 : i32
    %ne3A_279 = arith.constant 0 : i32
    %ne3A_280 = arith.cmpi ne, %rem3A_278, %ne3A_279 : i32
    %and3A_281 = arith.andi %ne3A_277, %ne3A_280 : i1
    %sub3A_282 = arith.constant 1 : i32
    %sub3A_283 = arith.subi %div3A_262, %sub3A_282 : i32
    %select_n3A_284 = arith.select %and3A_281, %sub3A_283, %div3A_262 : i32
    %add3A_285 = arith.constant 1 : i32
    %add3A_286 = arith.addi %select_n3A_209, %add3A_285 : i32
    %jit3A_287 = arith.constant 8 : i32
    %eq3A_288 = arith.constant 0 : i32
    %eq3A_289 = arith.cmpi eq, %jit3A_287, %eq3A_288 : i32
    %jit3A_290 = arith.constant 1 : i32
    %select_n3A_291 = arith.select %eq3A_289, %jit3A_290, %jit3A_287 : i32
    %rem3A_292 = arith.remsi %select_n3A, %select_n3A_291 : i32
    %ne3A_293 = arith.constant 0 : i32
    %ne3A_294 = arith.cmpi ne, %rem3A_292, %ne3A_293 : i32
    %lt3A_295 = arith.constant 0 : i32
    %lt3A_296 = arith.cmpi slt, %rem3A_292, %lt3A_295 : i32
    %lt3A_297 = arith.constant 0 : i32
    %lt3A_298 = arith.cmpi slt, %select_n3A_291, %lt3A_297 : i32
    %ne3A_299 = arith.xori %lt3A_296, %lt3A_298 : i1
    %and3A_300 = arith.andi %ne3A_299, %ne3A_294 : i1
    %add3A_301 = arith.addi %rem3A_292, %select_n3A_291 : i32
    %select_n3A_302 = arith.select %and3A_300, %add3A_301, %rem3A_292 : i32
    %dma_start3A_303 = arith.constant 128 : i32
    %dma_start3A_304 = tpu.memref_slice %arg5[%dma_start3A_303] : memref<256xi32, #tpu.memory_space<vmem>> -> memref<128xi32, #tpu.memory_space<vmem>>
    %dma_start3A_305 = arith.constant 0 : i32
    %dma_start3A_306 = tpu.memref_slice %arg2[%select_n3A_284, %add3A_286, %select_n3A_302, %dma_start3A_305] : memref<25x128x8x128xi32, #tpu.memory_space<hbm>> -> memref<1x1x1x128xi32, #tpu.memory_space<hbm>>
    %dma_start3A_307 = tpu.memref_squeeze %dma_start3A_306 : memref<1x1x1x128xi32, #tpu.memory_space<hbm>> -> memref<128xi32, #tpu.memory_space<hbm>>
    %dma_start3A_308 = arith.constant 128 : i32
    %dma_start3A_309 = tpu.memref_slice %arg5[%dma_start3A_308] : memref<256xi32, #tpu.memory_space<vmem>> -> memref<128xi32, #tpu.memory_space<vmem>>
    %dma_start3A_310 = arith.constant 0 : i32
    %dma_start3A_311 = tpu.memref_slice %arg2[%select_n3A_284, %add3A_286, %select_n3A_302, %dma_start3A_310] : memref<25x128x8x128xi32, #tpu.memory_space<hbm>> -> memref<1x1x1x128xi32, #tpu.memory_space<hbm>>
    %dma_start3A_312 = tpu.memref_squeeze %dma_start3A_311 : memref<1x1x1x128xi32, #tpu.memory_space<hbm>> -> memref<128xi32, #tpu.memory_space<hbm>>
    tpu.enqueue_dma source(%dma_start3A_312 : memref<128xi32, #tpu.memory_space<hbm>>) target(%dma_start3A_309 : memref<128xi32, #tpu.memory_space<vmem>>) target_semaphore(%arg11 : memref<!tpu.dma_semaphore, #tpu.memory_space<semaphore_mem>>)
    %add3A_313 = arith.constant 256 : i32
    %add3A_314 = arith.addi %mul3A_2, %add3A_313 : i32
    %jit3A_315 = arith.constant 16384 : i32
    %div3A_316 = arith.divsi %add3A_314, %jit3A_315 : i32
    %sign3A_317 = arith.constant 0 : i32
    %sign3A_318 = arith.cmpi sgt, %add3A_314, %sign3A_317 : i32
    %sign3A_319 = arith.extui %sign3A_318 : i1 to i32
    %sign3A_320 = arith.constant 0 : i32
    %sign3A_321 = arith.cmpi slt, %add3A_314, %sign3A_320 : i32
    %sign3A_322 = arith.extui %sign3A_321 : i1 to i32
    %sign3A_323 = arith.subi %sign3A_319, %sign3A_322 : i32
    %sign3A_324 = arith.constant 0 : i32
    %sign3A_325 = arith.cmpi sgt, %jit3A_315, %sign3A_324 : i32
    %sign3A_326 = arith.extui %sign3A_325 : i1 to i32
    %sign3A_327 = arith.constant 0 : i32
    %sign3A_328 = arith.cmpi slt, %jit3A_315, %sign3A_327 : i32
    %sign3A_329 = arith.extui %sign3A_328 : i1 to i32
    %sign3A_330 = arith.subi %sign3A_326, %sign3A_329 : i32
    %ne3A_331 = arith.cmpi ne, %sign3A_323, %sign3A_330 : i32
    %rem3A_332 = arith.remsi %add3A_314, %jit3A_315 : i32
    %ne3A_333 = arith.constant 0 : i32
    %ne3A_334 = arith.cmpi ne, %rem3A_332, %ne3A_333 : i32
    %and3A_335 = arith.andi %ne3A_331, %ne3A_334 : i1
    %sub3A_336 = arith.constant 1 : i32
    %sub3A_337 = arith.subi %div3A_316, %sub3A_336 : i32
    %select_n3A_338 = arith.select %and3A_335, %sub3A_337, %div3A_316 : i32
    %jit3A_339 = arith.constant 16384 : i32
    %eq3A_340 = arith.constant 0 : i32
    %eq3A_341 = arith.cmpi eq, %jit3A_339, %eq3A_340 : i32
    %jit3A_342 = arith.constant 1 : i32
    %select_n3A_343 = arith.select %eq3A_341, %jit3A_342, %jit3A_339 : i32
    %rem3A_344 = arith.remsi %add3A_314, %select_n3A_343 : i32
    %ne3A_345 = arith.constant 0 : i32
    %ne3A_346 = arith.cmpi ne, %rem3A_344, %ne3A_345 : i32
    %lt3A_347 = arith.constant 0 : i32
    %lt3A_348 = arith.cmpi slt, %rem3A_344, %lt3A_347 : i32
    %lt3A_349 = arith.constant 0 : i32
    %lt3A_350 = arith.cmpi slt, %select_n3A_343, %lt3A_349 : i32
    %ne3A_351 = arith.xori %lt3A_348, %lt3A_350 : i1
    %and3A_352 = arith.andi %ne3A_351, %ne3A_346 : i1
    %add3A_353 = arith.addi %rem3A_344, %select_n3A_343 : i32
    %select_n3A_354 = arith.select %and3A_352, %add3A_353, %rem3A_344 : i32
    %jit3A_355 = arith.constant 128 : i32
    %div3A_356 = arith.divsi %select_n3A_354, %jit3A_355 : i32
    %sign3A_357 = arith.constant 0 : i32
    %sign3A_358 = arith.cmpi sgt, %select_n3A_354, %sign3A_357 : i32
    %sign3A_359 = arith.extui %sign3A_358 : i1 to i32
    %sign3A_360 = arith.constant 0 : i32
    %sign3A_361 = arith.cmpi slt, %select_n3A_354, %sign3A_360 : i32
    %sign3A_362 = arith.extui %sign3A_361 : i1 to i32
    %sign3A_363 = arith.subi %sign3A_359, %sign3A_362 : i32
    %sign3A_364 = arith.constant 0 : i32
    %sign3A_365 = arith.cmpi sgt, %jit3A_355, %sign3A_364 : i32
    %sign3A_366 = arith.extui %sign3A_365 : i1 to i32
    %sign3A_367 = arith.constant 0 : i32
    %sign3A_368 = arith.cmpi slt, %jit3A_355, %sign3A_367 : i32
    %sign3A_369 = arith.extui %sign3A_368 : i1 to i32
    %sign3A_370 = arith.subi %sign3A_366, %sign3A_369 : i32
    %ne3A_371 = arith.cmpi ne, %sign3A_363, %sign3A_370 : i32
    %rem3A_372 = arith.remsi %select_n3A_354, %jit3A_355 : i32
    %ne3A_373 = arith.constant 0 : i32
    %ne3A_374 = arith.cmpi ne, %rem3A_372, %ne3A_373 : i32
    %and3A_375 = arith.andi %ne3A_371, %ne3A_374 : i1
    %sub3A_376 = arith.constant 1 : i32
    %sub3A_377 = arith.subi %div3A_356, %sub3A_376 : i32
    %select_n3A_378 = arith.select %and3A_375, %sub3A_377, %div3A_356 : i32
    %jit3A_379 = arith.constant 8 : i32
    %div3A_380 = arith.divsi %select_n3A_338, %jit3A_379 : i32
    %sign3A_381 = arith.constant 0 : i32
    %sign3A_382 = arith.cmpi sgt, %select_n3A_338, %sign3A_381 : i32
    %sign3A_383 = arith.extui %sign3A_382 : i1 to i32
    %sign3A_384 = arith.constant 0 : i32
    %sign3A_385 = arith.cmpi slt, %select_n3A_338, %sign3A_384 : i32
    %sign3A_386 = arith.extui %sign3A_385 : i1 to i32
    %sign3A_387 = arith.subi %sign3A_383, %sign3A_386 : i32
    %sign3A_388 = arith.constant 0 : i32
    %sign3A_389 = arith.cmpi sgt, %jit3A_379, %sign3A_388 : i32
    %sign3A_390 = arith.extui %sign3A_389 : i1 to i32
    %sign3A_391 = arith.constant 0 : i32
    %sign3A_392 = arith.cmpi slt, %jit3A_379, %sign3A_391 : i32
    %sign3A_393 = arith.extui %sign3A_392 : i1 to i32
    %sign3A_394 = arith.subi %sign3A_390, %sign3A_393 : i32
    %ne3A_395 = arith.cmpi ne, %sign3A_387, %sign3A_394 : i32
    %rem3A_396 = arith.remsi %select_n3A_338, %jit3A_379 : i32
    %ne3A_397 = arith.constant 0 : i32
    %ne3A_398 = arith.cmpi ne, %rem3A_396, %ne3A_397 : i32
    %and3A_399 = arith.andi %ne3A_395, %ne3A_398 : i1
    %sub3A_400 = arith.constant 1 : i32
    %sub3A_401 = arith.subi %div3A_380, %sub3A_400 : i32
    %select_n3A_402 = arith.select %and3A_399, %sub3A_401, %div3A_380 : i32
    %add3A_403 = arith.constant 0 : i32
    %add3A_404 = arith.addi %select_n3A_378, %add3A_403 : i32
    %jit3A_405 = arith.constant 8 : i32
    %eq3A_406 = arith.constant 0 : i32
    %eq3A_407 = arith.cmpi eq, %jit3A_405, %eq3A_406 : i32
    %jit3A_408 = arith.constant 1 : i32
    %select_n3A_409 = arith.select %eq3A_407, %jit3A_408, %jit3A_405 : i32
    %rem3A_410 = arith.remsi %select_n3A_338, %select_n3A_409 : i32
    %ne3A_411 = arith.constant 0 : i32
    %ne3A_412 = arith.cmpi ne, %rem3A_410, %ne3A_411 : i32
    %lt3A_413 = arith.constant 0 : i32
    %lt3A_414 = arith.cmpi slt, %rem3A_410, %lt3A_413 : i32
    %lt3A_415 = arith.constant 0 : i32
    %lt3A_416 = arith.cmpi slt, %select_n3A_409, %lt3A_415 : i32
    %ne3A_417 = arith.xori %lt3A_414, %lt3A_416 : i1
    %and3A_418 = arith.andi %ne3A_417, %ne3A_412 : i1
    %add3A_419 = arith.addi %rem3A_410, %select_n3A_409 : i32
    %select_n3A_420 = arith.select %and3A_418, %add3A_419, %rem3A_410 : i32
    %dma_start3A_421 = arith.constant 0 : i32
    %dma_start3A_422 = tpu.memref_slice %arg6[%dma_start3A_421] : memref<256xi32, #tpu.memory_space<vmem>> -> memref<128xi32, #tpu.memory_space<vmem>>
    %dma_start3A_423 = arith.constant 0 : i32
    %dma_start3A_424 = tpu.memref_slice %arg2[%select_n3A_402, %add3A_404, %select_n3A_420, %dma_start3A_423] : memref<25x128x8x128xi32, #tpu.memory_space<hbm>> -> memref<1x1x1x128xi32, #tpu.memory_space<hbm>>
    %dma_start3A_425 = tpu.memref_squeeze %dma_start3A_424 : memref<1x1x1x128xi32, #tpu.memory_space<hbm>> -> memref<128xi32, #tpu.memory_space<hbm>>
    %dma_start3A_426 = arith.constant 0 : i32
    %dma_start3A_427 = tpu.memref_slice %arg6[%dma_start3A_426] : memref<256xi32, #tpu.memory_space<vmem>> -> memref<128xi32, #tpu.memory_space<vmem>>
    %dma_start3A_428 = arith.constant 0 : i32
    %dma_start3A_429 = tpu.memref_slice %arg2[%select_n3A_402, %add3A_404, %select_n3A_420, %dma_start3A_428] : memref<25x128x8x128xi32, #tpu.memory_space<hbm>> -> memref<1x1x1x128xi32, #tpu.memory_space<hbm>>
    %dma_start3A_430 = tpu.memref_squeeze %dma_start3A_429 : memref<1x1x1x128xi32, #tpu.memory_space<hbm>> -> memref<128xi32, #tpu.memory_space<hbm>>
    tpu.enqueue_dma source(%dma_start3A_430 : memref<128xi32, #tpu.memory_space<hbm>>) target(%dma_start3A_427 : memref<128xi32, #tpu.memory_space<vmem>>) target_semaphore(%arg12 : memref<!tpu.dma_semaphore, #tpu.memory_space<semaphore_mem>>)
    %jit3A_431 = arith.constant 8 : i32
    %div3A_432 = arith.divsi %select_n3A_338, %jit3A_431 : i32
    %sign3A_433 = arith.constant 0 : i32
    %sign3A_434 = arith.cmpi sgt, %select_n3A_338, %sign3A_433 : i32
    %sign3A_435 = arith.extui %sign3A_434 : i1 to i32
    %sign3A_436 = arith.constant 0 : i32
    %sign3A_437 = arith.cmpi slt, %select_n3A_338, %sign3A_436 : i32
    %sign3A_438 = arith.extui %sign3A_437 : i1 to i32
    %sign3A_439 = arith.subi %sign3A_435, %sign3A_438 : i32
    %sign3A_440 = arith.constant 0 : i32
    %sign3A_441 = arith.cmpi sgt, %jit3A_431, %sign3A_440 : i32
    %sign3A_442 = arith.extui %sign3A_441 : i1 to i32
    %sign3A_443 = arith.constant 0 : i32
    %sign3A_444 = arith.cmpi slt, %jit3A_431, %sign3A_443 : i32
    %sign3A_445 = arith.extui %sign3A_444 : i1 to i32
    %sign3A_446 = arith.subi %sign3A_442, %sign3A_445 : i32
    %ne3A_447 = arith.cmpi ne, %sign3A_439, %sign3A_446 : i32
    %rem3A_448 = arith.remsi %select_n3A_338, %jit3A_431 : i32
    %ne3A_449 = arith.constant 0 : i32
    %ne3A_450 = arith.cmpi ne, %rem3A_448, %ne3A_449 : i32
    %and3A_451 = arith.andi %ne3A_447, %ne3A_450 : i1
    %sub3A_452 = arith.constant 1 : i32
    %sub3A_453 = arith.subi %div3A_432, %sub3A_452 : i32
    %select_n3A_454 = arith.select %and3A_451, %sub3A_453, %div3A_432 : i32
    %add3A_455 = arith.constant 1 : i32
    %add3A_456 = arith.addi %select_n3A_378, %add3A_455 : i32
    %jit3A_457 = arith.constant 8 : i32
    %eq3A_458 = arith.constant 0 : i32
    %eq3A_459 = arith.cmpi eq, %jit3A_457, %eq3A_458 : i32
    %jit3A_460 = arith.constant 1 : i32
    %select_n3A_461 = arith.select %eq3A_459, %jit3A_460, %jit3A_457 : i32
    %rem3A_462 = arith.remsi %select_n3A_338, %select_n3A_461 : i32
    %ne3A_463 = arith.constant 0 : i32
    %ne3A_464 = arith.cmpi ne, %rem3A_462, %ne3A_463 : i32
    %lt3A_465 = arith.constant 0 : i32
    %lt3A_466 = arith.cmpi slt, %rem3A_462, %lt3A_465 : i32
    %lt3A_467 = arith.constant 0 : i32
    %lt3A_468 = arith.cmpi slt, %select_n3A_461, %lt3A_467 : i32
    %ne3A_469 = arith.xori %lt3A_466, %lt3A_468 : i1
    %and3A_470 = arith.andi %ne3A_469, %ne3A_464 : i1
    %add3A_471 = arith.addi %rem3A_462, %select_n3A_461 : i32
    %select_n3A_472 = arith.select %and3A_470, %add3A_471, %rem3A_462 : i32
    %dma_start3A_473 = arith.constant 128 : i32
    %dma_start3A_474 = tpu.memref_slice %arg6[%dma_start3A_473] : memref<256xi32, #tpu.memory_space<vmem>> -> memref<128xi32, #tpu.memory_space<vmem>>
    %dma_start3A_475 = arith.constant 0 : i32
    %dma_start3A_476 = tpu.memref_slice %arg2[%select_n3A_454, %add3A_456, %select_n3A_472, %dma_start3A_475] : memref<25x128x8x128xi32, #tpu.memory_space<hbm>> -> memref<1x1x1x128xi32, #tpu.memory_space<hbm>>
    %dma_start3A_477 = tpu.memref_squeeze %dma_start3A_476 : memref<1x1x1x128xi32, #tpu.memory_space<hbm>> -> memref<128xi32, #tpu.memory_space<hbm>>
    %dma_start3A_478 = arith.constant 128 : i32
    %dma_start3A_479 = tpu.memref_slice %arg6[%dma_start3A_478] : memref<256xi32, #tpu.memory_space<vmem>> -> memref<128xi32, #tpu.memory_space<vmem>>
    %dma_start3A_480 = arith.constant 0 : i32
    %dma_start3A_481 = tpu.memref_slice %arg2[%select_n3A_454, %add3A_456, %select_n3A_472, %dma_start3A_480] : memref<25x128x8x128xi32, #tpu.memory_space<hbm>> -> memref<1x1x1x128xi32, #tpu.memory_space<hbm>>
    %dma_start3A_482 = tpu.memref_squeeze %dma_start3A_481 : memref<1x1x1x128xi32, #tpu.memory_space<hbm>> -> memref<128xi32, #tpu.memory_space<hbm>>
    tpu.enqueue_dma source(%dma_start3A_482 : memref<128xi32, #tpu.memory_space<hbm>>) target(%dma_start3A_479 : memref<128xi32, #tpu.memory_space<vmem>>) target_semaphore(%arg12 : memref<!tpu.dma_semaphore, #tpu.memory_space<semaphore_mem>>)
    %dma_wait3A = arith.constant 0 : i32
    %dma_wait3A_483 = arith.constant 0 : i32
    %dma_wait3A_484 = arith.constant 0 : i32
    %dma_wait3A_485 = arith.constant 0 : i32
    %dma_wait3A_486 = tpu.memref_slice %arg5[%dma_wait3A_485] : memref<256xi32, #tpu.memory_space<vmem>> -> memref<128xi32, #tpu.memory_space<vmem>>
    %dma_wait3A_487 = arith.constant 0 : i32
    %dma_wait3A_488 = tpu.memref_slice %arg2[%dma_wait3A, %dma_wait3A_483, %dma_wait3A_484, %dma_wait3A_487] : memref<25x128x8x128xi32, #tpu.memory_space<hbm>> -> memref<1x1x1x128xi32, #tpu.memory_space<hbm>>
    %dma_wait3A_489 = tpu.memref_squeeze %dma_wait3A_488 : memref<1x1x1x128xi32, #tpu.memory_space<hbm>> -> memref<128xi32, #tpu.memory_space<hbm>>
    %dma_wait3A_490 = arith.constant 0 : i32
    %dma_wait3A_491 = tpu.memref_slice %arg5[%dma_wait3A_490] : memref<256xi32, #tpu.memory_space<vmem>> -> memref<128xi32, #tpu.memory_space<vmem>>
    %dma_wait3A_492 = arith.constant 0 : i32
    %dma_wait3A_493 = tpu.memref_slice %arg2[%dma_wait3A, %dma_wait3A_483, %dma_wait3A_484, %dma_wait3A_492] : memref<25x128x8x128xi32, #tpu.memory_space<hbm>> -> memref<1x1x1x128xi32, #tpu.memory_space<hbm>>
    %dma_wait3A_494 = tpu.memref_squeeze %dma_wait3A_493 : memref<1x1x1x128xi32, #tpu.memory_space<hbm>> -> memref<128xi32, #tpu.memory_space<hbm>>
    tpu.wait_dma2 semaphore(%arg11 : memref<!tpu.dma_semaphore, #tpu.memory_space<semaphore_mem>>) src(%dma_wait3A_494 : memref<128xi32, #tpu.memory_space<hbm>>) dst(%dma_wait3A_491 : memref<128xi32, #tpu.memory_space<vmem>>)
    %dma_wait3A_495 = arith.constant 0 : i32
    %dma_wait3A_496 = arith.constant 0 : i32
    %dma_wait3A_497 = arith.constant 0 : i32
    %dma_wait3A_498 = arith.constant 0 : i32
    %dma_wait3A_499 = tpu.memref_slice %arg5[%dma_wait3A_498] : memref<256xi32, #tpu.memory_space<vmem>> -> memref<128xi32, #tpu.memory_space<vmem>>
    %dma_wait3A_500 = arith.constant 0 : i32
    %dma_wait3A_501 = tpu.memref_slice %arg2[%dma_wait3A_495, %dma_wait3A_496, %dma_wait3A_497, %dma_wait3A_500] : memref<25x128x8x128xi32, #tpu.memory_space<hbm>> -> memref<1x1x1x128xi32, #tpu.memory_space<hbm>>
    %dma_wait3A_502 = tpu.memref_squeeze %dma_wait3A_501 : memref<1x1x1x128xi32, #tpu.memory_space<hbm>> -> memref<128xi32, #tpu.memory_space<hbm>>
    %dma_wait3A_503 = arith.constant 0 : i32
    %dma_wait3A_504 = tpu.memref_slice %arg5[%dma_wait3A_503] : memref<256xi32, #tpu.memory_space<vmem>> -> memref<128xi32, #tpu.memory_space<vmem>>
    %dma_wait3A_505 = arith.constant 0 : i32
    %dma_wait3A_506 = tpu.memref_slice %arg2[%dma_wait3A_495, %dma_wait3A_496, %dma_wait3A_497, %dma_wait3A_505] : memref<25x128x8x128xi32, #tpu.memory_space<hbm>> -> memref<1x1x1x128xi32, #tpu.memory_space<hbm>>
    %dma_wait3A_507 = tpu.memref_squeeze %dma_wait3A_506 : memref<1x1x1x128xi32, #tpu.memory_space<hbm>> -> memref<128xi32, #tpu.memory_space<hbm>>
    tpu.wait_dma2 semaphore(%arg11 : memref<!tpu.dma_semaphore, #tpu.memory_space<semaphore_mem>>) src(%dma_wait3A_507 : memref<128xi32, #tpu.memory_space<hbm>>) dst(%dma_wait3A_504 : memref<128xi32, #tpu.memory_space<vmem>>)
    %dma_start3A_508 = arith.constant 0 : i32
    %dma_start3A_509 = arith.constant 0 : i32
    %dma_start3A_510 = tpu.memref_slice %arg3[%dma_start3A_508, %dma_start3A_509] : memref<1000000x64xf32, #tpu.memory_space<hbm>> -> memref<1000000x64xf32, #tpu.memory_space<hbm>>
    tpu.enqueue_indirect_dma source(%dma_start3A_510 : memref<1000000x64xf32, #tpu.memory_space<hbm>>) target(%arg7 : memref<256x64xf32, #tpu.memory_space<vmem>>) offsets(%arg5 : memref<256xi32, #tpu.memory_space<vmem>>) semaphore(%arg13 : memref<!tpu.dma_semaphore, #tpu.memory_space<semaphore_mem>>)
    %scan3A = arith.constant 0 : i32
    %scan3A_511 = arith.constant 0 : i32
    %scan3A_512 = arith.constant 200 : i32
    %scan3A_513 = arith.addi %scan3A_511, %scan3A_512 : i32
    %scan3A_514 = arith.constant 1 : i32
    scf.for %scan3A_772 = %scan3A_511 to %scan3A_513 step %scan3A_514  : i32 {
      %mul3A_773 = arith.constant 2 : i32
      %mul3A_774 = arith.muli %mul3A_773, %scan3A_772 : i32
      %dma_wait3A_775 = arith.constant 0 : i32
      %dma_wait3A_776 = arith.constant 0 : i32
      %dma_wait3A_777 = tpu.memref_slice %arg3[%dma_wait3A_775, %dma_wait3A_776] : memref<1000000x64xf32, #tpu.memory_space<hbm>> -> memref<1000000x64xf32, #tpu.memory_space<hbm>>
      tpu.wait_indirect_dma semaphore(%arg13 : memref<!tpu.dma_semaphore, #tpu.memory_space<semaphore_mem>>) src(%dma_wait3A_777 : memref<1000000x64xf32, #tpu.memory_space<hbm>>) dst(%arg7 : memref<256x64xf32, #tpu.memory_space<vmem>>)
      %add3A_778 = arith.constant 1 : i32
      %add3A_779 = arith.addi %mul3A_774, %add3A_778 : i32
      %lt3A_780 = arith.constant 400 : i32
      %lt3A_781 = arith.cmpi slt, %add3A_779, %lt3A_780 : i32
      %convert_element_type3A = arith.extui %lt3A_781 : i1 to i32
      %cond3A = arith.constant 0 : i32
      %cond3A_782 = arith.cmpi ne, %convert_element_type3A, %cond3A : i32
      scf.if %cond3A_782 {
        %dma_wait3A_1199 = arith.constant 0 : i32
        %dma_wait3A_1200 = arith.constant 0 : i32
        %dma_wait3A_1201 = arith.constant 0 : i32
        %dma_wait3A_1202 = arith.constant 0 : i32
        %dma_wait3A_1203 = tpu.memref_slice %arg6[%dma_wait3A_1202] : memref<256xi32, #tpu.memory_space<vmem>> -> memref<128xi32, #tpu.memory_space<vmem>>
        %dma_wait3A_1204 = arith.constant 0 : i32
        %dma_wait3A_1205 = tpu.memref_slice %arg2[%dma_wait3A_1199, %dma_wait3A_1200, %dma_wait3A_1201, %dma_wait3A_1204] : memref<25x128x8x128xi32, #tpu.memory_space<hbm>> -> memref<1x1x1x128xi32, #tpu.memory_space<hbm>>
        %dma_wait3A_1206 = tpu.memref_squeeze %dma_wait3A_1205 : memref<1x1x1x128xi32, #tpu.memory_space<hbm>> -> memref<128xi32, #tpu.memory_space<hbm>>
        %dma_wait3A_1207 = arith.constant 0 : i32
        %dma_wait3A_1208 = tpu.memref_slice %arg6[%dma_wait3A_1207] : memref<256xi32, #tpu.memory_space<vmem>> -> memref<128xi32, #tpu.memory_space<vmem>>
        %dma_wait3A_1209 = arith.constant 0 : i32
        %dma_wait3A_1210 = tpu.memref_slice %arg2[%dma_wait3A_1199, %dma_wait3A_1200, %dma_wait3A_1201, %dma_wait3A_1209] : memref<25x128x8x128xi32, #tpu.memory_space<hbm>> -> memref<1x1x1x128xi32, #tpu.memory_space<hbm>>
        %dma_wait3A_1211 = tpu.memref_squeeze %dma_wait3A_1210 : memref<1x1x1x128xi32, #tpu.memory_space<hbm>> -> memref<128xi32, #tpu.memory_space<hbm>>
        tpu.wait_dma2 semaphore(%arg12 : memref<!tpu.dma_semaphore, #tpu.memory_space<semaphore_mem>>) src(%dma_wait3A_1211 : memref<128xi32, #tpu.memory_space<hbm>>) dst(%dma_wait3A_1208 : memref<128xi32, #tpu.memory_space<vmem>>)
        %dma_wait3A_1212 = arith.constant 0 : i32
        %dma_wait3A_1213 = arith.constant 0 : i32
        %dma_wait3A_1214 = arith.constant 0 : i32
        %dma_wait3A_1215 = arith.constant 0 : i32
        %dma_wait3A_1216 = tpu.memref_slice %arg6[%dma_wait3A_1215] : memref<256xi32, #tpu.memory_space<vmem>> -> memref<128xi32, #tpu.memory_space<vmem>>
        %dma_wait3A_1217 = arith.constant 0 : i32
        %dma_wait3A_1218 = tpu.memref_slice %arg2[%dma_wait3A_1212, %dma_wait3A_1213, %dma_wait3A_1214, %dma_wait3A_1217] : memref<25x128x8x128xi32, #tpu.memory_space<hbm>> -> memref<1x1x1x128xi32, #tpu.memory_space<hbm>>
        %dma_wait3A_1219 = tpu.memref_squeeze %dma_wait3A_1218 : memref<1x1x1x128xi32, #tpu.memory_space<hbm>> -> memref<128xi32, #tpu.memory_space<hbm>>
        %dma_wait3A_1220 = arith.constant 0 : i32
        %dma_wait3A_1221 = tpu.memref_slice %arg6[%dma_wait3A_1220] : memref<256xi32, #tpu.memory_space<vmem>> -> memref<128xi32, #tpu.memory_space<vmem>>
        %dma_wait3A_1222 = arith.constant 0 : i32
        %dma_wait3A_1223 = tpu.memref_slice %arg2[%dma_wait3A_1212, %dma_wait3A_1213, %dma_wait3A_1214, %dma_wait3A_1222] : memref<25x128x8x128xi32, #tpu.memory_space<hbm>> -> memref<1x1x1x128xi32, #tpu.memory_space<hbm>>
        %dma_wait3A_1224 = tpu.memref_squeeze %dma_wait3A_1223 : memref<1x1x1x128xi32, #tpu.memory_space<hbm>> -> memref<128xi32, #tpu.memory_space<hbm>>
        tpu.wait_dma2 semaphore(%arg12 : memref<!tpu.dma_semaphore, #tpu.memory_space<semaphore_mem>>) src(%dma_wait3A_1224 : memref<128xi32, #tpu.memory_space<hbm>>) dst(%dma_wait3A_1221 : memref<128xi32, #tpu.memory_space<vmem>>)
        %dma_start3A_1225 = arith.constant 0 : i32
        %dma_start3A_1226 = arith.constant 0 : i32
        %dma_start3A_1227 = tpu.memref_slice %arg3[%dma_start3A_1225, %dma_start3A_1226] : memref<1000000x64xf32, #tpu.memory_space<hbm>> -> memref<1000000x64xf32, #tpu.memory_space<hbm>>
        tpu.enqueue_indirect_dma source(%dma_start3A_1227 : memref<1000000x64xf32, #tpu.memory_space<hbm>>) target(%arg8 : memref<256x64xf32, #tpu.memory_space<vmem>>) offsets(%arg6 : memref<256xi32, #tpu.memory_space<vmem>>) semaphore(%arg13 : memref<!tpu.dma_semaphore, #tpu.memory_space<semaphore_mem>>)
      } else {
      }
      %add3A_783 = arith.constant 2 : i32
      %add3A_784 = arith.addi %mul3A_774, %add3A_783 : i32
      %lt3A_785 = arith.constant 400 : i32
      %lt3A_786 = arith.cmpi slt, %add3A_784, %lt3A_785 : i32
      %convert_element_type3A_787 = arith.extui %lt3A_786 : i1 to i32
      %cond3A_788 = arith.constant 0 : i32
      %cond3A_789 = arith.cmpi ne, %convert_element_type3A_787, %cond3A_788 : i32
      scf.if %cond3A_789 {
        %add3A_1199 = arith.constant 2 : i32
        %add3A_1200 = arith.addi %mul3A_774, %add3A_1199 : i32
        %mul3A_1201 = arith.constant 256 : i32
        %mul3A_1202 = arith.muli %add3A_1200, %mul3A_1201 : i32
        %add3A_1203 = arith.addi %mul3A_2, %mul3A_1202 : i32
        %jit3A_1204 = arith.constant 16384 : i32
        %div3A_1205 = arith.divsi %add3A_1203, %jit3A_1204 : i32
        %sign3A_1206 = arith.constant 0 : i32
        %sign3A_1207 = arith.cmpi sgt, %add3A_1203, %sign3A_1206 : i32
        %sign3A_1208 = arith.extui %sign3A_1207 : i1 to i32
        %sign3A_1209 = arith.constant 0 : i32
        %sign3A_1210 = arith.cmpi slt, %add3A_1203, %sign3A_1209 : i32
        %sign3A_1211 = arith.extui %sign3A_1210 : i1 to i32
        %sign3A_1212 = arith.subi %sign3A_1208, %sign3A_1211 : i32
        %sign3A_1213 = arith.constant 0 : i32
        %sign3A_1214 = arith.cmpi sgt, %jit3A_1204, %sign3A_1213 : i32
        %sign3A_1215 = arith.extui %sign3A_1214 : i1 to i32
        %sign3A_1216 = arith.constant 0 : i32
        %sign3A_1217 = arith.cmpi slt, %jit3A_1204, %sign3A_1216 : i32
        %sign3A_1218 = arith.extui %sign3A_1217 : i1 to i32
        %sign3A_1219 = arith.subi %sign3A_1215, %sign3A_1218 : i32
        %ne3A_1220 = arith.cmpi ne, %sign3A_1212, %sign3A_1219 : i32
        %rem3A_1221 = arith.remsi %add3A_1203, %jit3A_1204 : i32
        %ne3A_1222 = arith.constant 0 : i32
        %ne3A_1223 = arith.cmpi ne, %rem3A_1221, %ne3A_1222 : i32
        %and3A_1224 = arith.andi %ne3A_1220, %ne3A_1223 : i1
        %sub3A_1225 = arith.constant 1 : i32
        %sub3A_1226 = arith.subi %div3A_1205, %sub3A_1225 : i32
        %select_n3A_1227 = arith.select %and3A_1224, %sub3A_1226, %div3A_1205 : i32
        %jit3A_1228 = arith.constant 16384 : i32
        %eq3A_1229 = arith.constant 0 : i32
        %eq3A_1230 = arith.cmpi eq, %jit3A_1228, %eq3A_1229 : i32
        %jit3A_1231 = arith.constant 1 : i32
        %select_n3A_1232 = arith.select %eq3A_1230, %jit3A_1231, %jit3A_1228 : i32
        %rem3A_1233 = arith.remsi %add3A_1203, %select_n3A_1232 : i32
        %ne3A_1234 = arith.constant 0 : i32
        %ne3A_1235 = arith.cmpi ne, %rem3A_1233, %ne3A_1234 : i32
        %lt3A_1236 = arith.constant 0 : i32
        %lt3A_1237 = arith.cmpi slt, %rem3A_1233, %lt3A_1236 : i32
        %lt3A_1238 = arith.constant 0 : i32
        %lt3A_1239 = arith.cmpi slt, %select_n3A_1232, %lt3A_1238 : i32
        %ne3A_1240 = arith.xori %lt3A_1237, %lt3A_1239 : i1
        %and3A_1241 = arith.andi %ne3A_1240, %ne3A_1235 : i1
        %add3A_1242 = arith.addi %rem3A_1233, %select_n3A_1232 : i32
        %select_n3A_1243 = arith.select %and3A_1241, %add3A_1242, %rem3A_1233 : i32
        %jit3A_1244 = arith.constant 128 : i32
        %div3A_1245 = arith.divsi %select_n3A_1243, %jit3A_1244 : i32
        %sign3A_1246 = arith.constant 0 : i32
        %sign3A_1247 = arith.cmpi sgt, %select_n3A_1243, %sign3A_1246 : i32
        %sign3A_1248 = arith.extui %sign3A_1247 : i1 to i32
        %sign3A_1249 = arith.constant 0 : i32
        %sign3A_1250 = arith.cmpi slt, %select_n3A_1243, %sign3A_1249 : i32
        %sign3A_1251 = arith.extui %sign3A_1250 : i1 to i32
        %sign3A_1252 = arith.subi %sign3A_1248, %sign3A_1251 : i32
        %sign3A_1253 = arith.constant 0 : i32
        %sign3A_1254 = arith.cmpi sgt, %jit3A_1244, %sign3A_1253 : i32
        %sign3A_1255 = arith.extui %sign3A_1254 : i1 to i32
        %sign3A_1256 = arith.constant 0 : i32
        %sign3A_1257 = arith.cmpi slt, %jit3A_1244, %sign3A_1256 : i32
        %sign3A_1258 = arith.extui %sign3A_1257 : i1 to i32
        %sign3A_1259 = arith.subi %sign3A_1255, %sign3A_1258 : i32
        %ne3A_1260 = arith.cmpi ne, %sign3A_1252, %sign3A_1259 : i32
        %rem3A_1261 = arith.remsi %select_n3A_1243, %jit3A_1244 : i32
        %ne3A_1262 = arith.constant 0 : i32
        %ne3A_1263 = arith.cmpi ne, %rem3A_1261, %ne3A_1262 : i32
        %and3A_1264 = arith.andi %ne3A_1260, %ne3A_1263 : i1
        %sub3A_1265 = arith.constant 1 : i32
        %sub3A_1266 = arith.subi %div3A_1245, %sub3A_1265 : i32
        %select_n3A_1267 = arith.select %and3A_1264, %sub3A_1266, %div3A_1245 : i32
        %jit3A_1268 = arith.constant 8 : i32
        %div3A_1269 = arith.divsi %select_n3A_1227, %jit3A_1268 : i32
        %sign3A_1270 = arith.constant 0 : i32
        %sign3A_1271 = arith.cmpi sgt, %select_n3A_1227, %sign3A_1270 : i32
        %sign3A_1272 = arith.extui %sign3A_1271 : i1 to i32
        %sign3A_1273 = arith.constant 0 : i32
        %sign3A_1274 = arith.cmpi slt, %select_n3A_1227, %sign3A_1273 : i32
        %sign3A_1275 = arith.extui %sign3A_1274 : i1 to i32
        %sign3A_1276 = arith.subi %sign3A_1272, %sign3A_1275 : i32
        %sign3A_1277 = arith.constant 0 : i32
        %sign3A_1278 = arith.cmpi sgt, %jit3A_1268, %sign3A_1277 : i32
        %sign3A_1279 = arith.extui %sign3A_1278 : i1 to i32
        %sign3A_1280 = arith.constant 0 : i32
        %sign3A_1281 = arith.cmpi slt, %jit3A_1268, %sign3A_1280 : i32
        %sign3A_1282 = arith.extui %sign3A_1281 : i1 to i32
        %sign3A_1283 = arith.subi %sign3A_1279, %sign3A_1282 : i32
        %ne3A_1284 = arith.cmpi ne, %sign3A_1276, %sign3A_1283 : i32
        %rem3A_1285 = arith.remsi %select_n3A_1227, %jit3A_1268 : i32
        %ne3A_1286 = arith.constant 0 : i32
        %ne3A_1287 = arith.cmpi ne, %rem3A_1285, %ne3A_1286 : i32
        %and3A_1288 = arith.andi %ne3A_1284, %ne3A_1287 : i1
        %sub3A_1289 = arith.constant 1 : i32
        %sub3A_1290 = arith.subi %div3A_1269, %sub3A_1289 : i32
        %select_n3A_1291 = arith.select %and3A_1288, %sub3A_1290, %div3A_1269 : i32
        %add3A_1292 = arith.constant 0 : i32
        %add3A_1293 = arith.addi %select_n3A_1267, %add3A_1292 : i32
        %jit3A_1294 = arith.constant 8 : i32
        %eq3A_1295 = arith.constant 0 : i32
        %eq3A_1296 = arith.cmpi eq, %jit3A_1294, %eq3A_1295 : i32
        %jit3A_1297 = arith.constant 1 : i32
        %select_n3A_1298 = arith.select %eq3A_1296, %jit3A_1297, %jit3A_1294 : i32
        %rem3A_1299 = arith.remsi %select_n3A_1227, %select_n3A_1298 : i32
        %ne3A_1300 = arith.constant 0 : i32
        %ne3A_1301 = arith.cmpi ne, %rem3A_1299, %ne3A_1300 : i32
        %lt3A_1302 = arith.constant 0 : i32
        %lt3A_1303 = arith.cmpi slt, %rem3A_1299, %lt3A_1302 : i32
        %lt3A_1304 = arith.constant 0 : i32
        %lt3A_1305 = arith.cmpi slt, %select_n3A_1298, %lt3A_1304 : i32
        %ne3A_1306 = arith.xori %lt3A_1303, %lt3A_1305 : i1
        %and3A_1307 = arith.andi %ne3A_1306, %ne3A_1301 : i1
        %add3A_1308 = arith.addi %rem3A_1299, %select_n3A_1298 : i32
        %select_n3A_1309 = arith.select %and3A_1307, %add3A_1308, %rem3A_1299 : i32
        %dma_start3A_1310 = arith.constant 0 : i32
        %dma_start3A_1311 = tpu.memref_slice %arg5[%dma_start3A_1310] : memref<256xi32, #tpu.memory_space<vmem>> -> memref<128xi32, #tpu.memory_space<vmem>>
        %dma_start3A_1312 = arith.constant 0 : i32
        %dma_start3A_1313 = tpu.memref_slice %arg2[%select_n3A_1291, %add3A_1293, %select_n3A_1309, %dma_start3A_1312] : memref<25x128x8x128xi32, #tpu.memory_space<hbm>> -> memref<1x1x1x128xi32, #tpu.memory_space<hbm>>
        %dma_start3A_1314 = tpu.memref_squeeze %dma_start3A_1313 : memref<1x1x1x128xi32, #tpu.memory_space<hbm>> -> memref<128xi32, #tpu.memory_space<hbm>>
        %dma_start3A_1315 = arith.constant 0 : i32
        %dma_start3A_1316 = tpu.memref_slice %arg5[%dma_start3A_1315] : memref<256xi32, #tpu.memory_space<vmem>> -> memref<128xi32, #tpu.memory_space<vmem>>
        %dma_start3A_1317 = arith.constant 0 : i32
        %dma_start3A_1318 = tpu.memref_slice %arg2[%select_n3A_1291, %add3A_1293, %select_n3A_1309, %dma_start3A_1317] : memref<25x128x8x128xi32, #tpu.memory_space<hbm>> -> memref<1x1x1x128xi32, #tpu.memory_space<hbm>>
        %dma_start3A_1319 = tpu.memref_squeeze %dma_start3A_1318 : memref<1x1x1x128xi32, #tpu.memory_space<hbm>> -> memref<128xi32, #tpu.memory_space<hbm>>
        tpu.enqueue_dma source(%dma_start3A_1319 : memref<128xi32, #tpu.memory_space<hbm>>) target(%dma_start3A_1316 : memref<128xi32, #tpu.memory_space<vmem>>) target_semaphore(%arg11 : memref<!tpu.dma_semaphore, #tpu.memory_space<semaphore_mem>>)
        %jit3A_1320 = arith.constant 8 : i32
        %div3A_1321 = arith.divsi %select_n3A_1227, %jit3A_1320 : i32
        %sign3A_1322 = arith.constant 0 : i32
        %sign3A_1323 = arith.cmpi sgt, %select_n3A_1227, %sign3A_1322 : i32
        %sign3A_1324 = arith.extui %sign3A_1323 : i1 to i32
        %sign3A_1325 = arith.constant 0 : i32
        %sign3A_1326 = arith.cmpi slt, %select_n3A_1227, %sign3A_1325 : i32
        %sign3A_1327 = arith.extui %sign3A_1326 : i1 to i32
        %sign3A_1328 = arith.subi %sign3A_1324, %sign3A_1327 : i32
        %sign3A_1329 = arith.constant 0 : i32
        %sign3A_1330 = arith.cmpi sgt, %jit3A_1320, %sign3A_1329 : i32
        %sign3A_1331 = arith.extui %sign3A_1330 : i1 to i32
        %sign3A_1332 = arith.constant 0 : i32
        %sign3A_1333 = arith.cmpi slt, %jit3A_1320, %sign3A_1332 : i32
        %sign3A_1334 = arith.extui %sign3A_1333 : i1 to i32
        %sign3A_1335 = arith.subi %sign3A_1331, %sign3A_1334 : i32
        %ne3A_1336 = arith.cmpi ne, %sign3A_1328, %sign3A_1335 : i32
        %rem3A_1337 = arith.remsi %select_n3A_1227, %jit3A_1320 : i32
        %ne3A_1338 = arith.constant 0 : i32
        %ne3A_1339 = arith.cmpi ne, %rem3A_1337, %ne3A_1338 : i32
        %and3A_1340 = arith.andi %ne3A_1336, %ne3A_1339 : i1
        %sub3A_1341 = arith.constant 1 : i32
        %sub3A_1342 = arith.subi %div3A_1321, %sub3A_1341 : i32
        %select_n3A_1343 = arith.select %and3A_1340, %sub3A_1342, %div3A_1321 : i32
        %add3A_1344 = arith.constant 1 : i32
        %add3A_1345 = arith.addi %select_n3A_1267, %add3A_1344 : i32
        %jit3A_1346 = arith.constant 8 : i32
        %eq3A_1347 = arith.constant 0 : i32
        %eq3A_1348 = arith.cmpi eq, %jit3A_1346, %eq3A_1347 : i32
        %jit3A_1349 = arith.constant 1 : i32
        %select_n3A_1350 = arith.select %eq3A_1348, %jit3A_1349, %jit3A_1346 : i32
        %rem3A_1351 = arith.remsi %select_n3A_1227, %select_n3A_1350 : i32
        %ne3A_1352 = arith.constant 0 : i32
        %ne3A_1353 = arith.cmpi ne, %rem3A_1351, %ne3A_1352 : i32
        %lt3A_1354 = arith.constant 0 : i32
        %lt3A_1355 = arith.cmpi slt, %rem3A_1351, %lt3A_1354 : i32
        %lt3A_1356 = arith.constant 0 : i32
        %lt3A_1357 = arith.cmpi slt, %select_n3A_1350, %lt3A_1356 : i32
        %ne3A_1358 = arith.xori %lt3A_1355, %lt3A_1357 : i1
        %and3A_1359 = arith.andi %ne3A_1358, %ne3A_1353 : i1
        %add3A_1360 = arith.addi %rem3A_1351, %select_n3A_1350 : i32
        %select_n3A_1361 = arith.select %and3A_1359, %add3A_1360, %rem3A_1351 : i32
        %dma_start3A_1362 = arith.constant 128 : i32
        %dma_start3A_1363 = tpu.memref_slice %arg5[%dma_start3A_1362] : memref<256xi32, #tpu.memory_space<vmem>> -> memref<128xi32, #tpu.memory_space<vmem>>
        %dma_start3A_1364 = arith.constant 0 : i32
        %dma_start3A_1365 = tpu.memref_slice %arg2[%select_n3A_1343, %add3A_1345, %select_n3A_1361, %dma_start3A_1364] : memref<25x128x8x128xi32, #tpu.memory_space<hbm>> -> memref<1x1x1x128xi32, #tpu.memory_space<hbm>>
        %dma_start3A_1366 = tpu.memref_squeeze %dma_start3A_1365 : memref<1x1x1x128xi32, #tpu.memory_space<hbm>> -> memref<128xi32, #tpu.memory_space<hbm>>
        %dma_start3A_1367 = arith.constant 128 : i32
        %dma_start3A_1368 = tpu.memref_slice %arg5[%dma_start3A_1367] : memref<256xi32, #tpu.memory_space<vmem>> -> memref<128xi32, #tpu.memory_space<vmem>>
        %dma_start3A_1369 = arith.constant 0 : i32
        %dma_start3A_1370 = tpu.memref_slice %arg2[%select_n3A_1343, %add3A_1345, %select_n3A_1361, %dma_start3A_1369] : memref<25x128x8x128xi32, #tpu.memory_space<hbm>> -> memref<1x1x1x128xi32, #tpu.memory_space<hbm>>
        %dma_start3A_1371 = tpu.memref_squeeze %dma_start3A_1370 : memref<1x1x1x128xi32, #tpu.memory_space<hbm>> -> memref<128xi32, #tpu.memory_space<hbm>>
        tpu.enqueue_dma source(%dma_start3A_1371 : memref<128xi32, #tpu.memory_space<hbm>>) target(%dma_start3A_1368 : memref<128xi32, #tpu.memory_space<vmem>>) target_semaphore(%arg11 : memref<!tpu.dma_semaphore, #tpu.memory_space<semaphore_mem>>)
      } else {
      }
      %ge3A = arith.constant 2 : i32
      %ge3A_790 = arith.cmpi sge, %mul3A_774, %ge3A : i32
      %convert_element_type3A_791 = arith.extui %ge3A_790 : i1 to i32
      %cond3A_792 = arith.constant 0 : i32
      %cond3A_793 = arith.cmpi ne, %convert_element_type3A_791, %cond3A_792 : i32
      scf.if %cond3A_793 {
        %dma_wait3A_1199 = arith.constant 0 : i32
        %dma_wait3A_1200 = arith.constant 0 : i32
        %dma_wait3A_1201 = arith.constant 0 : i32
        %dma_wait3A_1202 = arith.constant 0 : i32
        %dma_wait3A_1203 = tpu.memref_slice %arg9[%dma_wait3A_1201, %dma_wait3A_1202] : memref<128x131xf32, #tpu.memory_space<vmem>> -> memref<16x128xf32, #tpu.memory_space<vmem>>
        %dma_wait3A_1204 = arith.constant 0 : i32
        %dma_wait3A_1205 = arith.constant 0 : i32
        %dma_wait3A_1206 = tpu.memref_slice %arg4[%dma_wait3A_1199, %dma_wait3A_1200, %dma_wait3A_1204, %dma_wait3A_1205] : memref<200x8x1024x128xf32, #tpu.memory_space<hbm>> -> memref<1x1x16x128xf32, #tpu.memory_space<hbm>>
        %dma_wait3A_1207 = tpu.memref_squeeze %dma_wait3A_1206 : memref<1x1x16x128xf32, #tpu.memory_space<hbm>> -> memref<16x128xf32, #tpu.memory_space<hbm>>
        %dma_wait3A_1208 = arith.constant 0 : i32
        %dma_wait3A_1209 = arith.constant 0 : i32
        %dma_wait3A_1210 = tpu.memref_slice %arg4[%dma_wait3A_1199, %dma_wait3A_1200, %dma_wait3A_1208, %dma_wait3A_1209] : memref<200x8x1024x128xf32, #tpu.memory_space<hbm>> -> memref<1x1x16x128xf32, #tpu.memory_space<hbm>>
        %dma_wait3A_1211 = tpu.memref_squeeze %dma_wait3A_1210 : memref<1x1x16x128xf32, #tpu.memory_space<hbm>> -> memref<16x128xf32, #tpu.memory_space<hbm>>
        %dma_wait3A_1212 = arith.constant 0 : i32
        %dma_wait3A_1213 = arith.constant 0 : i32
        %dma_wait3A_1214 = tpu.memref_slice %arg9[%dma_wait3A_1212, %dma_wait3A_1213] : memref<128x131xf32, #tpu.memory_space<vmem>> -> memref<16x128xf32, #tpu.memory_space<vmem>>
        tpu.wait_dma2 semaphore(%arg14 : memref<!tpu.dma_semaphore, #tpu.memory_space<semaphore_mem>>) src(%dma_wait3A_1214 : memref<16x128xf32, #tpu.memory_space<vmem>>) dst(%dma_wait3A_1211 : memref<16x128xf32, #tpu.memory_space<hbm>>)
        %dma_wait3A_1215 = arith.constant 0 : i32
        %dma_wait3A_1216 = arith.constant 0 : i32
        %dma_wait3A_1217 = arith.constant 0 : i32
        %dma_wait3A_1218 = arith.constant 0 : i32
        %dma_wait3A_1219 = tpu.memref_slice %arg9[%dma_wait3A_1217, %dma_wait3A_1218] : memref<128x131xf32, #tpu.memory_space<vmem>> -> memref<16x128xf32, #tpu.memory_space<vmem>>
        %dma_wait3A_1220 = arith.constant 0 : i32
        %dma_wait3A_1221 = arith.constant 0 : i32
        %dma_wait3A_1222 = tpu.memref_slice %arg4[%dma_wait3A_1215, %dma_wait3A_1216, %dma_wait3A_1220, %dma_wait3A_1221] : memref<200x8x1024x128xf32, #tpu.memory_space<hbm>> -> memref<1x1x16x128xf32, #tpu.memory_space<hbm>>
        %dma_wait3A_1223 = tpu.memref_squeeze %dma_wait3A_1222 : memref<1x1x16x128xf32, #tpu.memory_space<hbm>> -> memref<16x128xf32, #tpu.memory_space<hbm>>
        %dma_wait3A_1224 = arith.constant 0 : i32
        %dma_wait3A_1225 = arith.constant 0 : i32
        %dma_wait3A_1226 = tpu.memref_slice %arg4[%dma_wait3A_1215, %dma_wait3A_1216, %dma_wait3A_1224, %dma_wait3A_1225] : memref<200x8x1024x128xf32, #tpu.memory_space<hbm>> -> memref<1x1x16x128xf32, #tpu.memory_space<hbm>>
        %dma_wait3A_1227 = tpu.memref_squeeze %dma_wait3A_1226 : memref<1x1x16x128xf32, #tpu.memory_space<hbm>> -> memref<16x128xf32, #tpu.memory_space<hbm>>
        %dma_wait3A_1228 = arith.constant 0 : i32
        %dma_wait3A_1229 = arith.constant 0 : i32
        %dma_wait3A_1230 = tpu.memref_slice %arg9[%dma_wait3A_1228, %dma_wait3A_1229] : memref<128x131xf32, #tpu.memory_space<vmem>> -> memref<16x128xf32, #tpu.memory_space<vmem>>
        tpu.wait_dma2 semaphore(%arg14 : memref<!tpu.dma_semaphore, #tpu.memory_space<semaphore_mem>>) src(%dma_wait3A_1230 : memref<16x128xf32, #tpu.memory_space<vmem>>) dst(%dma_wait3A_1227 : memref<16x128xf32, #tpu.memory_space<hbm>>)
        %dma_wait3A_1231 = arith.constant 0 : i32
        %dma_wait3A_1232 = arith.constant 0 : i32
        %dma_wait3A_1233 = arith.constant 0 : i32
        %dma_wait3A_1234 = arith.constant 0 : i32
        %dma_wait3A_1235 = tpu.memref_slice %arg9[%dma_wait3A_1233, %dma_wait3A_1234] : memref<128x131xf32, #tpu.memory_space<vmem>> -> memref<16x128xf32, #tpu.memory_space<vmem>>
        %dma_wait3A_1236 = arith.constant 0 : i32
        %dma_wait3A_1237 = arith.constant 0 : i32
        %dma_wait3A_1238 = tpu.memref_slice %arg4[%dma_wait3A_1231, %dma_wait3A_1232, %dma_wait3A_1236, %dma_wait3A_1237] : memref<200x8x1024x128xf32, #tpu.memory_space<hbm>> -> memref<1x1x16x128xf32, #tpu.memory_space<hbm>>
        %dma_wait3A_1239 = tpu.memref_squeeze %dma_wait3A_1238 : memref<1x1x16x128xf32, #tpu.memory_space<hbm>> -> memref<16x128xf32, #tpu.memory_space<hbm>>
        %dma_wait3A_1240 = arith.constant 0 : i32
        %dma_wait3A_1241 = arith.constant 0 : i32
        %dma_wait3A_1242 = tpu.memref_slice %arg4[%dma_wait3A_1231, %dma_wait3A_1232, %dma_wait3A_1240, %dma_wait3A_1241] : memref<200x8x1024x128xf32, #tpu.memory_space<hbm>> -> memref<1x1x16x128xf32, #tpu.memory_space<hbm>>
        %dma_wait3A_1243 = tpu.memref_squeeze %dma_wait3A_1242 : memref<1x1x16x128xf32, #tpu.memory_space<hbm>> -> memref<16x128xf32, #tpu.memory_space<hbm>>
        %dma_wait3A_1244 = arith.constant 0 : i32
        %dma_wait3A_1245 = arith.constant 0 : i32
        %dma_wait3A_1246 = tpu.memref_slice %arg9[%dma_wait3A_1244, %dma_wait3A_1245] : memref<128x131xf32, #tpu.memory_space<vmem>> -> memref<16x128xf32, #tpu.memory_space<vmem>>
        tpu.wait_dma2 semaphore(%arg14 : memref<!tpu.dma_semaphore, #tpu.memory_space<semaphore_mem>>) src(%dma_wait3A_1246 : memref<16x128xf32, #tpu.memory_space<vmem>>) dst(%dma_wait3A_1243 : memref<16x128xf32, #tpu.memory_space<hbm>>)
        %dma_wait3A_1247 = arith.constant 0 : i32
        %dma_wait3A_1248 = arith.constant 0 : i32
        %dma_wait3A_1249 = arith.constant 0 : i32
        %dma_wait3A_1250 = arith.constant 0 : i32
        %dma_wait3A_1251 = tpu.memref_slice %arg9[%dma_wait3A_1249, %dma_wait3A_1250] : memref<128x131xf32, #tpu.memory_space<vmem>> -> memref<16x128xf32, #tpu.memory_space<vmem>>
        %dma_wait3A_1252 = arith.constant 0 : i32
        %dma_wait3A_1253 = arith.constant 0 : i32
        %dma_wait3A_1254 = tpu.memref_slice %arg4[%dma_wait3A_1247, %dma_wait3A_1248, %dma_wait3A_1252, %dma_wait3A_1253] : memref<200x8x1024x128xf32, #tpu.memory_space<hbm>> -> memref<1x1x16x128xf32, #tpu.memory_space<hbm>>
        %dma_wait3A_1255 = tpu.memref_squeeze %dma_wait3A_1254 : memref<1x1x16x128xf32, #tpu.memory_space<hbm>> -> memref<16x128xf32, #tpu.memory_space<hbm>>
        %dma_wait3A_1256 = arith.constant 0 : i32
        %dma_wait3A_1257 = arith.constant 0 : i32
        %dma_wait3A_1258 = tpu.memref_slice %arg4[%dma_wait3A_1247, %dma_wait3A_1248, %dma_wait3A_1256, %dma_wait3A_1257] : memref<200x8x1024x128xf32, #tpu.memory_space<hbm>> -> memref<1x1x16x128xf32, #tpu.memory_space<hbm>>
        %dma_wait3A_1259 = tpu.memref_squeeze %dma_wait3A_1258 : memref<1x1x16x128xf32, #tpu.memory_space<hbm>> -> memref<16x128xf32, #tpu.memory_space<hbm>>
        %dma_wait3A_1260 = arith.constant 0 : i32
        %dma_wait3A_1261 = arith.constant 0 : i32
        %dma_wait3A_1262 = tpu.memref_slice %arg9[%dma_wait3A_1260, %dma_wait3A_1261] : memref<128x131xf32, #tpu.memory_space<vmem>> -> memref<16x128xf32, #tpu.memory_space<vmem>>
        tpu.wait_dma2 semaphore(%arg14 : memref<!tpu.dma_semaphore, #tpu.memory_space<semaphore_mem>>) src(%dma_wait3A_1262 : memref<16x128xf32, #tpu.memory_space<vmem>>) dst(%dma_wait3A_1259 : memref<16x128xf32, #tpu.memory_space<hbm>>)
        %dma_wait3A_1263 = arith.constant 0 : i32
        %dma_wait3A_1264 = arith.constant 0 : i32
        %dma_wait3A_1265 = arith.constant 0 : i32
        %dma_wait3A_1266 = arith.constant 0 : i32
        %dma_wait3A_1267 = tpu.memref_slice %arg9[%dma_wait3A_1265, %dma_wait3A_1266] : memref<128x131xf32, #tpu.memory_space<vmem>> -> memref<16x128xf32, #tpu.memory_space<vmem>>
        %dma_wait3A_1268 = arith.constant 0 : i32
        %dma_wait3A_1269 = arith.constant 0 : i32
        %dma_wait3A_1270 = tpu.memref_slice %arg4[%dma_wait3A_1263, %dma_wait3A_1264, %dma_wait3A_1268, %dma_wait3A_1269] : memref<200x8x1024x128xf32, #tpu.memory_space<hbm>> -> memref<1x1x16x128xf32, #tpu.memory_space<hbm>>
        %dma_wait3A_1271 = tpu.memref_squeeze %dma_wait3A_1270 : memref<1x1x16x128xf32, #tpu.memory_space<hbm>> -> memref<16x128xf32, #tpu.memory_space<hbm>>
        %dma_wait3A_1272 = arith.constant 0 : i32
        %dma_wait3A_1273 = arith.constant 0 : i32
        %dma_wait3A_1274 = tpu.memref_slice %arg4[%dma_wait3A_1263, %dma_wait3A_1264, %dma_wait3A_1272, %dma_wait3A_1273] : memref<200x8x1024x128xf32, #tpu.memory_space<hbm>> -> memref<1x1x16x128xf32, #tpu.memory_space<hbm>>
        %dma_wait3A_1275 = tpu.memref_squeeze %dma_wait3A_1274 : memref<1x1x16x128xf32, #tpu.memory_space<hbm>> -> memref<16x128xf32, #tpu.memory_space<hbm>>
        %dma_wait3A_1276 = arith.constant 0 : i32
        %dma_wait3A_1277 = arith.constant 0 : i32
        %dma_wait3A_1278 = tpu.memref_slice %arg9[%dma_wait3A_1276, %dma_wait3A_1277] : memref<128x131xf32, #tpu.memory_space<vmem>> -> memref<16x128xf32, #tpu.memory_space<vmem>>
        tpu.wait_dma2 semaphore(%arg14 : memref<!tpu.dma_semaphore, #tpu.memory_space<semaphore_mem>>) src(%dma_wait3A_1278 : memref<16x128xf32, #tpu.memory_space<vmem>>) dst(%dma_wait3A_1275 : memref<16x128xf32, #tpu.memory_space<hbm>>)
        %dma_wait3A_1279 = arith.constant 0 : i32
        %dma_wait3A_1280 = arith.constant 0 : i32
        %dma_wait3A_1281 = arith.constant 0 : i32
        %dma_wait3A_1282 = arith.constant 0 : i32
        %dma_wait3A_1283 = tpu.memref_slice %arg9[%dma_wait3A_1281, %dma_wait3A_1282] : memref<128x131xf32, #tpu.memory_space<vmem>> -> memref<16x128xf32, #tpu.memory_space<vmem>>
        %dma_wait3A_1284 = arith.constant 0 : i32
        %dma_wait3A_1285 = arith.constant 0 : i32
        %dma_wait3A_1286 = tpu.memref_slice %arg4[%dma_wait3A_1279, %dma_wait3A_1280, %dma_wait3A_1284, %dma_wait3A_1285] : memref<200x8x1024x128xf32, #tpu.memory_space<hbm>> -> memref<1x1x16x128xf32, #tpu.memory_space<hbm>>
        %dma_wait3A_1287 = tpu.memref_squeeze %dma_wait3A_1286 : memref<1x1x16x128xf32, #tpu.memory_space<hbm>> -> memref<16x128xf32, #tpu.memory_space<hbm>>
        %dma_wait3A_1288 = arith.constant 0 : i32
        %dma_wait3A_1289 = arith.constant 0 : i32
        %dma_wait3A_1290 = tpu.memref_slice %arg4[%dma_wait3A_1279, %dma_wait3A_1280, %dma_wait3A_1288, %dma_wait3A_1289] : memref<200x8x1024x128xf32, #tpu.memory_space<hbm>> -> memref<1x1x16x128xf32, #tpu.memory_space<hbm>>
        %dma_wait3A_1291 = tpu.memref_squeeze %dma_wait3A_1290 : memref<1x1x16x128xf32, #tpu.memory_space<hbm>> -> memref<16x128xf32, #tpu.memory_space<hbm>>
        %dma_wait3A_1292 = arith.constant 0 : i32
        %dma_wait3A_1293 = arith.constant 0 : i32
        %dma_wait3A_1294 = tpu.memref_slice %arg9[%dma_wait3A_1292, %dma_wait3A_1293] : memref<128x131xf32, #tpu.memory_space<vmem>> -> memref<16x128xf32, #tpu.memory_space<vmem>>
        tpu.wait_dma2 semaphore(%arg14 : memref<!tpu.dma_semaphore, #tpu.memory_space<semaphore_mem>>) src(%dma_wait3A_1294 : memref<16x128xf32, #tpu.memory_space<vmem>>) dst(%dma_wait3A_1291 : memref<16x128xf32, #tpu.memory_space<hbm>>)
        %dma_wait3A_1295 = arith.constant 0 : i32
        %dma_wait3A_1296 = arith.constant 0 : i32
        %dma_wait3A_1297 = arith.constant 0 : i32
        %dma_wait3A_1298 = arith.constant 0 : i32
        %dma_wait3A_1299 = tpu.memref_slice %arg9[%dma_wait3A_1297, %dma_wait3A_1298] : memref<128x131xf32, #tpu.memory_space<vmem>> -> memref<16x128xf32, #tpu.memory_space<vmem>>
        %dma_wait3A_1300 = arith.constant 0 : i32
        %dma_wait3A_1301 = arith.constant 0 : i32
        %dma_wait3A_1302 = tpu.memref_slice %arg4[%dma_wait3A_1295, %dma_wait3A_1296, %dma_wait3A_1300, %dma_wait3A_1301] : memref<200x8x1024x128xf32, #tpu.memory_space<hbm>> -> memref<1x1x16x128xf32, #tpu.memory_space<hbm>>
        %dma_wait3A_1303 = tpu.memref_squeeze %dma_wait3A_1302 : memref<1x1x16x128xf32, #tpu.memory_space<hbm>> -> memref<16x128xf32, #tpu.memory_space<hbm>>
        %dma_wait3A_1304 = arith.constant 0 : i32
        %dma_wait3A_1305 = arith.constant 0 : i32
        %dma_wait3A_1306 = tpu.memref_slice %arg4[%dma_wait3A_1295, %dma_wait3A_1296, %dma_wait3A_1304, %dma_wait3A_1305] : memref<200x8x1024x128xf32, #tpu.memory_space<hbm>> -> memref<1x1x16x128xf32, #tpu.memory_space<hbm>>
        %dma_wait3A_1307 = tpu.memref_squeeze %dma_wait3A_1306 : memref<1x1x16x128xf32, #tpu.memory_space<hbm>> -> memref<16x128xf32, #tpu.memory_space<hbm>>
        %dma_wait3A_1308 = arith.constant 0 : i32
        %dma_wait3A_1309 = arith.constant 0 : i32
        %dma_wait3A_1310 = tpu.memref_slice %arg9[%dma_wait3A_1308, %dma_wait3A_1309] : memref<128x131xf32, #tpu.memory_space<vmem>> -> memref<16x128xf32, #tpu.memory_space<vmem>>
        tpu.wait_dma2 semaphore(%arg14 : memref<!tpu.dma_semaphore, #tpu.memory_space<semaphore_mem>>) src(%dma_wait3A_1310 : memref<16x128xf32, #tpu.memory_space<vmem>>) dst(%dma_wait3A_1307 : memref<16x128xf32, #tpu.memory_space<hbm>>)
        %dma_wait3A_1311 = arith.constant 0 : i32
        %dma_wait3A_1312 = arith.constant 0 : i32
        %dma_wait3A_1313 = arith.constant 0 : i32
        %dma_wait3A_1314 = arith.constant 0 : i32
        %dma_wait3A_1315 = tpu.memref_slice %arg9[%dma_wait3A_1313, %dma_wait3A_1314] : memref<128x131xf32, #tpu.memory_space<vmem>> -> memref<16x128xf32, #tpu.memory_space<vmem>>
        %dma_wait3A_1316 = arith.constant 0 : i32
        %dma_wait3A_1317 = arith.constant 0 : i32
        %dma_wait3A_1318 = tpu.memref_slice %arg4[%dma_wait3A_1311, %dma_wait3A_1312, %dma_wait3A_1316, %dma_wait3A_1317] : memref<200x8x1024x128xf32, #tpu.memory_space<hbm>> -> memref<1x1x16x128xf32, #tpu.memory_space<hbm>>
        %dma_wait3A_1319 = tpu.memref_squeeze %dma_wait3A_1318 : memref<1x1x16x128xf32, #tpu.memory_space<hbm>> -> memref<16x128xf32, #tpu.memory_space<hbm>>
        %dma_wait3A_1320 = arith.constant 0 : i32
        %dma_wait3A_1321 = arith.constant 0 : i32
        %dma_wait3A_1322 = tpu.memref_slice %arg4[%dma_wait3A_1311, %dma_wait3A_1312, %dma_wait3A_1320, %dma_wait3A_1321] : memref<200x8x1024x128xf32, #tpu.memory_space<hbm>> -> memref<1x1x16x128xf32, #tpu.memory_space<hbm>>
        %dma_wait3A_1323 = tpu.memref_squeeze %dma_wait3A_1322 : memref<1x1x16x128xf32, #tpu.memory_space<hbm>> -> memref<16x128xf32, #tpu.memory_space<hbm>>
        %dma_wait3A_1324 = arith.constant 0 : i32
        %dma_wait3A_1325 = arith.constant 0 : i32
        %dma_wait3A_1326 = tpu.memref_slice %arg9[%dma_wait3A_1324, %dma_wait3A_1325] : memref<128x131xf32, #tpu.memory_space<vmem>> -> memref<16x128xf32, #tpu.memory_space<vmem>>
        tpu.wait_dma2 semaphore(%arg14 : memref<!tpu.dma_semaphore, #tpu.memory_space<semaphore_mem>>) src(%dma_wait3A_1326 : memref<16x128xf32, #tpu.memory_space<vmem>>) dst(%dma_wait3A_1323 : memref<16x128xf32, #tpu.memory_space<hbm>>)
      } else {
      }
      %parallel_loop3A = arith.constant 0 : i32
      %parallel_loop3A_794 = arith.constant 128 : i32
      %parallel_loop3A_795 = arith.constant 1 : i32
      scf.for %parallel_loop3A_1199 = %parallel_loop3A to %parallel_loop3A_794 step %parallel_loop3A_795  : i32 {
        %parallel_loop3A_1200 = vector.broadcast %parallel_loop3A_1199 : i32 to vector<16xi32>
        %parallel_loop3A_1201 = arith.constant 0 : i32
        %parallel_loop3A_1202 = arith.addi %parallel_loop3A_1201, %parallel_loop3A_1199 : i32
        %parallel_loop3A_1203 = arith.index_cast %parallel_loop3A_1202 : i32 to index
        %parallel_loop3A_1204 = arith.constant 0 : index
        %parallel_loop3A_1205 = tpu.vector_load %arg7[%parallel_loop3A_1203, %parallel_loop3A_1204] {strides = array<i32>} : memref<256x64xf32, #tpu.memory_space<vmem>>, vector<16xf32>,
        tpu.vector_store_idx %arg9[%add3A_19, %parallel_loop3A_1200], %parallel_loop3A_1205 : memref<128x131xf32, #tpu.memory_space<vmem>>[vector<16xi32>, vector<16xi32>], vector<16xf32>,
        %parallel_loop3A_1206 = arith.constant 0 : i32
        %parallel_loop3A_1207 = arith.addi %parallel_loop3A_1206, %parallel_loop3A_1199 : i32
        %parallel_loop3A_1208 = arith.index_cast %parallel_loop3A_1207 : i32 to index
        %parallel_loop3A_1209 = arith.constant 16 : index
        %parallel_loop3A_1210 = tpu.vector_load %arg7[%parallel_loop3A_1208, %parallel_loop3A_1209] {strides = array<i32>} : memref<256x64xf32, #tpu.memory_space<vmem>>, vector<16xf32>,
        tpu.vector_store_idx %arg9[%add3A_38, %parallel_loop3A_1200], %parallel_loop3A_1210 : memref<128x131xf32, #tpu.memory_space<vmem>>[vector<16xi32>, vector<16xi32>], vector<16xf32>,
        %parallel_loop3A_1211 = arith.constant 0 : i32
        %parallel_loop3A_1212 = arith.addi %parallel_loop3A_1211, %parallel_loop3A_1199 : i32
        %parallel_loop3A_1213 = arith.index_cast %parallel_loop3A_1212 : i32 to index
        %parallel_loop3A_1214 = arith.constant 32 : index
        %parallel_loop3A_1215 = tpu.vector_load %arg7[%parallel_loop3A_1213, %parallel_loop3A_1214] {strides = array<i32>} : memref<256x64xf32, #tpu.memory_space<vmem>>, vector<16xf32>,
        tpu.vector_store_idx %arg9[%add3A_57, %parallel_loop3A_1200], %parallel_loop3A_1215 : memref<128x131xf32, #tpu.memory_space<vmem>>[vector<16xi32>, vector<16xi32>], vector<16xf32>,
        %parallel_loop3A_1216 = arith.constant 0 : i32
        %parallel_loop3A_1217 = arith.addi %parallel_loop3A_1216, %parallel_loop3A_1199 : i32
        %parallel_loop3A_1218 = arith.index_cast %parallel_loop3A_1217 : i32 to index
        %parallel_loop3A_1219 = arith.constant 48 : index
        %parallel_loop3A_1220 = tpu.vector_load %arg7[%parallel_loop3A_1218, %parallel_loop3A_1219] {strides = array<i32>} : memref<256x64xf32, #tpu.memory_space<vmem>>, vector<16xf32>,
        tpu.vector_store_idx %arg9[%add3A_76, %parallel_loop3A_1200], %parallel_loop3A_1220 : memref<128x131xf32, #tpu.memory_space<vmem>>[vector<16xi32>, vector<16xi32>], vector<16xf32>,
        %parallel_loop3A_1221 = arith.constant 128 : i32
        %parallel_loop3A_1222 = arith.addi %parallel_loop3A_1221, %parallel_loop3A_1199 : i32
        %parallel_loop3A_1223 = arith.index_cast %parallel_loop3A_1222 : i32 to index
        %parallel_loop3A_1224 = arith.constant 0 : index
        %parallel_loop3A_1225 = tpu.vector_load %arg7[%parallel_loop3A_1223, %parallel_loop3A_1224] {strides = array<i32>} : memref<256x64xf32, #tpu.memory_space<vmem>>, vector<16xf32>,
        tpu.vector_store_idx %arg9[%add3A_95, %parallel_loop3A_1200], %parallel_loop3A_1225 : memref<128x131xf32, #tpu.memory_space<vmem>>[vector<16xi32>, vector<16xi32>], vector<16xf32>,
        %parallel_loop3A_1226 = arith.constant 128 : i32
        %parallel_loop3A_1227 = arith.addi %parallel_loop3A_1226, %parallel_loop3A_1199 : i32
        %parallel_loop3A_1228 = arith.index_cast %parallel_loop3A_1227 : i32 to index
        %parallel_loop3A_1229 = arith.constant 16 : index
        %parallel_loop3A_1230 = tpu.vector_load %arg7[%parallel_loop3A_1228, %parallel_loop3A_1229] {strides = array<i32>} : memref<256x64xf32, #tpu.memory_space<vmem>>, vector<16xf32>,
        tpu.vector_store_idx %arg9[%add3A_114, %parallel_loop3A_1200], %parallel_loop3A_1230 : memref<128x131xf32, #tpu.memory_space<vmem>>[vector<16xi32>, vector<16xi32>], vector<16xf32>,
        %parallel_loop3A_1231 = arith.constant 128 : i32
        %parallel_loop3A_1232 = arith.addi %parallel_loop3A_1231, %parallel_loop3A_1199 : i32
        %parallel_loop3A_1233 = arith.index_cast %parallel_loop3A_1232 : i32 to index
        %parallel_loop3A_1234 = arith.constant 32 : index
        %parallel_loop3A_1235 = tpu.vector_load %arg7[%parallel_loop3A_1233, %parallel_loop3A_1234] {strides = array<i32>} : memref<256x64xf32, #tpu.memory_space<vmem>>, vector<16xf32>,
        tpu.vector_store_idx %arg9[%add3A_133, %parallel_loop3A_1200], %parallel_loop3A_1235 : memref<128x131xf32, #tpu.memory_space<vmem>>[vector<16xi32>, vector<16xi32>], vector<16xf32>,
        %parallel_loop3A_1236 = arith.constant 128 : i32
        %parallel_loop3A_1237 = arith.addi %parallel_loop3A_1236, %parallel_loop3A_1199 : i32
        %parallel_loop3A_1238 = arith.index_cast %parallel_loop3A_1237 : i32 to index
        %parallel_loop3A_1239 = arith.constant 48 : index
        %parallel_loop3A_1240 = tpu.vector_load %arg7[%parallel_loop3A_1238, %parallel_loop3A_1239] {strides = array<i32>} : memref<256x64xf32, #tpu.memory_space<vmem>>, vector<16xf32>,
        tpu.vector_store_idx %arg9[%add3A_152, %parallel_loop3A_1200], %parallel_loop3A_1240 : memref<128x131xf32, #tpu.memory_space<vmem>>[vector<16xi32>, vector<16xi32>], vector<16xf32>,
      } {sc.loop_unroll_factor = 2 : i64, sc.parallel_access}
      %mul3A_796 = arith.constant 256 : i32
      %mul3A_797 = arith.muli %mul3A_774, %mul3A_796 : i32
      %add3A_798 = arith.addi %mul3A_2, %mul3A_797 : i32
      %jit3A_799 = arith.constant 16384 : i32
      %div3A_800 = arith.divsi %add3A_798, %jit3A_799 : i32
      %sign3A_801 = arith.constant 0 : i32
      %sign3A_802 = arith.cmpi sgt, %add3A_798, %sign3A_801 : i32
      %sign3A_803 = arith.extui %sign3A_802 : i1 to i32
      %sign3A_804 = arith.constant 0 : i32
      %sign3A_805 = arith.cmpi slt, %add3A_798, %sign3A_804 : i32
      %sign3A_806 = arith.extui %sign3A_805 : i1 to i32
      %sign3A_807 = arith.subi %sign3A_803, %sign3A_806 : i32
      %sign3A_808 = arith.constant 0 : i32
      %sign3A_809 = arith.cmpi sgt, %jit3A_799, %sign3A_808 : i32
      %sign3A_810 = arith.extui %sign3A_809 : i1 to i32
      %sign3A_811 = arith.constant 0 : i32
      %sign3A_812 = arith.cmpi slt, %jit3A_799, %sign3A_811 : i32
      %sign3A_813 = arith.extui %sign3A_812 : i1 to i32
      %sign3A_814 = arith.subi %sign3A_810, %sign3A_813 : i32
      %ne3A_815 = arith.cmpi ne, %sign3A_807, %sign3A_814 : i32
      %rem3A_816 = arith.remsi %add3A_798, %jit3A_799 : i32
      %ne3A_817 = arith.constant 0 : i32
      %ne3A_818 = arith.cmpi ne, %rem3A_816, %ne3A_817 : i32
      %and3A_819 = arith.andi %ne3A_815, %ne3A_818 : i1
      %sub3A_820 = arith.constant 1 : i32
      %sub3A_821 = arith.subi %div3A_800, %sub3A_820 : i32
      %select_n3A_822 = arith.select %and3A_819, %sub3A_821, %div3A_800 : i32
      %jit3A_823 = arith.constant 16384 : i32
      %eq3A_824 = arith.constant 0 : i32
      %eq3A_825 = arith.cmpi eq, %jit3A_823, %eq3A_824 : i32
      %jit3A_826 = arith.constant 1 : i32
      %select_n3A_827 = arith.select %eq3A_825, %jit3A_826, %jit3A_823 : i32
      %rem3A_828 = arith.remsi %add3A_798, %select_n3A_827 : i32
      %ne3A_829 = arith.constant 0 : i32
      %ne3A_830 = arith.cmpi ne, %rem3A_828, %ne3A_829 : i32
      %lt3A_831 = arith.constant 0 : i32
      %lt3A_832 = arith.cmpi slt, %rem3A_828, %lt3A_831 : i32
      %lt3A_833 = arith.constant 0 : i32
      %lt3A_834 = arith.cmpi slt, %select_n3A_827, %lt3A_833 : i32
      %ne3A_835 = arith.xori %lt3A_832, %lt3A_834 : i1
      %and3A_836 = arith.andi %ne3A_835, %ne3A_830 : i1
      %add3A_837 = arith.addi %rem3A_828, %select_n3A_827 : i32
      %select_n3A_838 = arith.select %and3A_836, %add3A_837, %rem3A_828 : i32
      %jit3A_839 = arith.constant 128 : i32
      %div3A_840 = arith.divsi %select_n3A_838, %jit3A_839 : i32
      %sign3A_841 = arith.constant 0 : i32
      %sign3A_842 = arith.cmpi sgt, %select_n3A_838, %sign3A_841 : i32
      %sign3A_843 = arith.extui %sign3A_842 : i1 to i32
      %sign3A_844 = arith.constant 0 : i32
      %sign3A_845 = arith.cmpi slt, %select_n3A_838, %sign3A_844 : i32
      %sign3A_846 = arith.extui %sign3A_845 : i1 to i32
      %sign3A_847 = arith.subi %sign3A_843, %sign3A_846 : i32
      %sign3A_848 = arith.constant 0 : i32
      %sign3A_849 = arith.cmpi sgt, %jit3A_839, %sign3A_848 : i32
      %sign3A_850 = arith.extui %sign3A_849 : i1 to i32
      %sign3A_851 = arith.constant 0 : i32
      %sign3A_852 = arith.cmpi slt, %jit3A_839, %sign3A_851 : i32
      %sign3A_853 = arith.extui %sign3A_852 : i1 to i32
      %sign3A_854 = arith.subi %sign3A_850, %sign3A_853 : i32
      %ne3A_855 = arith.cmpi ne, %sign3A_847, %sign3A_854 : i32
      %rem3A_856 = arith.remsi %select_n3A_838, %jit3A_839 : i32
      %ne3A_857 = arith.constant 0 : i32
      %ne3A_858 = arith.cmpi ne, %rem3A_856, %ne3A_857 : i32
      %and3A_859 = arith.andi %ne3A_855, %ne3A_858 : i1
      %sub3A_860 = arith.constant 1 : i32
      %sub3A_861 = arith.subi %div3A_840, %sub3A_860 : i32
      %select_n3A_862 = arith.select %and3A_859, %sub3A_861, %div3A_840 : i32
      %mul3A_863 = arith.constant 8 : i32
      %mul3A_864 = arith.muli %select_n3A_862, %mul3A_863 : i32
      %dma_start3A_865 = arith.constant 0 : i32
      %dma_start3A_866 = arith.constant 0 : i32
      %dma_start3A_867 = arith.constant 0 : i32
      %dma_start3A_868 = tpu.memref_slice %arg9[%dma_start3A_866, %dma_start3A_867] : memref<128x131xf32, #tpu.memory_space<vmem>> -> memref<16x128xf32, #tpu.memory_space<vmem>>
      %dma_start3A_869 = arith.constant 0 : i32
      %dma_start3A_870 = tpu.memref_slice %arg4[%select_n3A_822, %dma_start3A_865, %mul3A_864, %dma_start3A_869] : memref<200x8x1024x128xf32, #tpu.memory_space<hbm>> -> memref<1x1x16x128xf32, #tpu.memory_space<hbm>>
      %dma_start3A_871 = tpu.memref_squeeze %dma_start3A_870 : memref<1x1x16x128xf32, #tpu.memory_space<hbm>> -> memref<16x128xf32, #tpu.memory_space<hbm>>
      %dma_start3A_872 = arith.constant 0 : i32
      %dma_start3A_873 = tpu.memref_slice %arg4[%select_n3A_822, %dma_start3A_865, %mul3A_864, %dma_start3A_872] : memref<200x8x1024x128xf32, #tpu.memory_space<hbm>> -> memref<1x1x16x128xf32, #tpu.memory_space<hbm>>
      %dma_start3A_874 = tpu.memref_squeeze %dma_start3A_873 : memref<1x1x16x128xf32, #tpu.memory_space<hbm>> -> memref<16x128xf32, #tpu.memory_space<hbm>>
      %dma_start3A_875 = arith.constant 0 : i32
      %dma_start3A_876 = arith.constant 0 : i32
      %dma_start3A_877 = tpu.memref_slice %arg9[%dma_start3A_875, %dma_start3A_876] : memref<128x131xf32, #tpu.memory_space<vmem>> -> memref<16x128xf32, #tpu.memory_space<vmem>>
      tpu.enqueue_dma source(%dma_start3A_877 : memref<16x128xf32, #tpu.memory_space<vmem>>) target(%dma_start3A_874 : memref<16x128xf32, #tpu.memory_space<hbm>>) target_semaphore(%arg14 : memref<!tpu.dma_semaphore, #tpu.memory_space<semaphore_mem>>)
      %mul3A_878 = arith.constant 8 : i32
      %mul3A_879 = arith.muli %select_n3A_862, %mul3A_878 : i32
      %dma_start3A_880 = arith.constant 1 : i32
      %dma_start3A_881 = arith.constant 16 : i32
      %dma_start3A_882 = arith.constant 0 : i32
      %dma_start3A_883 = tpu.memref_slice %arg9[%dma_start3A_881, %dma_start3A_882] : memref<128x131xf32, #tpu.memory_space<vmem>> -> memref<16x128xf32, #tpu.memory_space<vmem>>
      %dma_start3A_884 = arith.constant 0 : i32
      %dma_start3A_885 = tpu.memref_slice %arg4[%select_n3A_822, %dma_start3A_880, %mul3A_879, %dma_start3A_884] : memref<200x8x1024x128xf32, #tpu.memory_space<hbm>> -> memref<1x1x16x128xf32, #tpu.memory_space<hbm>>
      %dma_start3A_886 = tpu.memref_squeeze %dma_start3A_885 : memref<1x1x16x128xf32, #tpu.memory_space<hbm>> -> memref<16x128xf32, #tpu.memory_space<hbm>>
      %dma_start3A_887 = arith.constant 0 : i32
      %dma_start3A_888 = tpu.memref_slice %arg4[%select_n3A_822, %dma_start3A_880, %mul3A_879, %dma_start3A_887] : memref<200x8x1024x128xf32, #tpu.memory_space<hbm>> -> memref<1x1x16x128xf32, #tpu.memory_space<hbm>>
      %dma_start3A_889 = tpu.memref_squeeze %dma_start3A_888 : memref<1x1x16x128xf32, #tpu.memory_space<hbm>> -> memref<16x128xf32, #tpu.memory_space<hbm>>
      %dma_start3A_890 = arith.constant 16 : i32
      %dma_start3A_891 = arith.constant 0 : i32
      %dma_start3A_892 = tpu.memref_slice %arg9[%dma_start3A_890, %dma_start3A_891] : memref<128x131xf32, #tpu.memory_space<vmem>> -> memref<16x128xf32, #tpu.memory_space<vmem>>
      tpu.enqueue_dma source(%dma_start3A_892 : memref<16x128xf32, #tpu.memory_space<vmem>>) target(%dma_start3A_889 : memref<16x128xf32, #tpu.memory_space<hbm>>) target_semaphore(%arg14 : memref<!tpu.dma_semaphore, #tpu.memory_space<semaphore_mem>>)
      %mul3A_893 = arith.constant 8 : i32
      %mul3A_894 = arith.muli %select_n3A_862, %mul3A_893 : i32
      %dma_start3A_895 = arith.constant 2 : i32
      %dma_start3A_896 = arith.constant 32 : i32
      %dma_start3A_897 = arith.constant 0 : i32
      %dma_start3A_898 = tpu.memref_slice %arg9[%dma_start3A_896, %dma_start3A_897] : memref<128x131xf32, #tpu.memory_space<vmem>> -> memref<16x128xf32, #tpu.memory_space<vmem>>
      %dma_start3A_899 = arith.constant 0 : i32
      %dma_start3A_900 = tpu.memref_slice %arg4[%select_n3A_822, %dma_start3A_895, %mul3A_894, %dma_start3A_899] : memref<200x8x1024x128xf32, #tpu.memory_space<hbm>> -> memref<1x1x16x128xf32, #tpu.memory_space<hbm>>
      %dma_start3A_901 = tpu.memref_squeeze %dma_start3A_900 : memref<1x1x16x128xf32, #tpu.memory_space<hbm>> -> memref<16x128xf32, #tpu.memory_space<hbm>>
      %dma_start3A_902 = arith.constant 0 : i32
      %dma_start3A_903 = tpu.memref_slice %arg4[%select_n3A_822, %dma_start3A_895, %mul3A_894, %dma_start3A_902] : memref<200x8x1024x128xf32, #tpu.memory_space<hbm>> -> memref<1x1x16x128xf32, #tpu.memory_space<hbm>>
      %dma_start3A_904 = tpu.memref_squeeze %dma_start3A_903 : memref<1x1x16x128xf32, #tpu.memory_space<hbm>> -> memref<16x128xf32, #tpu.memory_space<hbm>>
      %dma_start3A_905 = arith.constant 32 : i32
      %dma_start3A_906 = arith.constant 0 : i32
      %dma_start3A_907 = tpu.memref_slice %arg9[%dma_start3A_905, %dma_start3A_906] : memref<128x131xf32, #tpu.memory_space<vmem>> -> memref<16x128xf32, #tpu.memory_space<vmem>>
      tpu.enqueue_dma source(%dma_start3A_907 : memref<16x128xf32, #tpu.memory_space<vmem>>) target(%dma_start3A_904 : memref<16x128xf32, #tpu.memory_space<hbm>>) target_semaphore(%arg14 : memref<!tpu.dma_semaphore, #tpu.memory_space<semaphore_mem>>)
      %mul3A_908 = arith.constant 8 : i32
      %mul3A_909 = arith.muli %select_n3A_862, %mul3A_908 : i32
      %dma_start3A_910 = arith.constant 3 : i32
      %dma_start3A_911 = arith.constant 48 : i32
      %dma_start3A_912 = arith.constant 0 : i32
      %dma_start3A_913 = tpu.memref_slice %arg9[%dma_start3A_911, %dma_start3A_912] : memref<128x131xf32, #tpu.memory_space<vmem>> -> memref<16x128xf32, #tpu.memory_space<vmem>>
      %dma_start3A_914 = arith.constant 0 : i32
      %dma_start3A_915 = tpu.memref_slice %arg4[%select_n3A_822, %dma_start3A_910, %mul3A_909, %dma_start3A_914] : memref<200x8x1024x128xf32, #tpu.memory_space<hbm>> -> memref<1x1x16x128xf32, #tpu.memory_space<hbm>>
      %dma_start3A_916 = tpu.memref_squeeze %dma_start3A_915 : memref<1x1x16x128xf32, #tpu.memory_space<hbm>> -> memref<16x128xf32, #tpu.memory_space<hbm>>
      %dma_start3A_917 = arith.constant 0 : i32
      %dma_start3A_918 = tpu.memref_slice %arg4[%select_n3A_822, %dma_start3A_910, %mul3A_909, %dma_start3A_917] : memref<200x8x1024x128xf32, #tpu.memory_space<hbm>> -> memref<1x1x16x128xf32, #tpu.memory_space<hbm>>
      %dma_start3A_919 = tpu.memref_squeeze %dma_start3A_918 : memref<1x1x16x128xf32, #tpu.memory_space<hbm>> -> memref<16x128xf32, #tpu.memory_space<hbm>>
      %dma_start3A_920 = arith.constant 48 : i32
      %dma_start3A_921 = arith.constant 0 : i32
      %dma_start3A_922 = tpu.memref_slice %arg9[%dma_start3A_920, %dma_start3A_921] : memref<128x131xf32, #tpu.memory_space<vmem>> -> memref<16x128xf32, #tpu.memory_space<vmem>>
      tpu.enqueue_dma source(%dma_start3A_922 : memref<16x128xf32, #tpu.memory_space<vmem>>) target(%dma_start3A_919 : memref<16x128xf32, #tpu.memory_space<hbm>>) target_semaphore(%arg14 : memref<!tpu.dma_semaphore, #tpu.memory_space<semaphore_mem>>)
      %mul3A_923 = arith.constant 8 : i32
      %mul3A_924 = arith.muli %select_n3A_862, %mul3A_923 : i32
      %dma_start3A_925 = arith.constant 4 : i32
      %dma_start3A_926 = arith.constant 64 : i32
      %dma_start3A_927 = arith.constant 0 : i32
      %dma_start3A_928 = tpu.memref_slice %arg9[%dma_start3A_926, %dma_start3A_927] : memref<128x131xf32, #tpu.memory_space<vmem>> -> memref<16x128xf32, #tpu.memory_space<vmem>>
      %dma_start3A_929 = arith.constant 0 : i32
      %dma_start3A_930 = tpu.memref_slice %arg4[%select_n3A_822, %dma_start3A_925, %mul3A_924, %dma_start3A_929] : memref<200x8x1024x128xf32, #tpu.memory_space<hbm>> -> memref<1x1x16x128xf32, #tpu.memory_space<hbm>>
      %dma_start3A_931 = tpu.memref_squeeze %dma_start3A_930 : memref<1x1x16x128xf32, #tpu.memory_space<hbm>> -> memref<16x128xf32, #tpu.memory_space<hbm>>
      %dma_start3A_932 = arith.constant 0 : i32
      %dma_start3A_933 = tpu.memref_slice %arg4[%select_n3A_822, %dma_start3A_925, %mul3A_924, %dma_start3A_932] : memref<200x8x1024x128xf32, #tpu.memory_space<hbm>> -> memref<1x1x16x128xf32, #tpu.memory_space<hbm>>
      %dma_start3A_934 = tpu.memref_squeeze %dma_start3A_933 : memref<1x1x16x128xf32, #tpu.memory_space<hbm>> -> memref<16x128xf32, #tpu.memory_space<hbm>>
      %dma_start3A_935 = arith.constant 64 : i32
      %dma_start3A_936 = arith.constant 0 : i32
      %dma_start3A_937 = tpu.memref_slice %arg9[%dma_start3A_935, %dma_start3A_936] : memref<128x131xf32, #tpu.memory_space<vmem>> -> memref<16x128xf32, #tpu.memory_space<vmem>>
      tpu.enqueue_dma source(%dma_start3A_937 : memref<16x128xf32, #tpu.memory_space<vmem>>) target(%dma_start3A_934 : memref<16x128xf32, #tpu.memory_space<hbm>>) target_semaphore(%arg14 : memref<!tpu.dma_semaphore, #tpu.memory_space<semaphore_mem>>)
      %mul3A_938 = arith.constant 8 : i32
      %mul3A_939 = arith.muli %select_n3A_862, %mul3A_938 : i32
      %dma_start3A_940 = arith.constant 5 : i32
      %dma_start3A_941 = arith.constant 80 : i32
      %dma_start3A_942 = arith.constant 0 : i32
      %dma_start3A_943 = tpu.memref_slice %arg9[%dma_start3A_941, %dma_start3A_942] : memref<128x131xf32, #tpu.memory_space<vmem>> -> memref<16x128xf32, #tpu.memory_space<vmem>>
      %dma_start3A_944 = arith.constant 0 : i32
      %dma_start3A_945 = tpu.memref_slice %arg4[%select_n3A_822, %dma_start3A_940, %mul3A_939, %dma_start3A_944] : memref<200x8x1024x128xf32, #tpu.memory_space<hbm>> -> memref<1x1x16x128xf32, #tpu.memory_space<hbm>>
      %dma_start3A_946 = tpu.memref_squeeze %dma_start3A_945 : memref<1x1x16x128xf32, #tpu.memory_space<hbm>> -> memref<16x128xf32, #tpu.memory_space<hbm>>
      %dma_start3A_947 = arith.constant 0 : i32
      %dma_start3A_948 = tpu.memref_slice %arg4[%select_n3A_822, %dma_start3A_940, %mul3A_939, %dma_start3A_947] : memref<200x8x1024x128xf32, #tpu.memory_space<hbm>> -> memref<1x1x16x128xf32, #tpu.memory_space<hbm>>
      %dma_start3A_949 = tpu.memref_squeeze %dma_start3A_948 : memref<1x1x16x128xf32, #tpu.memory_space<hbm>> -> memref<16x128xf32, #tpu.memory_space<hbm>>
      %dma_start3A_950 = arith.constant 80 : i32
      %dma_start3A_951 = arith.constant 0 : i32
      %dma_start3A_952 = tpu.memref_slice %arg9[%dma_start3A_950, %dma_start3A_951] : memref<128x131xf32, #tpu.memory_space<vmem>> -> memref<16x128xf32, #tpu.memory_space<vmem>>
      tpu.enqueue_dma source(%dma_start3A_952 : memref<16x128xf32, #tpu.memory_space<vmem>>) target(%dma_start3A_949 : memref<16x128xf32, #tpu.memory_space<hbm>>) target_semaphore(%arg14 : memref<!tpu.dma_semaphore, #tpu.memory_space<semaphore_mem>>)
      %mul3A_953 = arith.constant 8 : i32
      %mul3A_954 = arith.muli %select_n3A_862, %mul3A_953 : i32
      %dma_start3A_955 = arith.constant 6 : i32
      %dma_start3A_956 = arith.constant 96 : i32
      %dma_start3A_957 = arith.constant 0 : i32
      %dma_start3A_958 = tpu.memref_slice %arg9[%dma_start3A_956, %dma_start3A_957] : memref<128x131xf32, #tpu.memory_space<vmem>> -> memref<16x128xf32, #tpu.memory_space<vmem>>
      %dma_start3A_959 = arith.constant 0 : i32
      %dma_start3A_960 = tpu.memref_slice %arg4[%select_n3A_822, %dma_start3A_955, %mul3A_954, %dma_start3A_959] : memref<200x8x1024x128xf32, #tpu.memory_space<hbm>> -> memref<1x1x16x128xf32, #tpu.memory_space<hbm>>
      %dma_start3A_961 = tpu.memref_squeeze %dma_start3A_960 : memref<1x1x16x128xf32, #tpu.memory_space<hbm>> -> memref<16x128xf32, #tpu.memory_space<hbm>>
      %dma_start3A_962 = arith.constant 0 : i32
      %dma_start3A_963 = tpu.memref_slice %arg4[%select_n3A_822, %dma_start3A_955, %mul3A_954, %dma_start3A_962] : memref<200x8x1024x128xf32, #tpu.memory_space<hbm>> -> memref<1x1x16x128xf32, #tpu.memory_space<hbm>>
      %dma_start3A_964 = tpu.memref_squeeze %dma_start3A_963 : memref<1x1x16x128xf32, #tpu.memory_space<hbm>> -> memref<16x128xf32, #tpu.memory_space<hbm>>
      %dma_start3A_965 = arith.constant 96 : i32
      %dma_start3A_966 = arith.constant 0 : i32
      %dma_start3A_967 = tpu.memref_slice %arg9[%dma_start3A_965, %dma_start3A_966] : memref<128x131xf32, #tpu.memory_space<vmem>> -> memref<16x128xf32, #tpu.memory_space<vmem>>
      tpu.enqueue_dma source(%dma_start3A_967 : memref<16x128xf32, #tpu.memory_space<vmem>>) target(%dma_start3A_964 : memref<16x128xf32, #tpu.memory_space<hbm>>) target_semaphore(%arg14 : memref<!tpu.dma_semaphore, #tpu.memory_space<semaphore_mem>>)
      %mul3A_968 = arith.constant 8 : i32
      %mul3A_969 = arith.muli %select_n3A_862, %mul3A_968 : i32
      %dma_start3A_970 = arith.constant 7 : i32
      %dma_start3A_971 = arith.constant 112 : i32
      %dma_start3A_972 = arith.constant 0 : i32
      %dma_start3A_973 = tpu.memref_slice %arg9[%dma_start3A_971, %dma_start3A_972] : memref<128x131xf32, #tpu.memory_space<vmem>> -> memref<16x128xf32, #tpu.memory_space<vmem>>
      %dma_start3A_974 = arith.constant 0 : i32
      %dma_start3A_975 = tpu.memref_slice %arg4[%select_n3A_822, %dma_start3A_970, %mul3A_969, %dma_start3A_974] : memref<200x8x1024x128xf32, #tpu.memory_space<hbm>> -> memref<1x1x16x128xf32, #tpu.memory_space<hbm>>
      %dma_start3A_976 = tpu.memref_squeeze %dma_start3A_975 : memref<1x1x16x128xf32, #tpu.memory_space<hbm>> -> memref<16x128xf32, #tpu.memory_space<hbm>>
      %dma_start3A_977 = arith.constant 0 : i32
      %dma_start3A_978 = tpu.memref_slice %arg4[%select_n3A_822, %dma_start3A_970, %mul3A_969, %dma_start3A_977] : memref<200x8x1024x128xf32, #tpu.memory_space<hbm>> -> memref<1x1x16x128xf32, #tpu.memory_space<hbm>>
      %dma_start3A_979 = tpu.memref_squeeze %dma_start3A_978 : memref<1x1x16x128xf32, #tpu.memory_space<hbm>> -> memref<16x128xf32, #tpu.memory_space<hbm>>
      %dma_start3A_980 = arith.constant 112 : i32
      %dma_start3A_981 = arith.constant 0 : i32
      %dma_start3A_982 = tpu.memref_slice %arg9[%dma_start3A_980, %dma_start3A_981] : memref<128x131xf32, #tpu.memory_space<vmem>> -> memref<16x128xf32, #tpu.memory_space<vmem>>
      tpu.enqueue_dma source(%dma_start3A_982 : memref<16x128xf32, #tpu.memory_space<vmem>>) target(%dma_start3A_979 : memref<16x128xf32, #tpu.memory_space<hbm>>) target_semaphore(%arg14 : memref<!tpu.dma_semaphore, #tpu.memory_space<semaphore_mem>>)
      %mul3A_983 = arith.constant 2 : i32
      %mul3A_984 = arith.muli %mul3A_983, %scan3A_772 : i32
      %add3A_985 = arith.constant 1 : i32
      %add3A_986 = arith.addi %mul3A_984, %add3A_985 : i32
      %dma_wait3A_987 = arith.constant 0 : i32
      %dma_wait3A_988 = arith.constant 0 : i32
      %dma_wait3A_989 = tpu.memref_slice %arg3[%dma_wait3A_987, %dma_wait3A_988] : memref<1000000x64xf32, #tpu.memory_space<hbm>> -> memref<1000000x64xf32, #tpu.memory_space<hbm>>
      tpu.wait_indirect_dma semaphore(%arg13 : memref<!tpu.dma_semaphore, #tpu.memory_space<semaphore_mem>>) src(%dma_wait3A_989 : memref<1000000x64xf32, #tpu.memory_space<hbm>>) dst(%arg8 : memref<256x64xf32, #tpu.memory_space<vmem>>)
      %add3A_990 = arith.constant 1 : i32
      %add3A_991 = arith.addi %add3A_986, %add3A_990 : i32
      %lt3A_992 = arith.constant 400 : i32
      %lt3A_993 = arith.cmpi slt, %add3A_991, %lt3A_992 : i32
      %convert_element_type3A_994 = arith.extui %lt3A_993 : i1 to i32
      %cond3A_995 = arith.constant 0 : i32
      %cond3A_996 = arith.cmpi ne, %convert_element_type3A_994, %cond3A_995 : i32
      scf.if %cond3A_996 {
        %dma_wait3A_1199 = arith.constant 0 : i32
        %dma_wait3A_1200 = arith.constant 0 : i32
        %dma_wait3A_1201 = arith.constant 0 : i32
        %dma_wait3A_1202 = arith.constant 0 : i32
        %dma_wait3A_1203 = tpu.memref_slice %arg5[%dma_wait3A_1202] : memref<256xi32, #tpu.memory_space<vmem>> -> memref<128xi32, #tpu.memory_space<vmem>>
        %dma_wait3A_1204 = arith.constant 0 : i32
        %dma_wait3A_1205 = tpu.memref_slice %arg2[%dma_wait3A_1199, %dma_wait3A_1200, %dma_wait3A_1201, %dma_wait3A_1204] : memref<25x128x8x128xi32, #tpu.memory_space<hbm>> -> memref<1x1x1x128xi32, #tpu.memory_space<hbm>>
        %dma_wait3A_1206 = tpu.memref_squeeze %dma_wait3A_1205 : memref<1x1x1x128xi32, #tpu.memory_space<hbm>> -> memref<128xi32, #tpu.memory_space<hbm>>
        %dma_wait3A_1207 = arith.constant 0 : i32
        %dma_wait3A_1208 = tpu.memref_slice %arg5[%dma_wait3A_1207] : memref<256xi32, #tpu.memory_space<vmem>> -> memref<128xi32, #tpu.memory_space<vmem>>
        %dma_wait3A_1209 = arith.constant 0 : i32
        %dma_wait3A_1210 = tpu.memref_slice %arg2[%dma_wait3A_1199, %dma_wait3A_1200, %dma_wait3A_1201, %dma_wait3A_1209] : memref<25x128x8x128xi32, #tpu.memory_space<hbm>> -> memref<1x1x1x128xi32, #tpu.memory_space<hbm>>
        %dma_wait3A_1211 = tpu.memref_squeeze %dma_wait3A_1210 : memref<1x1x1x128xi32, #tpu.memory_space<hbm>> -> memref<128xi32, #tpu.memory_space<hbm>>
        tpu.wait_dma2 semaphore(%arg11 : memref<!tpu.dma_semaphore, #tpu.memory_space<semaphore_mem>>) src(%dma_wait3A_1211 : memref<128xi32, #tpu.memory_space<hbm>>) dst(%dma_wait3A_1208 : memref<128xi32, #tpu.memory_space<vmem>>)
        %dma_wait3A_1212 = arith.constant 0 : i32
        %dma_wait3A_1213 = arith.constant 0 : i32
        %dma_wait3A_1214 = arith.constant 0 : i32
        %dma_wait3A_1215 = arith.constant 0 : i32
        %dma_wait3A_1216 = tpu.memref_slice %arg5[%dma_wait3A_1215] : memref<256xi32, #tpu.memory_space<vmem>> -> memref<128xi32, #tpu.memory_space<vmem>>
        %dma_wait3A_1217 = arith.constant 0 : i32
        %dma_wait3A_1218 = tpu.memref_slice %arg2[%dma_wait3A_1212, %dma_wait3A_1213, %dma_wait3A_1214, %dma_wait3A_1217] : memref<25x128x8x128xi32, #tpu.memory_space<hbm>> -> memref<1x1x1x128xi32, #tpu.memory_space<hbm>>
        %dma_wait3A_1219 = tpu.memref_squeeze %dma_wait3A_1218 : memref<1x1x1x128xi32, #tpu.memory_space<hbm>> -> memref<128xi32, #tpu.memory_space<hbm>>
        %dma_wait3A_1220 = arith.constant 0 : i32
        %dma_wait3A_1221 = tpu.memref_slice %arg5[%dma_wait3A_1220] : memref<256xi32, #tpu.memory_space<vmem>> -> memref<128xi32, #tpu.memory_space<vmem>>
        %dma_wait3A_1222 = arith.constant 0 : i32
        %dma_wait3A_1223 = tpu.memref_slice %arg2[%dma_wait3A_1212, %dma_wait3A_1213, %dma_wait3A_1214, %dma_wait3A_1222] : memref<25x128x8x128xi32, #tpu.memory_space<hbm>> -> memref<1x1x1x128xi32, #tpu.memory_space<hbm>>
        %dma_wait3A_1224 = tpu.memref_squeeze %dma_wait3A_1223 : memref<1x1x1x128xi32, #tpu.memory_space<hbm>> -> memref<128xi32, #tpu.memory_space<hbm>>
        tpu.wait_dma2 semaphore(%arg11 : memref<!tpu.dma_semaphore, #tpu.memory_space<semaphore_mem>>) src(%dma_wait3A_1224 : memref<128xi32, #tpu.memory_space<hbm>>) dst(%dma_wait3A_1221 : memref<128xi32, #tpu.memory_space<vmem>>)
        %dma_start3A_1225 = arith.constant 0 : i32
        %dma_start3A_1226 = arith.constant 0 : i32
        %dma_start3A_1227 = tpu.memref_slice %arg3[%dma_start3A_1225, %dma_start3A_1226] : memref<1000000x64xf32, #tpu.memory_space<hbm>> -> memref<1000000x64xf32, #tpu.memory_space<hbm>>
        tpu.enqueue_indirect_dma source(%dma_start3A_1227 : memref<1000000x64xf32, #tpu.memory_space<hbm>>) target(%arg7 : memref<256x64xf32, #tpu.memory_space<vmem>>) offsets(%arg5 : memref<256xi32, #tpu.memory_space<vmem>>) semaphore(%arg13 : memref<!tpu.dma_semaphore, #tpu.memory_space<semaphore_mem>>)
      } else {
      }
      %add3A_997 = arith.constant 2 : i32
      %add3A_998 = arith.addi %add3A_986, %add3A_997 : i32
      %lt3A_999 = arith.constant 400 : i32
      %lt3A_1000 = arith.cmpi slt, %add3A_998, %lt3A_999 : i32
      %convert_element_type3A_1001 = arith.extui %lt3A_1000 : i1 to i32
      %cond3A_1002 = arith.constant 0 : i32
      %cond3A_1003 = arith.cmpi ne, %convert_element_type3A_1001, %cond3A_1002 : i32
      scf.if %cond3A_1003 {
        %add3A_1199 = arith.constant 2 : i32
        %add3A_1200 = arith.addi %add3A_986, %add3A_1199 : i32
        %mul3A_1201 = arith.constant 256 : i32
        %mul3A_1202 = arith.muli %add3A_1200, %mul3A_1201 : i32
        %add3A_1203 = arith.addi %mul3A_2, %mul3A_1202 : i32
        %jit3A_1204 = arith.constant 16384 : i32
        %div3A_1205 = arith.divsi %add3A_1203, %jit3A_1204 : i32
        %sign3A_1206 = arith.constant 0 : i32
        %sign3A_1207 = arith.cmpi sgt, %add3A_1203, %sign3A_1206 : i32
        %sign3A_1208 = arith.extui %sign3A_1207 : i1 to i32
        %sign3A_1209 = arith.constant 0 : i32
        %sign3A_1210 = arith.cmpi slt, %add3A_1203, %sign3A_1209 : i32
        %sign3A_1211 = arith.extui %sign3A_1210 : i1 to i32
        %sign3A_1212 = arith.subi %sign3A_1208, %sign3A_1211 : i32
        %sign3A_1213 = arith.constant 0 : i32
        %sign3A_1214 = arith.cmpi sgt, %jit3A_1204, %sign3A_1213 : i32
        %sign3A_1215 = arith.extui %sign3A_1214 : i1 to i32
        %sign3A_1216 = arith.constant 0 : i32
        %sign3A_1217 = arith.cmpi slt, %jit3A_1204, %sign3A_1216 : i32
        %sign3A_1218 = arith.extui %sign3A_1217 : i1 to i32
        %sign3A_1219 = arith.subi %sign3A_1215, %sign3A_1218 : i32
        %ne3A_1220 = arith.cmpi ne, %sign3A_1212, %sign3A_1219 : i32
        %rem3A_1221 = arith.remsi %add3A_1203, %jit3A_1204 : i32
        %ne3A_1222 = arith.constant 0 : i32
        %ne3A_1223 = arith.cmpi ne, %rem3A_1221, %ne3A_1222 : i32
        %and3A_1224 = arith.andi %ne3A_1220, %ne3A_1223 : i1
        %sub3A_1225 = arith.constant 1 : i32
        %sub3A_1226 = arith.subi %div3A_1205, %sub3A_1225 : i32
        %select_n3A_1227 = arith.select %and3A_1224, %sub3A_1226, %div3A_1205 : i32
        %jit3A_1228 = arith.constant 16384 : i32
        %eq3A_1229 = arith.constant 0 : i32
        %eq3A_1230 = arith.cmpi eq, %jit3A_1228, %eq3A_1229 : i32
        %jit3A_1231 = arith.constant 1 : i32
        %select_n3A_1232 = arith.select %eq3A_1230, %jit3A_1231, %jit3A_1228 : i32
        %rem3A_1233 = arith.remsi %add3A_1203, %select_n3A_1232 : i32
        %ne3A_1234 = arith.constant 0 : i32
        %ne3A_1235 = arith.cmpi ne, %rem3A_1233, %ne3A_1234 : i32
        %lt3A_1236 = arith.constant 0 : i32
        %lt3A_1237 = arith.cmpi slt, %rem3A_1233, %lt3A_1236 : i32
        %lt3A_1238 = arith.constant 0 : i32
        %lt3A_1239 = arith.cmpi slt, %select_n3A_1232, %lt3A_1238 : i32
        %ne3A_1240 = arith.xori %lt3A_1237, %lt3A_1239 : i1
        %and3A_1241 = arith.andi %ne3A_1240, %ne3A_1235 : i1
        %add3A_1242 = arith.addi %rem3A_1233, %select_n3A_1232 : i32
        %select_n3A_1243 = arith.select %and3A_1241, %add3A_1242, %rem3A_1233 : i32
        %jit3A_1244 = arith.constant 128 : i32
        %div3A_1245 = arith.divsi %select_n3A_1243, %jit3A_1244 : i32
        %sign3A_1246 = arith.constant 0 : i32
        %sign3A_1247 = arith.cmpi sgt, %select_n3A_1243, %sign3A_1246 : i32
        %sign3A_1248 = arith.extui %sign3A_1247 : i1 to i32
        %sign3A_1249 = arith.constant 0 : i32
        %sign3A_1250 = arith.cmpi slt, %select_n3A_1243, %sign3A_1249 : i32
        %sign3A_1251 = arith.extui %sign3A_1250 : i1 to i32
        %sign3A_1252 = arith.subi %sign3A_1248, %sign3A_1251 : i32
        %sign3A_1253 = arith.constant 0 : i32
        %sign3A_1254 = arith.cmpi sgt, %jit3A_1244, %sign3A_1253 : i32
        %sign3A_1255 = arith.extui %sign3A_1254 : i1 to i32
        %sign3A_1256 = arith.constant 0 : i32
        %sign3A_1257 = arith.cmpi slt, %jit3A_1244, %sign3A_1256 : i32
        %sign3A_1258 = arith.extui %sign3A_1257 : i1 to i32
        %sign3A_1259 = arith.subi %sign3A_1255, %sign3A_1258 : i32
        %ne3A_1260 = arith.cmpi ne, %sign3A_1252, %sign3A_1259 : i32
        %rem3A_1261 = arith.remsi %select_n3A_1243, %jit3A_1244 : i32
        %ne3A_1262 = arith.constant 0 : i32
        %ne3A_1263 = arith.cmpi ne, %rem3A_1261, %ne3A_1262 : i32
        %and3A_1264 = arith.andi %ne3A_1260, %ne3A_1263 : i1
        %sub3A_1265 = arith.constant 1 : i32
        %sub3A_1266 = arith.subi %div3A_1245, %sub3A_1265 : i32
        %select_n3A_1267 = arith.select %and3A_1264, %sub3A_1266, %div3A_1245 : i32
        %jit3A_1268 = arith.constant 8 : i32
        %div3A_1269 = arith.divsi %select_n3A_1227, %jit3A_1268 : i32
        %sign3A_1270 = arith.constant 0 : i32
        %sign3A_1271 = arith.cmpi sgt, %select_n3A_1227, %sign3A_1270 : i32
        %sign3A_1272 = arith.extui %sign3A_1271 : i1 to i32
        %sign3A_1273 = arith.constant 0 : i32
        %sign3A_1274 = arith.cmpi slt, %select_n3A_1227, %sign3A_1273 : i32
        %sign3A_1275 = arith.extui %sign3A_1274 : i1 to i32
        %sign3A_1276 = arith.subi %sign3A_1272, %sign3A_1275 : i32
        %sign3A_1277 = arith.constant 0 : i32
        %sign3A_1278 = arith.cmpi sgt, %jit3A_1268, %sign3A_1277 : i32
        %sign3A_1279 = arith.extui %sign3A_1278 : i1 to i32
        %sign3A_1280 = arith.constant 0 : i32
        %sign3A_1281 = arith.cmpi slt, %jit3A_1268, %sign3A_1280 : i32
        %sign3A_1282 = arith.extui %sign3A_1281 : i1 to i32
        %sign3A_1283 = arith.subi %sign3A_1279, %sign3A_1282 : i32
        %ne3A_1284 = arith.cmpi ne, %sign3A_1276, %sign3A_1283 : i32
        %rem3A_1285 = arith.remsi %select_n3A_1227, %jit3A_1268 : i32
        %ne3A_1286 = arith.constant 0 : i32
        %ne3A_1287 = arith.cmpi ne, %rem3A_1285, %ne3A_1286 : i32
        %and3A_1288 = arith.andi %ne3A_1284, %ne3A_1287 : i1
        %sub3A_1289 = arith.constant 1 : i32
        %sub3A_1290 = arith.subi %div3A_1269, %sub3A_1289 : i32
        %select_n3A_1291 = arith.select %and3A_1288, %sub3A_1290, %div3A_1269 : i32
        %add3A_1292 = arith.constant 0 : i32
        %add3A_1293 = arith.addi %select_n3A_1267, %add3A_1292 : i32
        %jit3A_1294 = arith.constant 8 : i32
        %eq3A_1295 = arith.constant 0 : i32
        %eq3A_1296 = arith.cmpi eq, %jit3A_1294, %eq3A_1295 : i32
        %jit3A_1297 = arith.constant 1 : i32
        %select_n3A_1298 = arith.select %eq3A_1296, %jit3A_1297, %jit3A_1294 : i32
        %rem3A_1299 = arith.remsi %select_n3A_1227, %select_n3A_1298 : i32
        %ne3A_1300 = arith.constant 0 : i32
        %ne3A_1301 = arith.cmpi ne, %rem3A_1299, %ne3A_1300 : i32
        %lt3A_1302 = arith.constant 0 : i32
        %lt3A_1303 = arith.cmpi slt, %rem3A_1299, %lt3A_1302 : i32
        %lt3A_1304 = arith.constant 0 : i32
        %lt3A_1305 = arith.cmpi slt, %select_n3A_1298, %lt3A_1304 : i32
        %ne3A_1306 = arith.xori %lt3A_1303, %lt3A_1305 : i1
        %and3A_1307 = arith.andi %ne3A_1306, %ne3A_1301 : i1
        %add3A_1308 = arith.addi %rem3A_1299, %select_n3A_1298 : i32
        %select_n3A_1309 = arith.select %and3A_1307, %add3A_1308, %rem3A_1299 : i32
        %dma_start3A_1310 = arith.constant 0 : i32
        %dma_start3A_1311 = tpu.memref_slice %arg6[%dma_start3A_1310] : memref<256xi32, #tpu.memory_space<vmem>> -> memref<128xi32, #tpu.memory_space<vmem>>
        %dma_start3A_1312 = arith.constant 0 : i32
        %dma_start3A_1313 = tpu.memref_slice %arg2[%select_n3A_1291, %add3A_1293, %select_n3A_1309, %dma_start3A_1312] : memref<25x128x8x128xi32, #tpu.memory_space<hbm>> -> memref<1x1x1x128xi32, #tpu.memory_space<hbm>>
        %dma_start3A_1314 = tpu.memref_squeeze %dma_start3A_1313 : memref<1x1x1x128xi32, #tpu.memory_space<hbm>> -> memref<128xi32, #tpu.memory_space<hbm>>
        %dma_start3A_1315 = arith.constant 0 : i32
        %dma_start3A_1316 = tpu.memref_slice %arg6[%dma_start3A_1315] : memref<256xi32, #tpu.memory_space<vmem>> -> memref<128xi32, #tpu.memory_space<vmem>>
        %dma_start3A_1317 = arith.constant 0 : i32
        %dma_start3A_1318 = tpu.memref_slice %arg2[%select_n3A_1291, %add3A_1293, %select_n3A_1309, %dma_start3A_1317] : memref<25x128x8x128xi32, #tpu.memory_space<hbm>> -> memref<1x1x1x128xi32, #tpu.memory_space<hbm>>
        %dma_start3A_1319 = tpu.memref_squeeze %dma_start3A_1318 : memref<1x1x1x128xi32, #tpu.memory_space<hbm>> -> memref<128xi32, #tpu.memory_space<hbm>>
        tpu.enqueue_dma source(%dma_start3A_1319 : memref<128xi32, #tpu.memory_space<hbm>>) target(%dma_start3A_1316 : memref<128xi32, #tpu.memory_space<vmem>>) target_semaphore(%arg12 : memref<!tpu.dma_semaphore, #tpu.memory_space<semaphore_mem>>)
        %jit3A_1320 = arith.constant 8 : i32
        %div3A_1321 = arith.divsi %select_n3A_1227, %jit3A_1320 : i32
        %sign3A_1322 = arith.constant 0 : i32
        %sign3A_1323 = arith.cmpi sgt, %select_n3A_1227, %sign3A_1322 : i32
        %sign3A_1324 = arith.extui %sign3A_1323 : i1 to i32
        %sign3A_1325 = arith.constant 0 : i32
        %sign3A_1326 = arith.cmpi slt, %select_n3A_1227, %sign3A_1325 : i32
        %sign3A_1327 = arith.extui %sign3A_1326 : i1 to i32
        %sign3A_1328 = arith.subi %sign3A_1324, %sign3A_1327 : i32
        %sign3A_1329 = arith.constant 0 : i32
        %sign3A_1330 = arith.cmpi sgt, %jit3A_1320, %sign3A_1329 : i32
        %sign3A_1331 = arith.extui %sign3A_1330 : i1 to i32
        %sign3A_1332 = arith.constant 0 : i32
        %sign3A_1333 = arith.cmpi slt, %jit3A_1320, %sign3A_1332 : i32
        %sign3A_1334 = arith.extui %sign3A_1333 : i1 to i32
        %sign3A_1335 = arith.subi %sign3A_1331, %sign3A_1334 : i32
        %ne3A_1336 = arith.cmpi ne, %sign3A_1328, %sign3A_1335 : i32
        %rem3A_1337 = arith.remsi %select_n3A_1227, %jit3A_1320 : i32
        %ne3A_1338 = arith.constant 0 : i32
        %ne3A_1339 = arith.cmpi ne, %rem3A_1337, %ne3A_1338 : i32
        %and3A_1340 = arith.andi %ne3A_1336, %ne3A_1339 : i1
        %sub3A_1341 = arith.constant 1 : i32
        %sub3A_1342 = arith.subi %div3A_1321, %sub3A_1341 : i32
        %select_n3A_1343 = arith.select %and3A_1340, %sub3A_1342, %div3A_1321 : i32
        %add3A_1344 = arith.constant 1 : i32
        %add3A_1345 = arith.addi %select_n3A_1267, %add3A_1344 : i32
        %jit3A_1346 = arith.constant 8 : i32
        %eq3A_1347 = arith.constant 0 : i32
        %eq3A_1348 = arith.cmpi eq, %jit3A_1346, %eq3A_1347 : i32
        %jit3A_1349 = arith.constant 1 : i32
        %select_n3A_1350 = arith.select %eq3A_1348, %jit3A_1349, %jit3A_1346 : i32
        %rem3A_1351 = arith.remsi %select_n3A_1227, %select_n3A_1350 : i32
        %ne3A_1352 = arith.constant 0 : i32
        %ne3A_1353 = arith.cmpi ne, %rem3A_1351, %ne3A_1352 : i32
        %lt3A_1354 = arith.constant 0 : i32
        %lt3A_1355 = arith.cmpi slt, %rem3A_1351, %lt3A_1354 : i32
        %lt3A_1356 = arith.constant 0 : i32
        %lt3A_1357 = arith.cmpi slt, %select_n3A_1350, %lt3A_1356 : i32
        %ne3A_1358 = arith.xori %lt3A_1355, %lt3A_1357 : i1
        %and3A_1359 = arith.andi %ne3A_1358, %ne3A_1353 : i1
        %add3A_1360 = arith.addi %rem3A_1351, %select_n3A_1350 : i32
        %select_n3A_1361 = arith.select %and3A_1359, %add3A_1360, %rem3A_1351 : i32
        %dma_start3A_1362 = arith.constant 128 : i32
        %dma_start3A_1363 = tpu.memref_slice %arg6[%dma_start3A_1362] : memref<256xi32, #tpu.memory_space<vmem>> -> memref<128xi32, #tpu.memory_space<vmem>>
        %dma_start3A_1364 = arith.constant 0 : i32
        %dma_start3A_1365 = tpu.memref_slice %arg2[%select_n3A_1343, %add3A_1345, %select_n3A_1361, %dma_start3A_1364] : memref<25x128x8x128xi32, #tpu.memory_space<hbm>> -> memref<1x1x1x128xi32, #tpu.memory_space<hbm>>
        %dma_start3A_1366 = tpu.memref_squeeze %dma_start3A_1365 : memref<1x1x1x128xi32, #tpu.memory_space<hbm>> -> memref<128xi32, #tpu.memory_space<hbm>>
        %dma_start3A_1367 = arith.constant 128 : i32
        %dma_start3A_1368 = tpu.memref_slice %arg6[%dma_start3A_1367] : memref<256xi32, #tpu.memory_space<vmem>> -> memref<128xi32, #tpu.memory_space<vmem>>
        %dma_start3A_1369 = arith.constant 0 : i32
        %dma_start3A_1370 = tpu.memref_slice %arg2[%select_n3A_1343, %add3A_1345, %select_n3A_1361, %dma_start3A_1369] : memref<25x128x8x128xi32, #tpu.memory_space<hbm>> -> memref<1x1x1x128xi32, #tpu.memory_space<hbm>>
        %dma_start3A_1371 = tpu.memref_squeeze %dma_start3A_1370 : memref<1x1x1x128xi32, #tpu.memory_space<hbm>> -> memref<128xi32, #tpu.memory_space<hbm>>
        tpu.enqueue_dma source(%dma_start3A_1371 : memref<128xi32, #tpu.memory_space<hbm>>) target(%dma_start3A_1368 : memref<128xi32, #tpu.memory_space<vmem>>) target_semaphore(%arg12 : memref<!tpu.dma_semaphore, #tpu.memory_space<semaphore_mem>>)
      } else {
      }
      %ge3A_1004 = arith.constant 2 : i32
      %ge3A_1005 = arith.cmpi sge, %add3A_986, %ge3A_1004 : i32
      %convert_element_type3A_1006 = arith.extui %ge3A_1005 : i1 to i32
      %cond3A_1007 = arith.constant 0 : i32
      %cond3A_1008 = arith.cmpi ne, %convert_element_type3A_1006, %cond3A_1007 : i32
      scf.if %cond3A_1008 {
        %dma_wait3A_1199 = arith.constant 0 : i32
        %dma_wait3A_1200 = arith.constant 0 : i32
        %dma_wait3A_1201 = arith.constant 0 : i32
        %dma_wait3A_1202 = arith.constant 0 : i32
        %dma_wait3A_1203 = tpu.memref_slice %arg10[%dma_wait3A_1201, %dma_wait3A_1202] : memref<128x131xf32, #tpu.memory_space<vmem>> -> memref<16x128xf32, #tpu.memory_space<vmem>>
        %dma_wait3A_1204 = arith.constant 0 : i32
        %dma_wait3A_1205 = arith.constant 0 : i32
        %dma_wait3A_1206 = tpu.memref_slice %arg4[%dma_wait3A_1199, %dma_wait3A_1200, %dma_wait3A_1204, %dma_wait3A_1205] : memref<200x8x1024x128xf32, #tpu.memory_space<hbm>> -> memref<1x1x16x128xf32, #tpu.memory_space<hbm>>
        %dma_wait3A_1207 = tpu.memref_squeeze %dma_wait3A_1206 : memref<1x1x16x128xf32, #tpu.memory_space<hbm>> -> memref<16x128xf32, #tpu.memory_space<hbm>>
        %dma_wait3A_1208 = arith.constant 0 : i32
        %dma_wait3A_1209 = arith.constant 0 : i32
        %dma_wait3A_1210 = tpu.memref_slice %arg4[%dma_wait3A_1199, %dma_wait3A_1200, %dma_wait3A_1208, %dma_wait3A_1209] : memref<200x8x1024x128xf32, #tpu.memory_space<hbm>> -> memref<1x1x16x128xf32, #tpu.memory_space<hbm>>
        %dma_wait3A_1211 = tpu.memref_squeeze %dma_wait3A_1210 : memref<1x1x16x128xf32, #tpu.memory_space<hbm>> -> memref<16x128xf32, #tpu.memory_space<hbm>>
        %dma_wait3A_1212 = arith.constant 0 : i32
        %dma_wait3A_1213 = arith.constant 0 : i32
        %dma_wait3A_1214 = tpu.memref_slice %arg10[%dma_wait3A_1212, %dma_wait3A_1213] : memref<128x131xf32, #tpu.memory_space<vmem>> -> memref<16x128xf32, #tpu.memory_space<vmem>>
        tpu.wait_dma2 semaphore(%arg15 : memref<!tpu.dma_semaphore, #tpu.memory_space<semaphore_mem>>) src(%dma_wait3A_1214 : memref<16x128xf32, #tpu.memory_space<vmem>>) dst(%dma_wait3A_1211 : memref<16x128xf32, #tpu.memory_space<hbm>>)
        %dma_wait3A_1215 = arith.constant 0 : i32
        %dma_wait3A_1216 = arith.constant 0 : i32
        %dma_wait3A_1217 = arith.constant 0 : i32
        %dma_wait3A_1218 = arith.constant 0 : i32
        %dma_wait3A_1219 = tpu.memref_slice %arg10[%dma_wait3A_1217, %dma_wait3A_1218] : memref<128x131xf32, #tpu.memory_space<vmem>> -> memref<16x128xf32, #tpu.memory_space<vmem>>
        %dma_wait3A_1220 = arith.constant 0 : i32
        %dma_wait3A_1221 = arith.constant 0 : i32
        %dma_wait3A_1222 = tpu.memref_slice %arg4[%dma_wait3A_1215, %dma_wait3A_1216, %dma_wait3A_1220, %dma_wait3A_1221] : memref<200x8x1024x128xf32, #tpu.memory_space<hbm>> -> memref<1x1x16x128xf32, #tpu.memory_space<hbm>>
        %dma_wait3A_1223 = tpu.memref_squeeze %dma_wait3A_1222 : memref<1x1x16x128xf32, #tpu.memory_space<hbm>> -> memref<16x128xf32, #tpu.memory_space<hbm>>
        %dma_wait3A_1224 = arith.constant 0 : i32
        %dma_wait3A_1225 = arith.constant 0 : i32
        %dma_wait3A_1226 = tpu.memref_slice %arg4[%dma_wait3A_1215, %dma_wait3A_1216, %dma_wait3A_1224, %dma_wait3A_1225] : memref<200x8x1024x128xf32, #tpu.memory_space<hbm>> -> memref<1x1x16x128xf32, #tpu.memory_space<hbm>>
        %dma_wait3A_1227 = tpu.memref_squeeze %dma_wait3A_1226 : memref<1x1x16x128xf32, #tpu.memory_space<hbm>> -> memref<16x128xf32, #tpu.memory_space<hbm>>
        %dma_wait3A_1228 = arith.constant 0 : i32
        %dma_wait3A_1229 = arith.constant 0 : i32
        %dma_wait3A_1230 = tpu.memref_slice %arg10[%dma_wait3A_1228, %dma_wait3A_1229] : memref<128x131xf32, #tpu.memory_space<vmem>> -> memref<16x128xf32, #tpu.memory_space<vmem>>
        tpu.wait_dma2 semaphore(%arg15 : memref<!tpu.dma_semaphore, #tpu.memory_space<semaphore_mem>>) src(%dma_wait3A_1230 : memref<16x128xf32, #tpu.memory_space<vmem>>) dst(%dma_wait3A_1227 : memref<16x128xf32, #tpu.memory_space<hbm>>)
        %dma_wait3A_1231 = arith.constant 0 : i32
        %dma_wait3A_1232 = arith.constant 0 : i32
        %dma_wait3A_1233 = arith.constant 0 : i32
        %dma_wait3A_1234 = arith.constant 0 : i32
        %dma_wait3A_1235 = tpu.memref_slice %arg10[%dma_wait3A_1233, %dma_wait3A_1234] : memref<128x131xf32, #tpu.memory_space<vmem>> -> memref<16x128xf32, #tpu.memory_space<vmem>>
        %dma_wait3A_1236 = arith.constant 0 : i32
        %dma_wait3A_1237 = arith.constant 0 : i32
        %dma_wait3A_1238 = tpu.memref_slice %arg4[%dma_wait3A_1231, %dma_wait3A_1232, %dma_wait3A_1236, %dma_wait3A_1237] : memref<200x8x1024x128xf32, #tpu.memory_space<hbm>> -> memref<1x1x16x128xf32, #tpu.memory_space<hbm>>
        %dma_wait3A_1239 = tpu.memref_squeeze %dma_wait3A_1238 : memref<1x1x16x128xf32, #tpu.memory_space<hbm>> -> memref<16x128xf32, #tpu.memory_space<hbm>>
        %dma_wait3A_1240 = arith.constant 0 : i32
        %dma_wait3A_1241 = arith.constant 0 : i32
        %dma_wait3A_1242 = tpu.memref_slice %arg4[%dma_wait3A_1231, %dma_wait3A_1232, %dma_wait3A_1240, %dma_wait3A_1241] : memref<200x8x1024x128xf32, #tpu.memory_space<hbm>> -> memref<1x1x16x128xf32, #tpu.memory_space<hbm>>
        %dma_wait3A_1243 = tpu.memref_squeeze %dma_wait3A_1242 : memref<1x1x16x128xf32, #tpu.memory_space<hbm>> -> memref<16x128xf32, #tpu.memory_space<hbm>>
        %dma_wait3A_1244 = arith.constant 0 : i32
        %dma_wait3A_1245 = arith.constant 0 : i32
        %dma_wait3A_1246 = tpu.memref_slice %arg10[%dma_wait3A_1244, %dma_wait3A_1245] : memref<128x131xf32, #tpu.memory_space<vmem>> -> memref<16x128xf32, #tpu.memory_space<vmem>>
        tpu.wait_dma2 semaphore(%arg15 : memref<!tpu.dma_semaphore, #tpu.memory_space<semaphore_mem>>) src(%dma_wait3A_1246 : memref<16x128xf32, #tpu.memory_space<vmem>>) dst(%dma_wait3A_1243 : memref<16x128xf32, #tpu.memory_space<hbm>>)
        %dma_wait3A_1247 = arith.constant 0 : i32
        %dma_wait3A_1248 = arith.constant 0 : i32
        %dma_wait3A_1249 = arith.constant 0 : i32
        %dma_wait3A_1250 = arith.constant 0 : i32
        %dma_wait3A_1251 = tpu.memref_slice %arg10[%dma_wait3A_1249, %dma_wait3A_1250] : memref<128x131xf32, #tpu.memory_space<vmem>> -> memref<16x128xf32, #tpu.memory_space<vmem>>
        %dma_wait3A_1252 = arith.constant 0 : i32
        %dma_wait3A_1253 = arith.constant 0 : i32
        %dma_wait3A_1254 = tpu.memref_slice %arg4[%dma_wait3A_1247, %dma_wait3A_1248, %dma_wait3A_1252, %dma_wait3A_1253] : memref<200x8x1024x128xf32, #tpu.memory_space<hbm>> -> memref<1x1x16x128xf32, #tpu.memory_space<hbm>>
        %dma_wait3A_1255 = tpu.memref_squeeze %dma_wait3A_1254 : memref<1x1x16x128xf32, #tpu.memory_space<hbm>> -> memref<16x128xf32, #tpu.memory_space<hbm>>
        %dma_wait3A_1256 = arith.constant 0 : i32
        %dma_wait3A_1257 = arith.constant 0 : i32
        %dma_wait3A_1258 = tpu.memref_slice %arg4[%dma_wait3A_1247, %dma_wait3A_1248, %dma_wait3A_1256, %dma_wait3A_1257] : memref<200x8x1024x128xf32, #tpu.memory_space<hbm>> -> memref<1x1x16x128xf32, #tpu.memory_space<hbm>>
        %dma_wait3A_1259 = tpu.memref_squeeze %dma_wait3A_1258 : memref<1x1x16x128xf32, #tpu.memory_space<hbm>> -> memref<16x128xf32, #tpu.memory_space<hbm>>
        %dma_wait3A_1260 = arith.constant 0 : i32
        %dma_wait3A_1261 = arith.constant 0 : i32
        %dma_wait3A_1262 = tpu.memref_slice %arg10[%dma_wait3A_1260, %dma_wait3A_1261] : memref<128x131xf32, #tpu.memory_space<vmem>> -> memref<16x128xf32, #tpu.memory_space<vmem>>
        tpu.wait_dma2 semaphore(%arg15 : memref<!tpu.dma_semaphore, #tpu.memory_space<semaphore_mem>>) src(%dma_wait3A_1262 : memref<16x128xf32, #tpu.memory_space<vmem>>) dst(%dma_wait3A_1259 : memref<16x128xf32, #tpu.memory_space<hbm>>)
        %dma_wait3A_1263 = arith.constant 0 : i32
        %dma_wait3A_1264 = arith.constant 0 : i32
        %dma_wait3A_1265 = arith.constant 0 : i32
        %dma_wait3A_1266 = arith.constant 0 : i32
        %dma_wait3A_1267 = tpu.memref_slice %arg10[%dma_wait3A_1265, %dma_wait3A_1266] : memref<128x131xf32, #tpu.memory_space<vmem>> -> memref<16x128xf32, #tpu.memory_space<vmem>>
        %dma_wait3A_1268 = arith.constant 0 : i32
        %dma_wait3A_1269 = arith.constant 0 : i32
        %dma_wait3A_1270 = tpu.memref_slice %arg4[%dma_wait3A_1263, %dma_wait3A_1264, %dma_wait3A_1268, %dma_wait3A_1269] : memref<200x8x1024x128xf32, #tpu.memory_space<hbm>> -> memref<1x1x16x128xf32, #tpu.memory_space<hbm>>
        %dma_wait3A_1271 = tpu.memref_squeeze %dma_wait3A_1270 : memref<1x1x16x128xf32, #tpu.memory_space<hbm>> -> memref<16x128xf32, #tpu.memory_space<hbm>>
        %dma_wait3A_1272 = arith.constant 0 : i32
        %dma_wait3A_1273 = arith.constant 0 : i32
        %dma_wait3A_1274 = tpu.memref_slice %arg4[%dma_wait3A_1263, %dma_wait3A_1264, %dma_wait3A_1272, %dma_wait3A_1273] : memref<200x8x1024x128xf32, #tpu.memory_space<hbm>> -> memref<1x1x16x128xf32, #tpu.memory_space<hbm>>
        %dma_wait3A_1275 = tpu.memref_squeeze %dma_wait3A_1274 : memref<1x1x16x128xf32, #tpu.memory_space<hbm>> -> memref<16x128xf32, #tpu.memory_space<hbm>>
        %dma_wait3A_1276 = arith.constant 0 : i32
        %dma_wait3A_1277 = arith.constant 0 : i32
        %dma_wait3A_1278 = tpu.memref_slice %arg10[%dma_wait3A_1276, %dma_wait3A_1277] : memref<128x131xf32, #tpu.memory_space<vmem>> -> memref<16x128xf32, #tpu.memory_space<vmem>>
        tpu.wait_dma2 semaphore(%arg15 : memref<!tpu.dma_semaphore, #tpu.memory_space<semaphore_mem>>) src(%dma_wait3A_1278 : memref<16x128xf32, #tpu.memory_space<vmem>>) dst(%dma_wait3A_1275 : memref<16x128xf32, #tpu.memory_space<hbm>>)
        %dma_wait3A_1279 = arith.constant 0 : i32
        %dma_wait3A_1280 = arith.constant 0 : i32
        %dma_wait3A_1281 = arith.constant 0 : i32
        %dma_wait3A_1282 = arith.constant 0 : i32
        %dma_wait3A_1283 = tpu.memref_slice %arg10[%dma_wait3A_1281, %dma_wait3A_1282] : memref<128x131xf32, #tpu.memory_space<vmem>> -> memref<16x128xf32, #tpu.memory_space<vmem>>
        %dma_wait3A_1284 = arith.constant 0 : i32
        %dma_wait3A_1285 = arith.constant 0 : i32
        %dma_wait3A_1286 = tpu.memref_slice %arg4[%dma_wait3A_1279, %dma_wait3A_1280, %dma_wait3A_1284, %dma_wait3A_1285] : memref<200x8x1024x128xf32, #tpu.memory_space<hbm>> -> memref<1x1x16x128xf32, #tpu.memory_space<hbm>>
        %dma_wait3A_1287 = tpu.memref_squeeze %dma_wait3A_1286 : memref<1x1x16x128xf32, #tpu.memory_space<hbm>> -> memref<16x128xf32, #tpu.memory_space<hbm>>
        %dma_wait3A_1288 = arith.constant 0 : i32
        %dma_wait3A_1289 = arith.constant 0 : i32
        %dma_wait3A_1290 = tpu.memref_slice %arg4[%dma_wait3A_1279, %dma_wait3A_1280, %dma_wait3A_1288, %dma_wait3A_1289] : memref<200x8x1024x128xf32, #tpu.memory_space<hbm>> -> memref<1x1x16x128xf32, #tpu.memory_space<hbm>>
        %dma_wait3A_1291 = tpu.memref_squeeze %dma_wait3A_1290 : memref<1x1x16x128xf32, #tpu.memory_space<hbm>> -> memref<16x128xf32, #tpu.memory_space<hbm>>
        %dma_wait3A_1292 = arith.constant 0 : i32
        %dma_wait3A_1293 = arith.constant 0 : i32
        %dma_wait3A_1294 = tpu.memref_slice %arg10[%dma_wait3A_1292, %dma_wait3A_1293] : memref<128x131xf32, #tpu.memory_space<vmem>> -> memref<16x128xf32, #tpu.memory_space<vmem>>
        tpu.wait_dma2 semaphore(%arg15 : memref<!tpu.dma_semaphore, #tpu.memory_space<semaphore_mem>>) src(%dma_wait3A_1294 : memref<16x128xf32, #tpu.memory_space<vmem>>) dst(%dma_wait3A_1291 : memref<16x128xf32, #tpu.memory_space<hbm>>)
        %dma_wait3A_1295 = arith.constant 0 : i32
        %dma_wait3A_1296 = arith.constant 0 : i32
        %dma_wait3A_1297 = arith.constant 0 : i32
        %dma_wait3A_1298 = arith.constant 0 : i32
        %dma_wait3A_1299 = tpu.memref_slice %arg10[%dma_wait3A_1297, %dma_wait3A_1298] : memref<128x131xf32, #tpu.memory_space<vmem>> -> memref<16x128xf32, #tpu.memory_space<vmem>>
        %dma_wait3A_1300 = arith.constant 0 : i32
        %dma_wait3A_1301 = arith.constant 0 : i32
        %dma_wait3A_1302 = tpu.memref_slice %arg4[%dma_wait3A_1295, %dma_wait3A_1296, %dma_wait3A_1300, %dma_wait3A_1301] : memref<200x8x1024x128xf32, #tpu.memory_space<hbm>> -> memref<1x1x16x128xf32, #tpu.memory_space<hbm>>
        %dma_wait3A_1303 = tpu.memref_squeeze %dma_wait3A_1302 : memref<1x1x16x128xf32, #tpu.memory_space<hbm>> -> memref<16x128xf32, #tpu.memory_space<hbm>>
        %dma_wait3A_1304 = arith.constant 0 : i32
        %dma_wait3A_1305 = arith.constant 0 : i32
        %dma_wait3A_1306 = tpu.memref_slice %arg4[%dma_wait3A_1295, %dma_wait3A_1296, %dma_wait3A_1304, %dma_wait3A_1305] : memref<200x8x1024x128xf32, #tpu.memory_space<hbm>> -> memref<1x1x16x128xf32, #tpu.memory_space<hbm>>
        %dma_wait3A_1307 = tpu.memref_squeeze %dma_wait3A_1306 : memref<1x1x16x128xf32, #tpu.memory_space<hbm>> -> memref<16x128xf32, #tpu.memory_space<hbm>>
        %dma_wait3A_1308 = arith.constant 0 : i32
        %dma_wait3A_1309 = arith.constant 0 : i32
        %dma_wait3A_1310 = tpu.memref_slice %arg10[%dma_wait3A_1308, %dma_wait3A_1309] : memref<128x131xf32, #tpu.memory_space<vmem>> -> memref<16x128xf32, #tpu.memory_space<vmem>>
        tpu.wait_dma2 semaphore(%arg15 : memref<!tpu.dma_semaphore, #tpu.memory_space<semaphore_mem>>) src(%dma_wait3A_1310 : memref<16x128xf32, #tpu.memory_space<vmem>>) dst(%dma_wait3A_1307 : memref<16x128xf32, #tpu.memory_space<hbm>>)
        %dma_wait3A_1311 = arith.constant 0 : i32
        %dma_wait3A_1312 = arith.constant 0 : i32
        %dma_wait3A_1313 = arith.constant 0 : i32
        %dma_wait3A_1314 = arith.constant 0 : i32
        %dma_wait3A_1315 = tpu.memref_slice %arg10[%dma_wait3A_1313, %dma_wait3A_1314] : memref<128x131xf32, #tpu.memory_space<vmem>> -> memref<16x128xf32, #tpu.memory_space<vmem>>
        %dma_wait3A_1316 = arith.constant 0 : i32
        %dma_wait3A_1317 = arith.constant 0 : i32
        %dma_wait3A_1318 = tpu.memref_slice %arg4[%dma_wait3A_1311, %dma_wait3A_1312, %dma_wait3A_1316, %dma_wait3A_1317] : memref<200x8x1024x128xf32, #tpu.memory_space<hbm>> -> memref<1x1x16x128xf32, #tpu.memory_space<hbm>>
        %dma_wait3A_1319 = tpu.memref_squeeze %dma_wait3A_1318 : memref<1x1x16x128xf32, #tpu.memory_space<hbm>> -> memref<16x128xf32, #tpu.memory_space<hbm>>
        %dma_wait3A_1320 = arith.constant 0 : i32
        %dma_wait3A_1321 = arith.constant 0 : i32
        %dma_wait3A_1322 = tpu.memref_slice %arg4[%dma_wait3A_1311, %dma_wait3A_1312, %dma_wait3A_1320, %dma_wait3A_1321] : memref<200x8x1024x128xf32, #tpu.memory_space<hbm>> -> memref<1x1x16x128xf32, #tpu.memory_space<hbm>>
        %dma_wait3A_1323 = tpu.memref_squeeze %dma_wait3A_1322 : memref<1x1x16x128xf32, #tpu.memory_space<hbm>> -> memref<16x128xf32, #tpu.memory_space<hbm>>
        %dma_wait3A_1324 = arith.constant 0 : i32
        %dma_wait3A_1325 = arith.constant 0 : i32
        %dma_wait3A_1326 = tpu.memref_slice %arg10[%dma_wait3A_1324, %dma_wait3A_1325] : memref<128x131xf32, #tpu.memory_space<vmem>> -> memref<16x128xf32, #tpu.memory_space<vmem>>
        tpu.wait_dma2 semaphore(%arg15 : memref<!tpu.dma_semaphore, #tpu.memory_space<semaphore_mem>>) src(%dma_wait3A_1326 : memref<16x128xf32, #tpu.memory_space<vmem>>) dst(%dma_wait3A_1323 : memref<16x128xf32, #tpu.memory_space<hbm>>)
      } else {
      }
      %parallel_loop3A_1009 = arith.constant 0 : i32
      %parallel_loop3A_1010 = arith.constant 128 : i32
      %parallel_loop3A_1011 = arith.constant 1 : i32
      scf.for %parallel_loop3A_1199 = %parallel_loop3A_1009 to %parallel_loop3A_1010 step %parallel_loop3A_1011  : i32 {
        %parallel_loop3A_1200 = vector.broadcast %parallel_loop3A_1199 : i32 to vector<16xi32>
        %parallel_loop3A_1201 = arith.constant 0 : i32
        %parallel_loop3A_1202 = arith.addi %parallel_loop3A_1201, %parallel_loop3A_1199 : i32
        %parallel_loop3A_1203 = arith.index_cast %parallel_loop3A_1202 : i32 to index
        %parallel_loop3A_1204 = arith.constant 0 : index
        %parallel_loop3A_1205 = tpu.vector_load %arg8[%parallel_loop3A_1203, %parallel_loop3A_1204] {strides = array<i32>} : memref<256x64xf32, #tpu.memory_space<vmem>>, vector<16xf32>,
        tpu.vector_store_idx %arg10[%add3A_19, %parallel_loop3A_1200], %parallel_loop3A_1205 : memref<128x131xf32, #tpu.memory_space<vmem>>[vector<16xi32>, vector<16xi32>], vector<16xf32>,
        %parallel_loop3A_1206 = arith.constant 0 : i32
        %parallel_loop3A_1207 = arith.addi %parallel_loop3A_1206, %parallel_loop3A_1199 : i32
        %parallel_loop3A_1208 = arith.index_cast %parallel_loop3A_1207 : i32 to index
        %parallel_loop3A_1209 = arith.constant 16 : index
        %parallel_loop3A_1210 = tpu.vector_load %arg8[%parallel_loop3A_1208, %parallel_loop3A_1209] {strides = array<i32>} : memref<256x64xf32, #tpu.memory_space<vmem>>, vector<16xf32>,
        tpu.vector_store_idx %arg10[%add3A_38, %parallel_loop3A_1200], %parallel_loop3A_1210 : memref<128x131xf32, #tpu.memory_space<vmem>>[vector<16xi32>, vector<16xi32>], vector<16xf32>,
        %parallel_loop3A_1211 = arith.constant 0 : i32
        %parallel_loop3A_1212 = arith.addi %parallel_loop3A_1211, %parallel_loop3A_1199 : i32
        %parallel_loop3A_1213 = arith.index_cast %parallel_loop3A_1212 : i32 to index
        %parallel_loop3A_1214 = arith.constant 32 : index
        %parallel_loop3A_1215 = tpu.vector_load %arg8[%parallel_loop3A_1213, %parallel_loop3A_1214] {strides = array<i32>} : memref<256x64xf32, #tpu.memory_space<vmem>>, vector<16xf32>,
        tpu.vector_store_idx %arg10[%add3A_57, %parallel_loop3A_1200], %parallel_loop3A_1215 : memref<128x131xf32, #tpu.memory_space<vmem>>[vector<16xi32>, vector<16xi32>], vector<16xf32>,
        %parallel_loop3A_1216 = arith.constant 0 : i32
        %parallel_loop3A_1217 = arith.addi %parallel_loop3A_1216, %parallel_loop3A_1199 : i32
        %parallel_loop3A_1218 = arith.index_cast %parallel_loop3A_1217 : i32 to index
        %parallel_loop3A_1219 = arith.constant 48 : index
        %parallel_loop3A_1220 = tpu.vector_load %arg8[%parallel_loop3A_1218, %parallel_loop3A_1219] {strides = array<i32>} : memref<256x64xf32, #tpu.memory_space<vmem>>, vector<16xf32>,
        tpu.vector_store_idx %arg10[%add3A_76, %parallel_loop3A_1200], %parallel_loop3A_1220 : memref<128x131xf32, #tpu.memory_space<vmem>>[vector<16xi32>, vector<16xi32>], vector<16xf32>,
        %parallel_loop3A_1221 = arith.constant 128 : i32
        %parallel_loop3A_1222 = arith.addi %parallel_loop3A_1221, %parallel_loop3A_1199 : i32
        %parallel_loop3A_1223 = arith.index_cast %parallel_loop3A_1222 : i32 to index
        %parallel_loop3A_1224 = arith.constant 0 : index
        %parallel_loop3A_1225 = tpu.vector_load %arg8[%parallel_loop3A_1223, %parallel_loop3A_1224] {strides = array<i32>} : memref<256x64xf32, #tpu.memory_space<vmem>>, vector<16xf32>,
        tpu.vector_store_idx %arg10[%add3A_95, %parallel_loop3A_1200], %parallel_loop3A_1225 : memref<128x131xf32, #tpu.memory_space<vmem>>[vector<16xi32>, vector<16xi32>], vector<16xf32>,
        %parallel_loop3A_1226 = arith.constant 128 : i32
        %parallel_loop3A_1227 = arith.addi %parallel_loop3A_1226, %parallel_loop3A_1199 : i32
        %parallel_loop3A_1228 = arith.index_cast %parallel_loop3A_1227 : i32 to index
        %parallel_loop3A_1229 = arith.constant 16 : index
        %parallel_loop3A_1230 = tpu.vector_load %arg8[%parallel_loop3A_1228, %parallel_loop3A_1229] {strides = array<i32>} : memref<256x64xf32, #tpu.memory_space<vmem>>, vector<16xf32>,
        tpu.vector_store_idx %arg10[%add3A_114, %parallel_loop3A_1200], %parallel_loop3A_1230 : memref<128x131xf32, #tpu.memory_space<vmem>>[vector<16xi32>, vector<16xi32>], vector<16xf32>,
        %parallel_loop3A_1231 = arith.constant 128 : i32
        %parallel_loop3A_1232 = arith.addi %parallel_loop3A_1231, %parallel_loop3A_1199 : i32
        %parallel_loop3A_1233 = arith.index_cast %parallel_loop3A_1232 : i32 to index
        %parallel_loop3A_1234 = arith.constant 32 : index
        %parallel_loop3A_1235 = tpu.vector_load %arg8[%parallel_loop3A_1233, %parallel_loop3A_1234] {strides = array<i32>} : memref<256x64xf32, #tpu.memory_space<vmem>>, vector<16xf32>,
        tpu.vector_store_idx %arg10[%add3A_133, %parallel_loop3A_1200], %parallel_loop3A_1235 : memref<128x131xf32, #tpu.memory_space<vmem>>[vector<16xi32>, vector<16xi32>], vector<16xf32>,
        %parallel_loop3A_1236 = arith.constant 128 : i32
        %parallel_loop3A_1237 = arith.addi %parallel_loop3A_1236, %parallel_loop3A_1199 : i32
        %parallel_loop3A_1238 = arith.index_cast %parallel_loop3A_1237 : i32 to index
        %parallel_loop3A_1239 = arith.constant 48 : index
        %parallel_loop3A_1240 = tpu.vector_load %arg8[%parallel_loop3A_1238, %parallel_loop3A_1239] {strides = array<i32>} : memref<256x64xf32, #tpu.memory_space<vmem>>, vector<16xf32>,
        tpu.vector_store_idx %arg10[%add3A_152, %parallel_loop3A_1200], %parallel_loop3A_1240 : memref<128x131xf32, #tpu.memory_space<vmem>>[vector<16xi32>, vector<16xi32>], vector<16xf32>,
      } {sc.loop_unroll_factor = 2 : i64, sc.parallel_access}
      %mul3A_1012 = arith.constant 256 : i32
      %mul3A_1013 = arith.muli %add3A_986, %mul3A_1012 : i32
      %add3A_1014 = arith.addi %mul3A_2, %mul3A_1013 : i32
      %jit3A_1015 = arith.constant 16384 : i32
      %div3A_1016 = arith.divsi %add3A_1014, %jit3A_1015 : i32
      %sign3A_1017 = arith.constant 0 : i32
      %sign3A_1018 = arith.cmpi sgt, %add3A_1014, %sign3A_1017 : i32
      %sign3A_1019 = arith.extui %sign3A_1018 : i1 to i32
      %sign3A_1020 = arith.constant 0 : i32
      %sign3A_1021 = arith.cmpi slt, %add3A_1014, %sign3A_1020 : i32
      %sign3A_1022 = arith.extui %sign3A_1021 : i1 to i32
      %sign3A_1023 = arith.subi %sign3A_1019, %sign3A_1022 : i32
      %sign3A_1024 = arith.constant 0 : i32
      %sign3A_1025 = arith.cmpi sgt, %jit3A_1015, %sign3A_1024 : i32
      %sign3A_1026 = arith.extui %sign3A_1025 : i1 to i32
      %sign3A_1027 = arith.constant 0 : i32
      %sign3A_1028 = arith.cmpi slt, %jit3A_1015, %sign3A_1027 : i32
      %sign3A_1029 = arith.extui %sign3A_1028 : i1 to i32
      %sign3A_1030 = arith.subi %sign3A_1026, %sign3A_1029 : i32
      %ne3A_1031 = arith.cmpi ne, %sign3A_1023, %sign3A_1030 : i32
      %rem3A_1032 = arith.remsi %add3A_1014, %jit3A_1015 : i32
      %ne3A_1033 = arith.constant 0 : i32
      %ne3A_1034 = arith.cmpi ne, %rem3A_1032, %ne3A_1033 : i32
      %and3A_1035 = arith.andi %ne3A_1031, %ne3A_1034 : i1
      %sub3A_1036 = arith.constant 1 : i32
      %sub3A_1037 = arith.subi %div3A_1016, %sub3A_1036 : i32
      %select_n3A_1038 = arith.select %and3A_1035, %sub3A_1037, %div3A_1016 : i32
      %jit3A_1039 = arith.constant 16384 : i32
      %eq3A_1040 = arith.constant 0 : i32
      %eq3A_1041 = arith.cmpi eq, %jit3A_1039, %eq3A_1040 : i32
      %jit3A_1042 = arith.constant 1 : i32
      %select_n3A_1043 = arith.select %eq3A_1041, %jit3A_1042, %jit3A_1039 : i32
      %rem3A_1044 = arith.remsi %add3A_1014, %select_n3A_1043 : i32
      %ne3A_1045 = arith.constant 0 : i32
      %ne3A_1046 = arith.cmpi ne, %rem3A_1044, %ne3A_1045 : i32
      %lt3A_1047 = arith.constant 0 : i32
      %lt3A_1048 = arith.cmpi slt, %rem3A_1044, %lt3A_1047 : i32
      %lt3A_1049 = arith.constant 0 : i32
      %lt3A_1050 = arith.cmpi slt, %select_n3A_1043, %lt3A_1049 : i32
      %ne3A_1051 = arith.xori %lt3A_1048, %lt3A_1050 : i1
      %and3A_1052 = arith.andi %ne3A_1051, %ne3A_1046 : i1
      %add3A_1053 = arith.addi %rem3A_1044, %select_n3A_1043 : i32
      %select_n3A_1054 = arith.select %and3A_1052, %add3A_1053, %rem3A_1044 : i32
      %jit3A_1055 = arith.constant 128 : i32
      %div3A_1056 = arith.divsi %select_n3A_1054, %jit3A_1055 : i32
      %sign3A_1057 = arith.constant 0 : i32
      %sign3A_1058 = arith.cmpi sgt, %select_n3A_1054, %sign3A_1057 : i32
      %sign3A_1059 = arith.extui %sign3A_1058 : i1 to i32
      %sign3A_1060 = arith.constant 0 : i32
      %sign3A_1061 = arith.cmpi slt, %select_n3A_1054, %sign3A_1060 : i32
      %sign3A_1062 = arith.extui %sign3A_1061 : i1 to i32
      %sign3A_1063 = arith.subi %sign3A_1059, %sign3A_1062 : i32
      %sign3A_1064 = arith.constant 0 : i32
      %sign3A_1065 = arith.cmpi sgt, %jit3A_1055, %sign3A_1064 : i32
      %sign3A_1066 = arith.extui %sign3A_1065 : i1 to i32
      %sign3A_1067 = arith.constant 0 : i32
      %sign3A_1068 = arith.cmpi slt, %jit3A_1055, %sign3A_1067 : i32
      %sign3A_1069 = arith.extui %sign3A_1068 : i1 to i32
      %sign3A_1070 = arith.subi %sign3A_1066, %sign3A_1069 : i32
      %ne3A_1071 = arith.cmpi ne, %sign3A_1063, %sign3A_1070 : i32
      %rem3A_1072 = arith.remsi %select_n3A_1054, %jit3A_1055 : i32
      %ne3A_1073 = arith.constant 0 : i32
      %ne3A_1074 = arith.cmpi ne, %rem3A_1072, %ne3A_1073 : i32
      %and3A_1075 = arith.andi %ne3A_1071, %ne3A_1074 : i1
      %sub3A_1076 = arith.constant 1 : i32
      %sub3A_1077 = arith.subi %div3A_1056, %sub3A_1076 : i32
      %select_n3A_1078 = arith.select %and3A_1075, %sub3A_1077, %div3A_1056 : i32
      %mul3A_1079 = arith.constant 8 : i32
      %mul3A_1080 = arith.muli %select_n3A_1078, %mul3A_1079 : i32
      %dma_start3A_1081 = arith.constant 0 : i32
      %dma_start3A_1082 = arith.constant 0 : i32
      %dma_start3A_1083 = arith.constant 0 : i32
      %dma_start3A_1084 = tpu.memref_slice %arg10[%dma_start3A_1082, %dma_start3A_1083] : memref<128x131xf32, #tpu.memory_space<vmem>> -> memref<16x128xf32, #tpu.memory_space<vmem>>
      %dma_start3A_1085 = arith.constant 0 : i32
      %dma_start3A_1086 = tpu.memref_slice %arg4[%select_n3A_1038, %dma_start3A_1081, %mul3A_1080, %dma_start3A_1085] : memref<200x8x1024x128xf32, #tpu.memory_space<hbm>> -> memref<1x1x16x128xf32, #tpu.memory_space<hbm>>
      %dma_start3A_1087 = tpu.memref_squeeze %dma_start3A_1086 : memref<1x1x16x128xf32, #tpu.memory_space<hbm>> -> memref<16x128xf32, #tpu.memory_space<hbm>>
      %dma_start3A_1088 = arith.constant 0 : i32
      %dma_start3A_1089 = tpu.memref_slice %arg4[%select_n3A_1038, %dma_start3A_1081, %mul3A_1080, %dma_start3A_1088] : memref<200x8x1024x128xf32, #tpu.memory_space<hbm>> -> memref<1x1x16x128xf32, #tpu.memory_space<hbm>>
      %dma_start3A_1090 = tpu.memref_squeeze %dma_start3A_1089 : memref<1x1x16x128xf32, #tpu.memory_space<hbm>> -> memref<16x128xf32, #tpu.memory_space<hbm>>
      %dma_start3A_1091 = arith.constant 0 : i32
      %dma_start3A_1092 = arith.constant 0 : i32
      %dma_start3A_1093 = tpu.memref_slice %arg10[%dma_start3A_1091, %dma_start3A_1092] : memref<128x131xf32, #tpu.memory_space<vmem>> -> memref<16x128xf32, #tpu.memory_space<vmem>>
      tpu.enqueue_dma source(%dma_start3A_1093 : memref<16x128xf32, #tpu.memory_space<vmem>>) target(%dma_start3A_1090 : memref<16x128xf32, #tpu.memory_space<hbm>>) target_semaphore(%arg15 : memref<!tpu.dma_semaphore, #tpu.memory_space<semaphore_mem>>)
      %mul3A_1094 = arith.constant 8 : i32
      %mul3A_1095 = arith.muli %select_n3A_1078, %mul3A_1094 : i32
      %dma_start3A_1096 = arith.constant 1 : i32
      %dma_start3A_1097 = arith.constant 16 : i32
      %dma_start3A_1098 = arith.constant 0 : i32
      %dma_start3A_1099 = tpu.memref_slice %arg10[%dma_start3A_1097, %dma_start3A_1098] : memref<128x131xf32, #tpu.memory_space<vmem>> -> memref<16x128xf32, #tpu.memory_space<vmem>>
      %dma_start3A_1100 = arith.constant 0 : i32
      %dma_start3A_1101 = tpu.memref_slice %arg4[%select_n3A_1038, %dma_start3A_1096, %mul3A_1095, %dma_start3A_1100] : memref<200x8x1024x128xf32, #tpu.memory_space<hbm>> -> memref<1x1x16x128xf32, #tpu.memory_space<hbm>>
      %dma_start3A_1102 = tpu.memref_squeeze %dma_start3A_1101 : memref<1x1x16x128xf32, #tpu.memory_space<hbm>> -> memref<16x128xf32, #tpu.memory_space<hbm>>
      %dma_start3A_1103 = arith.constant 0 : i32
      %dma_start3A_1104 = tpu.memref_slice %arg4[%select_n3A_1038, %dma_start3A_1096, %mul3A_1095, %dma_start3A_1103] : memref<200x8x1024x128xf32, #tpu.memory_space<hbm>> -> memref<1x1x16x128xf32, #tpu.memory_space<hbm>>
      %dma_start3A_1105 = tpu.memref_squeeze %dma_start3A_1104 : memref<1x1x16x128xf32, #tpu.memory_space<hbm>> -> memref<16x128xf32, #tpu.memory_space<hbm>>
      %dma_start3A_1106 = arith.constant 16 : i32
      %dma_start3A_1107 = arith.constant 0 : i32
      %dma_start3A_1108 = tpu.memref_slice %arg10[%dma_start3A_1106, %dma_start3A_1107] : memref<128x131xf32, #tpu.memory_space<vmem>> -> memref<16x128xf32, #tpu.memory_space<vmem>>
      tpu.enqueue_dma source(%dma_start3A_1108 : memref<16x128xf32, #tpu.memory_space<vmem>>) target(%dma_start3A_1105 : memref<16x128xf32, #tpu.memory_space<hbm>>) target_semaphore(%arg15 : memref<!tpu.dma_semaphore, #tpu.memory_space<semaphore_mem>>)
      %mul3A_1109 = arith.constant 8 : i32
      %mul3A_1110 = arith.muli %select_n3A_1078, %mul3A_1109 : i32
      %dma_start3A_1111 = arith.constant 2 : i32
      %dma_start3A_1112 = arith.constant 32 : i32
      %dma_start3A_1113 = arith.constant 0 : i32
      %dma_start3A_1114 = tpu.memref_slice %arg10[%dma_start3A_1112, %dma_start3A_1113] : memref<128x131xf32, #tpu.memory_space<vmem>> -> memref<16x128xf32, #tpu.memory_space<vmem>>
      %dma_start3A_1115 = arith.constant 0 : i32
      %dma_start3A_1116 = tpu.memref_slice %arg4[%select_n3A_1038, %dma_start3A_1111, %mul3A_1110, %dma_start3A_1115] : memref<200x8x1024x128xf32, #tpu.memory_space<hbm>> -> memref<1x1x16x128xf32, #tpu.memory_space<hbm>>
      %dma_start3A_1117 = tpu.memref_squeeze %dma_start3A_1116 : memref<1x1x16x128xf32, #tpu.memory_space<hbm>> -> memref<16x128xf32, #tpu.memory_space<hbm>>
      %dma_start3A_1118 = arith.constant 0 : i32
      %dma_start3A_1119 = tpu.memref_slice %arg4[%select_n3A_1038, %dma_start3A_1111, %mul3A_1110, %dma_start3A_1118] : memref<200x8x1024x128xf32, #tpu.memory_space<hbm>> -> memref<1x1x16x128xf32, #tpu.memory_space<hbm>>
      %dma_start3A_1120 = tpu.memref_squeeze %dma_start3A_1119 : memref<1x1x16x128xf32, #tpu.memory_space<hbm>> -> memref<16x128xf32, #tpu.memory_space<hbm>>
      %dma_start3A_1121 = arith.constant 32 : i32
      %dma_start3A_1122 = arith.constant 0 : i32
      %dma_start3A_1123 = tpu.memref_slice %arg10[%dma_start3A_1121, %dma_start3A_1122] : memref<128x131xf32, #tpu.memory_space<vmem>> -> memref<16x128xf32, #tpu.memory_space<vmem>>
      tpu.enqueue_dma source(%dma_start3A_1123 : memref<16x128xf32, #tpu.memory_space<vmem>>) target(%dma_start3A_1120 : memref<16x128xf32, #tpu.memory_space<hbm>>) target_semaphore(%arg15 : memref<!tpu.dma_semaphore, #tpu.memory_space<semaphore_mem>>)
      %mul3A_1124 = arith.constant 8 : i32
      %mul3A_1125 = arith.muli %select_n3A_1078, %mul3A_1124 : i32
      %dma_start3A_1126 = arith.constant 3 : i32
      %dma_start3A_1127 = arith.constant 48 : i32
      %dma_start3A_1128 = arith.constant 0 : i32
      %dma_start3A_1129 = tpu.memref_slice %arg10[%dma_start3A_1127, %dma_start3A_1128] : memref<128x131xf32, #tpu.memory_space<vmem>> -> memref<16x128xf32, #tpu.memory_space<vmem>>
      %dma_start3A_1130 = arith.constant 0 : i32
      %dma_start3A_1131 = tpu.memref_slice %arg4[%select_n3A_1038, %dma_start3A_1126, %mul3A_1125, %dma_start3A_1130] : memref<200x8x1024x128xf32, #tpu.memory_space<hbm>> -> memref<1x1x16x128xf32, #tpu.memory_space<hbm>>
      %dma_start3A_1132 = tpu.memref_squeeze %dma_start3A_1131 : memref<1x1x16x128xf32, #tpu.memory_space<hbm>> -> memref<16x128xf32, #tpu.memory_space<hbm>>
      %dma_start3A_1133 = arith.constant 0 : i32
      %dma_start3A_1134 = tpu.memref_slice %arg4[%select_n3A_1038, %dma_start3A_1126, %mul3A_1125, %dma_start3A_1133] : memref<200x8x1024x128xf32, #tpu.memory_space<hbm>> -> memref<1x1x16x128xf32, #tpu.memory_space<hbm>>
      %dma_start3A_1135 = tpu.memref_squeeze %dma_start3A_1134 : memref<1x1x16x128xf32, #tpu.memory_space<hbm>> -> memref<16x128xf32, #tpu.memory_space<hbm>>
      %dma_start3A_1136 = arith.constant 48 : i32
      %dma_start3A_1137 = arith.constant 0 : i32
      %dma_start3A_1138 = tpu.memref_slice %arg10[%dma_start3A_1136, %dma_start3A_1137] : memref<128x131xf32, #tpu.memory_space<vmem>> -> memref<16x128xf32, #tpu.memory_space<vmem>>
      tpu.enqueue_dma source(%dma_start3A_1138 : memref<16x128xf32, #tpu.memory_space<vmem>>) target(%dma_start3A_1135 : memref<16x128xf32, #tpu.memory_space<hbm>>) target_semaphore(%arg15 : memref<!tpu.dma_semaphore, #tpu.memory_space<semaphore_mem>>)
      %mul3A_1139 = arith.constant 8 : i32
      %mul3A_1140 = arith.muli %select_n3A_1078, %mul3A_1139 : i32
      %dma_start3A_1141 = arith.constant 4 : i32
      %dma_start3A_1142 = arith.constant 64 : i32
      %dma_start3A_1143 = arith.constant 0 : i32
      %dma_start3A_1144 = tpu.memref_slice %arg10[%dma_start3A_1142, %dma_start3A_1143] : memref<128x131xf32, #tpu.memory_space<vmem>> -> memref<16x128xf32, #tpu.memory_space<vmem>>
      %dma_start3A_1145 = arith.constant 0 : i32
      %dma_start3A_1146 = tpu.memref_slice %arg4[%select_n3A_1038, %dma_start3A_1141, %mul3A_1140, %dma_start3A_1145] : memref<200x8x1024x128xf32, #tpu.memory_space<hbm>> -> memref<1x1x16x128xf32, #tpu.memory_space<hbm>>
      %dma_start3A_1147 = tpu.memref_squeeze %dma_start3A_1146 : memref<1x1x16x128xf32, #tpu.memory_space<hbm>> -> memref<16x128xf32, #tpu.memory_space<hbm>>
      %dma_start3A_1148 = arith.constant 0 : i32
      %dma_start3A_1149 = tpu.memref_slice %arg4[%select_n3A_1038, %dma_start3A_1141, %mul3A_1140, %dma_start3A_1148] : memref<200x8x1024x128xf32, #tpu.memory_space<hbm>> -> memref<1x1x16x128xf32, #tpu.memory_space<hbm>>
      %dma_start3A_1150 = tpu.memref_squeeze %dma_start3A_1149 : memref<1x1x16x128xf32, #tpu.memory_space<hbm>> -> memref<16x128xf32, #tpu.memory_space<hbm>>
      %dma_start3A_1151 = arith.constant 64 : i32
      %dma_start3A_1152 = arith.constant 0 : i32
      %dma_start3A_1153 = tpu.memref_slice %arg10[%dma_start3A_1151, %dma_start3A_1152] : memref<128x131xf32, #tpu.memory_space<vmem>> -> memref<16x128xf32, #tpu.memory_space<vmem>>
      tpu.enqueue_dma source(%dma_start3A_1153 : memref<16x128xf32, #tpu.memory_space<vmem>>) target(%dma_start3A_1150 : memref<16x128xf32, #tpu.memory_space<hbm>>) target_semaphore(%arg15 : memref<!tpu.dma_semaphore, #tpu.memory_space<semaphore_mem>>)
      %mul3A_1154 = arith.constant 8 : i32
      %mul3A_1155 = arith.muli %select_n3A_1078, %mul3A_1154 : i32
      %dma_start3A_1156 = arith.constant 5 : i32
      %dma_start3A_1157 = arith.constant 80 : i32
      %dma_start3A_1158 = arith.constant 0 : i32
      %dma_start3A_1159 = tpu.memref_slice %arg10[%dma_start3A_1157, %dma_start3A_1158] : memref<128x131xf32, #tpu.memory_space<vmem>> -> memref<16x128xf32, #tpu.memory_space<vmem>>
      %dma_start3A_1160 = arith.constant 0 : i32
      %dma_start3A_1161 = tpu.memref_slice %arg4[%select_n3A_1038, %dma_start3A_1156, %mul3A_1155, %dma_start3A_1160] : memref<200x8x1024x128xf32, #tpu.memory_space<hbm>> -> memref<1x1x16x128xf32, #tpu.memory_space<hbm>>
      %dma_start3A_1162 = tpu.memref_squeeze %dma_start3A_1161 : memref<1x1x16x128xf32, #tpu.memory_space<hbm>> -> memref<16x128xf32, #tpu.memory_space<hbm>>
      %dma_start3A_1163 = arith.constant 0 : i32
      %dma_start3A_1164 = tpu.memref_slice %arg4[%select_n3A_1038, %dma_start3A_1156, %mul3A_1155, %dma_start3A_1163] : memref<200x8x1024x128xf32, #tpu.memory_space<hbm>> -> memref<1x1x16x128xf32, #tpu.memory_space<hbm>>
      %dma_start3A_1165 = tpu.memref_squeeze %dma_start3A_1164 : memref<1x1x16x128xf32, #tpu.memory_space<hbm>> -> memref<16x128xf32, #tpu.memory_space<hbm>>
      %dma_start3A_1166 = arith.constant 80 : i32
      %dma_start3A_1167 = arith.constant 0 : i32
      %dma_start3A_1168 = tpu.memref_slice %arg10[%dma_start3A_1166, %dma_start3A_1167] : memref<128x131xf32, #tpu.memory_space<vmem>> -> memref<16x128xf32, #tpu.memory_space<vmem>>
      tpu.enqueue_dma source(%dma_start3A_1168 : memref<16x128xf32, #tpu.memory_space<vmem>>) target(%dma_start3A_1165 : memref<16x128xf32, #tpu.memory_space<hbm>>) target_semaphore(%arg15 : memref<!tpu.dma_semaphore, #tpu.memory_space<semaphore_mem>>)
      %mul3A_1169 = arith.constant 8 : i32
      %mul3A_1170 = arith.muli %select_n3A_1078, %mul3A_1169 : i32
      %dma_start3A_1171 = arith.constant 6 : i32
      %dma_start3A_1172 = arith.constant 96 : i32
      %dma_start3A_1173 = arith.constant 0 : i32
      %dma_start3A_1174 = tpu.memref_slice %arg10[%dma_start3A_1172, %dma_start3A_1173] : memref<128x131xf32, #tpu.memory_space<vmem>> -> memref<16x128xf32, #tpu.memory_space<vmem>>
      %dma_start3A_1175 = arith.constant 0 : i32
      %dma_start3A_1176 = tpu.memref_slice %arg4[%select_n3A_1038, %dma_start3A_1171, %mul3A_1170, %dma_start3A_1175] : memref<200x8x1024x128xf32, #tpu.memory_space<hbm>> -> memref<1x1x16x128xf32, #tpu.memory_space<hbm>>
      %dma_start3A_1177 = tpu.memref_squeeze %dma_start3A_1176 : memref<1x1x16x128xf32, #tpu.memory_space<hbm>> -> memref<16x128xf32, #tpu.memory_space<hbm>>
      %dma_start3A_1178 = arith.constant 0 : i32
      %dma_start3A_1179 = tpu.memref_slice %arg4[%select_n3A_1038, %dma_start3A_1171, %mul3A_1170, %dma_start3A_1178] : memref<200x8x1024x128xf32, #tpu.memory_space<hbm>> -> memref<1x1x16x128xf32, #tpu.memory_space<hbm>>
      %dma_start3A_1180 = tpu.memref_squeeze %dma_start3A_1179 : memref<1x1x16x128xf32, #tpu.memory_space<hbm>> -> memref<16x128xf32, #tpu.memory_space<hbm>>
      %dma_start3A_1181 = arith.constant 96 : i32
      %dma_start3A_1182 = arith.constant 0 : i32
      %dma_start3A_1183 = tpu.memref_slice %arg10[%dma_start3A_1181, %dma_start3A_1182] : memref<128x131xf32, #tpu.memory_space<vmem>> -> memref<16x128xf32, #tpu.memory_space<vmem>>
      tpu.enqueue_dma source(%dma_start3A_1183 : memref<16x128xf32, #tpu.memory_space<vmem>>) target(%dma_start3A_1180 : memref<16x128xf32, #tpu.memory_space<hbm>>) target_semaphore(%arg15 : memref<!tpu.dma_semaphore, #tpu.memory_space<semaphore_mem>>)
      %mul3A_1184 = arith.constant 8 : i32
      %mul3A_1185 = arith.muli %select_n3A_1078, %mul3A_1184 : i32
      %dma_start3A_1186 = arith.constant 7 : i32
      %dma_start3A_1187 = arith.constant 112 : i32
      %dma_start3A_1188 = arith.constant 0 : i32
      %dma_start3A_1189 = tpu.memref_slice %arg10[%dma_start3A_1187, %dma_start3A_1188] : memref<128x131xf32, #tpu.memory_space<vmem>> -> memref<16x128xf32, #tpu.memory_space<vmem>>
      %dma_start3A_1190 = arith.constant 0 : i32
      %dma_start3A_1191 = tpu.memref_slice %arg4[%select_n3A_1038, %dma_start3A_1186, %mul3A_1185, %dma_start3A_1190] : memref<200x8x1024x128xf32, #tpu.memory_space<hbm>> -> memref<1x1x16x128xf32, #tpu.memory_space<hbm>>
      %dma_start3A_1192 = tpu.memref_squeeze %dma_start3A_1191 : memref<1x1x16x128xf32, #tpu.memory_space<hbm>> -> memref<16x128xf32, #tpu.memory_space<hbm>>
      %dma_start3A_1193 = arith.constant 0 : i32
      %dma_start3A_1194 = tpu.memref_slice %arg4[%select_n3A_1038, %dma_start3A_1186, %mul3A_1185, %dma_start3A_1193] : memref<200x8x1024x128xf32, #tpu.memory_space<hbm>> -> memref<1x1x16x128xf32, #tpu.memory_space<hbm>>
      %dma_start3A_1195 = tpu.memref_squeeze %dma_start3A_1194 : memref<1x1x16x128xf32, #tpu.memory_space<hbm>> -> memref<16x128xf32, #tpu.memory_space<hbm>>
      %dma_start3A_1196 = arith.constant 112 : i32
      %dma_start3A_1197 = arith.constant 0 : i32
      %dma_start3A_1198 = tpu.memref_slice %arg10[%dma_start3A_1196, %dma_start3A_1197] : memref<128x131xf32, #tpu.memory_space<vmem>> -> memref<16x128xf32, #tpu.memory_space<vmem>>
      tpu.enqueue_dma source(%dma_start3A_1198 : memref<16x128xf32, #tpu.memory_space<vmem>>) target(%dma_start3A_1195 : memref<16x128xf32, #tpu.memory_space<hbm>>) target_semaphore(%arg15 : memref<!tpu.dma_semaphore, #tpu.memory_space<semaphore_mem>>)
    }
    %scan3A_515 = arith.constant 200 : i32
    %dma_wait3A_516 = arith.constant 0 : i32
    %dma_wait3A_517 = arith.constant 0 : i32
    %dma_wait3A_518 = arith.constant 0 : i32
    %dma_wait3A_519 = arith.constant 0 : i32
    %dma_wait3A_520 = tpu.memref_slice %arg9[%dma_wait3A_518, %dma_wait3A_519] : memref<128x131xf32, #tpu.memory_space<vmem>> -> memref<16x128xf32, #tpu.memory_space<vmem>>
    %dma_wait3A_521 = arith.constant 0 : i32
    %dma_wait3A_522 = arith.constant 0 : i32
    %dma_wait3A_523 = tpu.memref_slice %arg4[%dma_wait3A_516, %dma_wait3A_517, %dma_wait3A_521, %dma_wait3A_522] : memref<200x8x1024x128xf32, #tpu.memory_space<hbm>> -> memref<1x1x16x128xf32, #tpu.memory_space<hbm>>
    %dma_wait3A_524 = tpu.memref_squeeze %dma_wait3A_523 : memref<1x1x16x128xf32, #tpu.memory_space<hbm>> -> memref<16x128xf32, #tpu.memory_space<hbm>>
    %dma_wait3A_525 = arith.constant 0 : i32
    %dma_wait3A_526 = arith.constant 0 : i32
    %dma_wait3A_527 = tpu.memref_slice %arg4[%dma_wait3A_516, %dma_wait3A_517, %dma_wait3A_525, %dma_wait3A_526] : memref<200x8x1024x128xf32, #tpu.memory_space<hbm>> -> memref<1x1x16x128xf32, #tpu.memory_space<hbm>>
    %dma_wait3A_528 = tpu.memref_squeeze %dma_wait3A_527 : memref<1x1x16x128xf32, #tpu.memory_space<hbm>> -> memref<16x128xf32, #tpu.memory_space<hbm>>
    %dma_wait3A_529 = arith.constant 0 : i32
    %dma_wait3A_530 = arith.constant 0 : i32
    %dma_wait3A_531 = tpu.memref_slice %arg9[%dma_wait3A_529, %dma_wait3A_530] : memref<128x131xf32, #tpu.memory_space<vmem>> -> memref<16x128xf32, #tpu.memory_space<vmem>>
    tpu.wait_dma2 semaphore(%arg14 : memref<!tpu.dma_semaphore, #tpu.memory_space<semaphore_mem>>) src(%dma_wait3A_531 : memref<16x128xf32, #tpu.memory_space<vmem>>) dst(%dma_wait3A_528 : memref<16x128xf32, #tpu.memory_space<hbm>>)
    %dma_wait3A_532 = arith.constant 0 : i32
    %dma_wait3A_533 = arith.constant 0 : i32
    %dma_wait3A_534 = arith.constant 0 : i32
    %dma_wait3A_535 = arith.constant 0 : i32
    %dma_wait3A_536 = tpu.memref_slice %arg9[%dma_wait3A_534, %dma_wait3A_535] : memref<128x131xf32, #tpu.memory_space<vmem>> -> memref<16x128xf32, #tpu.memory_space<vmem>>
    %dma_wait3A_537 = arith.constant 0 : i32
    %dma_wait3A_538 = arith.constant 0 : i32
    %dma_wait3A_539 = tpu.memref_slice %arg4[%dma_wait3A_532, %dma_wait3A_533, %dma_wait3A_537, %dma_wait3A_538] : memref<200x8x1024x128xf32, #tpu.memory_space<hbm>> -> memref<1x1x16x128xf32, #tpu.memory_space<hbm>>
    %dma_wait3A_540 = tpu.memref_squeeze %dma_wait3A_539 : memref<1x1x16x128xf32, #tpu.memory_space<hbm>> -> memref<16x128xf32, #tpu.memory_space<hbm>>
    %dma_wait3A_541 = arith.constant 0 : i32
    %dma_wait3A_542 = arith.constant 0 : i32
    %dma_wait3A_543 = tpu.memref_slice %arg4[%dma_wait3A_532, %dma_wait3A_533, %dma_wait3A_541, %dma_wait3A_542] : memref<200x8x1024x128xf32, #tpu.memory_space<hbm>> -> memref<1x1x16x128xf32, #tpu.memory_space<hbm>>
    %dma_wait3A_544 = tpu.memref_squeeze %dma_wait3A_543 : memref<1x1x16x128xf32, #tpu.memory_space<hbm>> -> memref<16x128xf32, #tpu.memory_space<hbm>>
    %dma_wait3A_545 = arith.constant 0 : i32
    %dma_wait3A_546 = arith.constant 0 : i32
    %dma_wait3A_547 = tpu.memref_slice %arg9[%dma_wait3A_545, %dma_wait3A_546] : memref<128x131xf32, #tpu.memory_space<vmem>> -> memref<16x128xf32, #tpu.memory_space<vmem>>
    tpu.wait_dma2 semaphore(%arg14 : memref<!tpu.dma_semaphore, #tpu.memory_space<semaphore_mem>>) src(%dma_wait3A_547 : memref<16x128xf32, #tpu.memory_space<vmem>>) dst(%dma_wait3A_544 : memref<16x128xf32, #tpu.memory_space<hbm>>)
    %dma_wait3A_548 = arith.constant 0 : i32
    %dma_wait3A_549 = arith.constant 0 : i32
    %dma_wait3A_550 = arith.constant 0 : i32
    %dma_wait3A_551 = arith.constant 0 : i32
    %dma_wait3A_552 = tpu.memref_slice %arg9[%dma_wait3A_550, %dma_wait3A_551] : memref<128x131xf32, #tpu.memory_space<vmem>> -> memref<16x128xf32, #tpu.memory_space<vmem>>
    %dma_wait3A_553 = arith.constant 0 : i32
    %dma_wait3A_554 = arith.constant 0 : i32
    %dma_wait3A_555 = tpu.memref_slice %arg4[%dma_wait3A_548, %dma_wait3A_549, %dma_wait3A_553, %dma_wait3A_554] : memref<200x8x1024x128xf32, #tpu.memory_space<hbm>> -> memref<1x1x16x128xf32, #tpu.memory_space<hbm>>
    %dma_wait3A_556 = tpu.memref_squeeze %dma_wait3A_555 : memref<1x1x16x128xf32, #tpu.memory_space<hbm>> -> memref<16x128xf32, #tpu.memory_space<hbm>>
    %dma_wait3A_557 = arith.constant 0 : i32
    %dma_wait3A_558 = arith.constant 0 : i32
    %dma_wait3A_559 = tpu.memref_slice %arg4[%dma_wait3A_548, %dma_wait3A_549, %dma_wait3A_557, %dma_wait3A_558] : memref<200x8x1024x128xf32, #tpu.memory_space<hbm>> -> memref<1x1x16x128xf32, #tpu.memory_space<hbm>>
    %dma_wait3A_560 = tpu.memref_squeeze %dma_wait3A_559 : memref<1x1x16x128xf32, #tpu.memory_space<hbm>> -> memref<16x128xf32, #tpu.memory_space<hbm>>
    %dma_wait3A_561 = arith.constant 0 : i32
    %dma_wait3A_562 = arith.constant 0 : i32
    %dma_wait3A_563 = tpu.memref_slice %arg9[%dma_wait3A_561, %dma_wait3A_562] : memref<128x131xf32, #tpu.memory_space<vmem>> -> memref<16x128xf32, #tpu.memory_space<vmem>>
    tpu.wait_dma2 semaphore(%arg14 : memref<!tpu.dma_semaphore, #tpu.memory_space<semaphore_mem>>) src(%dma_wait3A_563 : memref<16x128xf32, #tpu.memory_space<vmem>>) dst(%dma_wait3A_560 : memref<16x128xf32, #tpu.memory_space<hbm>>)
    %dma_wait3A_564 = arith.constant 0 : i32
    %dma_wait3A_565 = arith.constant 0 : i32
    %dma_wait3A_566 = arith.constant 0 : i32
    %dma_wait3A_567 = arith.constant 0 : i32
    %dma_wait3A_568 = tpu.memref_slice %arg9[%dma_wait3A_566, %dma_wait3A_567] : memref<128x131xf32, #tpu.memory_space<vmem>> -> memref<16x128xf32, #tpu.memory_space<vmem>>
    %dma_wait3A_569 = arith.constant 0 : i32
    %dma_wait3A_570 = arith.constant 0 : i32
    %dma_wait3A_571 = tpu.memref_slice %arg4[%dma_wait3A_564, %dma_wait3A_565, %dma_wait3A_569, %dma_wait3A_570] : memref<200x8x1024x128xf32, #tpu.memory_space<hbm>> -> memref<1x1x16x128xf32, #tpu.memory_space<hbm>>
    %dma_wait3A_572 = tpu.memref_squeeze %dma_wait3A_571 : memref<1x1x16x128xf32, #tpu.memory_space<hbm>> -> memref<16x128xf32, #tpu.memory_space<hbm>>
    %dma_wait3A_573 = arith.constant 0 : i32
    %dma_wait3A_574 = arith.constant 0 : i32
    %dma_wait3A_575 = tpu.memref_slice %arg4[%dma_wait3A_564, %dma_wait3A_565, %dma_wait3A_573, %dma_wait3A_574] : memref<200x8x1024x128xf32, #tpu.memory_space<hbm>> -> memref<1x1x16x128xf32, #tpu.memory_space<hbm>>
    %dma_wait3A_576 = tpu.memref_squeeze %dma_wait3A_575 : memref<1x1x16x128xf32, #tpu.memory_space<hbm>> -> memref<16x128xf32, #tpu.memory_space<hbm>>
    %dma_wait3A_577 = arith.constant 0 : i32
    %dma_wait3A_578 = arith.constant 0 : i32
    %dma_wait3A_579 = tpu.memref_slice %arg9[%dma_wait3A_577, %dma_wait3A_578] : memref<128x131xf32, #tpu.memory_space<vmem>> -> memref<16x128xf32, #tpu.memory_space<vmem>>
    tpu.wait_dma2 semaphore(%arg14 : memref<!tpu.dma_semaphore, #tpu.memory_space<semaphore_mem>>) src(%dma_wait3A_579 : memref<16x128xf32, #tpu.memory_space<vmem>>) dst(%dma_wait3A_576 : memref<16x128xf32, #tpu.memory_space<hbm>>)
    %dma_wait3A_580 = arith.constant 0 : i32
    %dma_wait3A_581 = arith.constant 0 : i32
    %dma_wait3A_582 = arith.constant 0 : i32
    %dma_wait3A_583 = arith.constant 0 : i32
    %dma_wait3A_584 = tpu.memref_slice %arg9[%dma_wait3A_582, %dma_wait3A_583] : memref<128x131xf32, #tpu.memory_space<vmem>> -> memref<16x128xf32, #tpu.memory_space<vmem>>
    %dma_wait3A_585 = arith.constant 0 : i32
    %dma_wait3A_586 = arith.constant 0 : i32
    %dma_wait3A_587 = tpu.memref_slice %arg4[%dma_wait3A_580, %dma_wait3A_581, %dma_wait3A_585, %dma_wait3A_586] : memref<200x8x1024x128xf32, #tpu.memory_space<hbm>> -> memref<1x1x16x128xf32, #tpu.memory_space<hbm>>
    %dma_wait3A_588 = tpu.memref_squeeze %dma_wait3A_587 : memref<1x1x16x128xf32, #tpu.memory_space<hbm>> -> memref<16x128xf32, #tpu.memory_space<hbm>>
    %dma_wait3A_589 = arith.constant 0 : i32
    %dma_wait3A_590 = arith.constant 0 : i32
    %dma_wait3A_591 = tpu.memref_slice %arg4[%dma_wait3A_580, %dma_wait3A_581, %dma_wait3A_589, %dma_wait3A_590] : memref<200x8x1024x128xf32, #tpu.memory_space<hbm>> -> memref<1x1x16x128xf32, #tpu.memory_space<hbm>>
    %dma_wait3A_592 = tpu.memref_squeeze %dma_wait3A_591 : memref<1x1x16x128xf32, #tpu.memory_space<hbm>> -> memref<16x128xf32, #tpu.memory_space<hbm>>
    %dma_wait3A_593 = arith.constant 0 : i32
    %dma_wait3A_594 = arith.constant 0 : i32
    %dma_wait3A_595 = tpu.memref_slice %arg9[%dma_wait3A_593, %dma_wait3A_594] : memref<128x131xf32, #tpu.memory_space<vmem>> -> memref<16x128xf32, #tpu.memory_space<vmem>>
    tpu.wait_dma2 semaphore(%arg14 : memref<!tpu.dma_semaphore, #tpu.memory_space<semaphore_mem>>) src(%dma_wait3A_595 : memref<16x128xf32, #tpu.memory_space<vmem>>) dst(%dma_wait3A_592 : memref<16x128xf32, #tpu.memory_space<hbm>>)
    %dma_wait3A_596 = arith.constant 0 : i32
    %dma_wait3A_597 = arith.constant 0 : i32
    %dma_wait3A_598 = arith.constant 0 : i32
    %dma_wait3A_599 = arith.constant 0 : i32
    %dma_wait3A_600 = tpu.memref_slice %arg9[%dma_wait3A_598, %dma_wait3A_599] : memref<128x131xf32, #tpu.memory_space<vmem>> -> memref<16x128xf32, #tpu.memory_space<vmem>>
    %dma_wait3A_601 = arith.constant 0 : i32
    %dma_wait3A_602 = arith.constant 0 : i32
    %dma_wait3A_603 = tpu.memref_slice %arg4[%dma_wait3A_596, %dma_wait3A_597, %dma_wait3A_601, %dma_wait3A_602] : memref<200x8x1024x128xf32, #tpu.memory_space<hbm>> -> memref<1x1x16x128xf32, #tpu.memory_space<hbm>>
    %dma_wait3A_604 = tpu.memref_squeeze %dma_wait3A_603 : memref<1x1x16x128xf32, #tpu.memory_space<hbm>> -> memref<16x128xf32, #tpu.memory_space<hbm>>
    %dma_wait3A_605 = arith.constant 0 : i32
    %dma_wait3A_606 = arith.constant 0 : i32
    %dma_wait3A_607 = tpu.memref_slice %arg4[%dma_wait3A_596, %dma_wait3A_597, %dma_wait3A_605, %dma_wait3A_606] : memref<200x8x1024x128xf32, #tpu.memory_space<hbm>> -> memref<1x1x16x128xf32, #tpu.memory_space<hbm>>
    %dma_wait3A_608 = tpu.memref_squeeze %dma_wait3A_607 : memref<1x1x16x128xf32, #tpu.memory_space<hbm>> -> memref<16x128xf32, #tpu.memory_space<hbm>>
    %dma_wait3A_609 = arith.constant 0 : i32
    %dma_wait3A_610 = arith.constant 0 : i32
    %dma_wait3A_611 = tpu.memref_slice %arg9[%dma_wait3A_609, %dma_wait3A_610] : memref<128x131xf32, #tpu.memory_space<vmem>> -> memref<16x128xf32, #tpu.memory_space<vmem>>
    tpu.wait_dma2 semaphore(%arg14 : memref<!tpu.dma_semaphore, #tpu.memory_space<semaphore_mem>>) src(%dma_wait3A_611 : memref<16x128xf32, #tpu.memory_space<vmem>>) dst(%dma_wait3A_608 : memref<16x128xf32, #tpu.memory_space<hbm>>)
    %dma_wait3A_612 = arith.constant 0 : i32
    %dma_wait3A_613 = arith.constant 0 : i32
    %dma_wait3A_614 = arith.constant 0 : i32
    %dma_wait3A_615 = arith.constant 0 : i32
    %dma_wait3A_616 = tpu.memref_slice %arg9[%dma_wait3A_614, %dma_wait3A_615] : memref<128x131xf32, #tpu.memory_space<vmem>> -> memref<16x128xf32, #tpu.memory_space<vmem>>
    %dma_wait3A_617 = arith.constant 0 : i32
    %dma_wait3A_618 = arith.constant 0 : i32
    %dma_wait3A_619 = tpu.memref_slice %arg4[%dma_wait3A_612, %dma_wait3A_613, %dma_wait3A_617, %dma_wait3A_618] : memref<200x8x1024x128xf32, #tpu.memory_space<hbm>> -> memref<1x1x16x128xf32, #tpu.memory_space<hbm>>
    %dma_wait3A_620 = tpu.memref_squeeze %dma_wait3A_619 : memref<1x1x16x128xf32, #tpu.memory_space<hbm>> -> memref<16x128xf32, #tpu.memory_space<hbm>>
    %dma_wait3A_621 = arith.constant 0 : i32
    %dma_wait3A_622 = arith.constant 0 : i32
    %dma_wait3A_623 = tpu.memref_slice %arg4[%dma_wait3A_612, %dma_wait3A_613, %dma_wait3A_621, %dma_wait3A_622] : memref<200x8x1024x128xf32, #tpu.memory_space<hbm>> -> memref<1x1x16x128xf32, #tpu.memory_space<hbm>>
    %dma_wait3A_624 = tpu.memref_squeeze %dma_wait3A_623 : memref<1x1x16x128xf32, #tpu.memory_space<hbm>> -> memref<16x128xf32, #tpu.memory_space<hbm>>
    %dma_wait3A_625 = arith.constant 0 : i32
    %dma_wait3A_626 = arith.constant 0 : i32
    %dma_wait3A_627 = tpu.memref_slice %arg9[%dma_wait3A_625, %dma_wait3A_626] : memref<128x131xf32, #tpu.memory_space<vmem>> -> memref<16x128xf32, #tpu.memory_space<vmem>>
    tpu.wait_dma2 semaphore(%arg14 : memref<!tpu.dma_semaphore, #tpu.memory_space<semaphore_mem>>) src(%dma_wait3A_627 : memref<16x128xf32, #tpu.memory_space<vmem>>) dst(%dma_wait3A_624 : memref<16x128xf32, #tpu.memory_space<hbm>>)
    %dma_wait3A_628 = arith.constant 0 : i32
    %dma_wait3A_629 = arith.constant 0 : i32
    %dma_wait3A_630 = arith.constant 0 : i32
    %dma_wait3A_631 = arith.constant 0 : i32
    %dma_wait3A_632 = tpu.memref_slice %arg9[%dma_wait3A_630, %dma_wait3A_631] : memref<128x131xf32, #tpu.memory_space<vmem>> -> memref<16x128xf32, #tpu.memory_space<vmem>>
    %dma_wait3A_633 = arith.constant 0 : i32
    %dma_wait3A_634 = arith.constant 0 : i32
    %dma_wait3A_635 = tpu.memref_slice %arg4[%dma_wait3A_628, %dma_wait3A_629, %dma_wait3A_633, %dma_wait3A_634] : memref<200x8x1024x128xf32, #tpu.memory_space<hbm>> -> memref<1x1x16x128xf32, #tpu.memory_space<hbm>>
    %dma_wait3A_636 = tpu.memref_squeeze %dma_wait3A_635 : memref<1x1x16x128xf32, #tpu.memory_space<hbm>> -> memref<16x128xf32, #tpu.memory_space<hbm>>
    %dma_wait3A_637 = arith.constant 0 : i32
    %dma_wait3A_638 = arith.constant 0 : i32
    %dma_wait3A_639 = tpu.memref_slice %arg4[%dma_wait3A_628, %dma_wait3A_629, %dma_wait3A_637, %dma_wait3A_638] : memref<200x8x1024x128xf32, #tpu.memory_space<hbm>> -> memref<1x1x16x128xf32, #tpu.memory_space<hbm>>
    %dma_wait3A_640 = tpu.memref_squeeze %dma_wait3A_639 : memref<1x1x16x128xf32, #tpu.memory_space<hbm>> -> memref<16x128xf32, #tpu.memory_space<hbm>>
    %dma_wait3A_641 = arith.constant 0 : i32
    %dma_wait3A_642 = arith.constant 0 : i32
    %dma_wait3A_643 = tpu.memref_slice %arg9[%dma_wait3A_641, %dma_wait3A_642] : memref<128x131xf32, #tpu.memory_space<vmem>> -> memref<16x128xf32, #tpu.memory_space<vmem>>
    tpu.wait_dma2 semaphore(%arg14 : memref<!tpu.dma_semaphore, #tpu.memory_space<semaphore_mem>>) src(%dma_wait3A_643 : memref<16x128xf32, #tpu.memory_space<vmem>>) dst(%dma_wait3A_640 : memref<16x128xf32, #tpu.memory_space<hbm>>)
    %dma_wait3A_644 = arith.constant 0 : i32
    %dma_wait3A_645 = arith.constant 0 : i32
    %dma_wait3A_646 = arith.constant 0 : i32
    %dma_wait3A_647 = arith.constant 0 : i32
    %dma_wait3A_648 = tpu.memref_slice %arg10[%dma_wait3A_646, %dma_wait3A_647] : memref<128x131xf32, #tpu.memory_space<vmem>> -> memref<16x128xf32, #tpu.memory_space<vmem>>
    %dma_wait3A_649 = arith.constant 0 : i32
    %dma_wait3A_650 = arith.constant 0 : i32
    %dma_wait3A_651 = tpu.memref_slice %arg4[%dma_wait3A_644, %dma_wait3A_645, %dma_wait3A_649, %dma_wait3A_650] : memref<200x8x1024x128xf32, #tpu.memory_space<hbm>> -> memref<1x1x16x128xf32, #tpu.memory_space<hbm>>
    %dma_wait3A_652 = tpu.memref_squeeze %dma_wait3A_651 : memref<1x1x16x128xf32, #tpu.memory_space<hbm>> -> memref<16x128xf32, #tpu.memory_space<hbm>>
    %dma_wait3A_653 = arith.constant 0 : i32
    %dma_wait3A_654 = arith.constant 0 : i32
    %dma_wait3A_655 = tpu.memref_slice %arg4[%dma_wait3A_644, %dma_wait3A_645, %dma_wait3A_653, %dma_wait3A_654] : memref<200x8x1024x128xf32, #tpu.memory_space<hbm>> -> memref<1x1x16x128xf32, #tpu.memory_space<hbm>>
    %dma_wait3A_656 = tpu.memref_squeeze %dma_wait3A_655 : memref<1x1x16x128xf32, #tpu.memory_space<hbm>> -> memref<16x128xf32, #tpu.memory_space<hbm>>
    %dma_wait3A_657 = arith.constant 0 : i32
    %dma_wait3A_658 = arith.constant 0 : i32
    %dma_wait3A_659 = tpu.memref_slice %arg10[%dma_wait3A_657, %dma_wait3A_658] : memref<128x131xf32, #tpu.memory_space<vmem>> -> memref<16x128xf32, #tpu.memory_space<vmem>>
    tpu.wait_dma2 semaphore(%arg15 : memref<!tpu.dma_semaphore, #tpu.memory_space<semaphore_mem>>) src(%dma_wait3A_659 : memref<16x128xf32, #tpu.memory_space<vmem>>) dst(%dma_wait3A_656 : memref<16x128xf32, #tpu.memory_space<hbm>>)
    %dma_wait3A_660 = arith.constant 0 : i32
    %dma_wait3A_661 = arith.constant 0 : i32
    %dma_wait3A_662 = arith.constant 0 : i32
    %dma_wait3A_663 = arith.constant 0 : i32
    %dma_wait3A_664 = tpu.memref_slice %arg10[%dma_wait3A_662, %dma_wait3A_663] : memref<128x131xf32, #tpu.memory_space<vmem>> -> memref<16x128xf32, #tpu.memory_space<vmem>>
    %dma_wait3A_665 = arith.constant 0 : i32
    %dma_wait3A_666 = arith.constant 0 : i32
    %dma_wait3A_667 = tpu.memref_slice %arg4[%dma_wait3A_660, %dma_wait3A_661, %dma_wait3A_665, %dma_wait3A_666] : memref<200x8x1024x128xf32, #tpu.memory_space<hbm>> -> memref<1x1x16x128xf32, #tpu.memory_space<hbm>>
    %dma_wait3A_668 = tpu.memref_squeeze %dma_wait3A_667 : memref<1x1x16x128xf32, #tpu.memory_space<hbm>> -> memref<16x128xf32, #tpu.memory_space<hbm>>
    %dma_wait3A_669 = arith.constant 0 : i32
    %dma_wait3A_670 = arith.constant 0 : i32
    %dma_wait3A_671 = tpu.memref_slice %arg4[%dma_wait3A_660, %dma_wait3A_661, %dma_wait3A_669, %dma_wait3A_670] : memref<200x8x1024x128xf32, #tpu.memory_space<hbm>> -> memref<1x1x16x128xf32, #tpu.memory_space<hbm>>
    %dma_wait3A_672 = tpu.memref_squeeze %dma_wait3A_671 : memref<1x1x16x128xf32, #tpu.memory_space<hbm>> -> memref<16x128xf32, #tpu.memory_space<hbm>>
    %dma_wait3A_673 = arith.constant 0 : i32
    %dma_wait3A_674 = arith.constant 0 : i32
    %dma_wait3A_675 = tpu.memref_slice %arg10[%dma_wait3A_673, %dma_wait3A_674] : memref<128x131xf32, #tpu.memory_space<vmem>> -> memref<16x128xf32, #tpu.memory_space<vmem>>
    tpu.wait_dma2 semaphore(%arg15 : memref<!tpu.dma_semaphore, #tpu.memory_space<semaphore_mem>>) src(%dma_wait3A_675 : memref<16x128xf32, #tpu.memory_space<vmem>>) dst(%dma_wait3A_672 : memref<16x128xf32, #tpu.memory_space<hbm>>)
    %dma_wait3A_676 = arith.constant 0 : i32
    %dma_wait3A_677 = arith.constant 0 : i32
    %dma_wait3A_678 = arith.constant 0 : i32
    %dma_wait3A_679 = arith.constant 0 : i32
    %dma_wait3A_680 = tpu.memref_slice %arg10[%dma_wait3A_678, %dma_wait3A_679] : memref<128x131xf32, #tpu.memory_space<vmem>> -> memref<16x128xf32, #tpu.memory_space<vmem>>
    %dma_wait3A_681 = arith.constant 0 : i32
    %dma_wait3A_682 = arith.constant 0 : i32
    %dma_wait3A_683 = tpu.memref_slice %arg4[%dma_wait3A_676, %dma_wait3A_677, %dma_wait3A_681, %dma_wait3A_682] : memref<200x8x1024x128xf32, #tpu.memory_space<hbm>> -> memref<1x1x16x128xf32, #tpu.memory_space<hbm>>
    %dma_wait3A_684 = tpu.memref_squeeze %dma_wait3A_683 : memref<1x1x16x128xf32, #tpu.memory_space<hbm>> -> memref<16x128xf32, #tpu.memory_space<hbm>>
    %dma_wait3A_685 = arith.constant 0 : i32
    %dma_wait3A_686 = arith.constant 0 : i32
    %dma_wait3A_687 = tpu.memref_slice %arg4[%dma_wait3A_676, %dma_wait3A_677, %dma_wait3A_685, %dma_wait3A_686] : memref<200x8x1024x128xf32, #tpu.memory_space<hbm>> -> memref<1x1x16x128xf32, #tpu.memory_space<hbm>>
    %dma_wait3A_688 = tpu.memref_squeeze %dma_wait3A_687 : memref<1x1x16x128xf32, #tpu.memory_space<hbm>> -> memref<16x128xf32, #tpu.memory_space<hbm>>
    %dma_wait3A_689 = arith.constant 0 : i32
    %dma_wait3A_690 = arith.constant 0 : i32
    %dma_wait3A_691 = tpu.memref_slice %arg10[%dma_wait3A_689, %dma_wait3A_690] : memref<128x131xf32, #tpu.memory_space<vmem>> -> memref<16x128xf32, #tpu.memory_space<vmem>>
    tpu.wait_dma2 semaphore(%arg15 : memref<!tpu.dma_semaphore, #tpu.memory_space<semaphore_mem>>) src(%dma_wait3A_691 : memref<16x128xf32, #tpu.memory_space<vmem>>) dst(%dma_wait3A_688 : memref<16x128xf32, #tpu.memory_space<hbm>>)
    %dma_wait3A_692 = arith.constant 0 : i32
    %dma_wait3A_693 = arith.constant 0 : i32
    %dma_wait3A_694 = arith.constant 0 : i32
    %dma_wait3A_695 = arith.constant 0 : i32
    %dma_wait3A_696 = tpu.memref_slice %arg10[%dma_wait3A_694, %dma_wait3A_695] : memref<128x131xf32, #tpu.memory_space<vmem>> -> memref<16x128xf32, #tpu.memory_space<vmem>>
    %dma_wait3A_697 = arith.constant 0 : i32
    %dma_wait3A_698 = arith.constant 0 : i32
    %dma_wait3A_699 = tpu.memref_slice %arg4[%dma_wait3A_692, %dma_wait3A_693, %dma_wait3A_697, %dma_wait3A_698] : memref<200x8x1024x128xf32, #tpu.memory_space<hbm>> -> memref<1x1x16x128xf32, #tpu.memory_space<hbm>>
    %dma_wait3A_700 = tpu.memref_squeeze %dma_wait3A_699 : memref<1x1x16x128xf32, #tpu.memory_space<hbm>> -> memref<16x128xf32, #tpu.memory_space<hbm>>
    %dma_wait3A_701 = arith.constant 0 : i32
    %dma_wait3A_702 = arith.constant 0 : i32
    %dma_wait3A_703 = tpu.memref_slice %arg4[%dma_wait3A_692, %dma_wait3A_693, %dma_wait3A_701, %dma_wait3A_702] : memref<200x8x1024x128xf32, #tpu.memory_space<hbm>> -> memref<1x1x16x128xf32, #tpu.memory_space<hbm>>
    %dma_wait3A_704 = tpu.memref_squeeze %dma_wait3A_703 : memref<1x1x16x128xf32, #tpu.memory_space<hbm>> -> memref<16x128xf32, #tpu.memory_space<hbm>>
    %dma_wait3A_705 = arith.constant 0 : i32
    %dma_wait3A_706 = arith.constant 0 : i32
    %dma_wait3A_707 = tpu.memref_slice %arg10[%dma_wait3A_705, %dma_wait3A_706] : memref<128x131xf32, #tpu.memory_space<vmem>> -> memref<16x128xf32, #tpu.memory_space<vmem>>
    tpu.wait_dma2 semaphore(%arg15 : memref<!tpu.dma_semaphore, #tpu.memory_space<semaphore_mem>>) src(%dma_wait3A_707 : memref<16x128xf32, #tpu.memory_space<vmem>>) dst(%dma_wait3A_704 : memref<16x128xf32, #tpu.memory_space<hbm>>)
    %dma_wait3A_708 = arith.constant 0 : i32
    %dma_wait3A_709 = arith.constant 0 : i32
    %dma_wait3A_710 = arith.constant 0 : i32
    %dma_wait3A_711 = arith.constant 0 : i32
    %dma_wait3A_712 = tpu.memref_slice %arg10[%dma_wait3A_710, %dma_wait3A_711] : memref<128x131xf32, #tpu.memory_space<vmem>> -> memref<16x128xf32, #tpu.memory_space<vmem>>
    %dma_wait3A_713 = arith.constant 0 : i32
    %dma_wait3A_714 = arith.constant 0 : i32
    %dma_wait3A_715 = tpu.memref_slice %arg4[%dma_wait3A_708, %dma_wait3A_709, %dma_wait3A_713, %dma_wait3A_714] : memref<200x8x1024x128xf32, #tpu.memory_space<hbm>> -> memref<1x1x16x128xf32, #tpu.memory_space<hbm>>
    %dma_wait3A_716 = tpu.memref_squeeze %dma_wait3A_715 : memref<1x1x16x128xf32, #tpu.memory_space<hbm>> -> memref<16x128xf32, #tpu.memory_space<hbm>>
    %dma_wait3A_717 = arith.constant 0 : i32
    %dma_wait3A_718 = arith.constant 0 : i32
    %dma_wait3A_719 = tpu.memref_slice %arg4[%dma_wait3A_708, %dma_wait3A_709, %dma_wait3A_717, %dma_wait3A_718] : memref<200x8x1024x128xf32, #tpu.memory_space<hbm>> -> memref<1x1x16x128xf32, #tpu.memory_space<hbm>>
    %dma_wait3A_720 = tpu.memref_squeeze %dma_wait3A_719 : memref<1x1x16x128xf32, #tpu.memory_space<hbm>> -> memref<16x128xf32, #tpu.memory_space<hbm>>
    %dma_wait3A_721 = arith.constant 0 : i32
    %dma_wait3A_722 = arith.constant 0 : i32
    %dma_wait3A_723 = tpu.memref_slice %arg10[%dma_wait3A_721, %dma_wait3A_722] : memref<128x131xf32, #tpu.memory_space<vmem>> -> memref<16x128xf32, #tpu.memory_space<vmem>>
    tpu.wait_dma2 semaphore(%arg15 : memref<!tpu.dma_semaphore, #tpu.memory_space<semaphore_mem>>) src(%dma_wait3A_723 : memref<16x128xf32, #tpu.memory_space<vmem>>) dst(%dma_wait3A_720 : memref<16x128xf32, #tpu.memory_space<hbm>>)
    %dma_wait3A_724 = arith.constant 0 : i32
    %dma_wait3A_725 = arith.constant 0 : i32
    %dma_wait3A_726 = arith.constant 0 : i32
    %dma_wait3A_727 = arith.constant 0 : i32
    %dma_wait3A_728 = tpu.memref_slice %arg10[%dma_wait3A_726, %dma_wait3A_727] : memref<128x131xf32, #tpu.memory_space<vmem>> -> memref<16x128xf32, #tpu.memory_space<vmem>>
    %dma_wait3A_729 = arith.constant 0 : i32
    %dma_wait3A_730 = arith.constant 0 : i32
    %dma_wait3A_731 = tpu.memref_slice %arg4[%dma_wait3A_724, %dma_wait3A_725, %dma_wait3A_729, %dma_wait3A_730] : memref<200x8x1024x128xf32, #tpu.memory_space<hbm>> -> memref<1x1x16x128xf32, #tpu.memory_space<hbm>>
    %dma_wait3A_732 = tpu.memref_squeeze %dma_wait3A_731 : memref<1x1x16x128xf32, #tpu.memory_space<hbm>> -> memref<16x128xf32, #tpu.memory_space<hbm>>
    %dma_wait3A_733 = arith.constant 0 : i32
    %dma_wait3A_734 = arith.constant 0 : i32
    %dma_wait3A_735 = tpu.memref_slice %arg4[%dma_wait3A_724, %dma_wait3A_725, %dma_wait3A_733, %dma_wait3A_734] : memref<200x8x1024x128xf32, #tpu.memory_space<hbm>> -> memref<1x1x16x128xf32, #tpu.memory_space<hbm>>
    %dma_wait3A_736 = tpu.memref_squeeze %dma_wait3A_735 : memref<1x1x16x128xf32, #tpu.memory_space<hbm>> -> memref<16x128xf32, #tpu.memory_space<hbm>>
    %dma_wait3A_737 = arith.constant 0 : i32
    %dma_wait3A_738 = arith.constant 0 : i32
    %dma_wait3A_739 = tpu.memref_slice %arg10[%dma_wait3A_737, %dma_wait3A_738] : memref<128x131xf32, #tpu.memory_space<vmem>> -> memref<16x128xf32, #tpu.memory_space<vmem>>
    tpu.wait_dma2 semaphore(%arg15 : memref<!tpu.dma_semaphore, #tpu.memory_space<semaphore_mem>>) src(%dma_wait3A_739 : memref<16x128xf32, #tpu.memory_space<vmem>>) dst(%dma_wait3A_736 : memref<16x128xf32, #tpu.memory_space<hbm>>)
    %dma_wait3A_740 = arith.constant 0 : i32
    %dma_wait3A_741 = arith.constant 0 : i32
    %dma_wait3A_742 = arith.constant 0 : i32
    %dma_wait3A_743 = arith.constant 0 : i32
    %dma_wait3A_744 = tpu.memref_slice %arg10[%dma_wait3A_742, %dma_wait3A_743] : memref<128x131xf32, #tpu.memory_space<vmem>> -> memref<16x128xf32, #tpu.memory_space<vmem>>
    %dma_wait3A_745 = arith.constant 0 : i32
    %dma_wait3A_746 = arith.constant 0 : i32
    %dma_wait3A_747 = tpu.memref_slice %arg4[%dma_wait3A_740, %dma_wait3A_741, %dma_wait3A_745, %dma_wait3A_746] : memref<200x8x1024x128xf32, #tpu.memory_space<hbm>> -> memref<1x1x16x128xf32, #tpu.memory_space<hbm>>
    %dma_wait3A_748 = tpu.memref_squeeze %dma_wait3A_747 : memref<1x1x16x128xf32, #tpu.memory_space<hbm>> -> memref<16x128xf32, #tpu.memory_space<hbm>>
    %dma_wait3A_749 = arith.constant 0 : i32
    %dma_wait3A_750 = arith.constant 0 : i32
    %dma_wait3A_751 = tpu.memref_slice %arg4[%dma_wait3A_740, %dma_wait3A_741, %dma_wait3A_749, %dma_wait3A_750] : memref<200x8x1024x128xf32, #tpu.memory_space<hbm>> -> memref<1x1x16x128xf32, #tpu.memory_space<hbm>>
    %dma_wait3A_752 = tpu.memref_squeeze %dma_wait3A_751 : memref<1x1x16x128xf32, #tpu.memory_space<hbm>> -> memref<16x128xf32, #tpu.memory_space<hbm>>
    %dma_wait3A_753 = arith.constant 0 : i32
    %dma_wait3A_754 = arith.constant 0 : i32
    %dma_wait3A_755 = tpu.memref_slice %arg10[%dma_wait3A_753, %dma_wait3A_754] : memref<128x131xf32, #tpu.memory_space<vmem>> -> memref<16x128xf32, #tpu.memory_space<vmem>>
    tpu.wait_dma2 semaphore(%arg15 : memref<!tpu.dma_semaphore, #tpu.memory_space<semaphore_mem>>) src(%dma_wait3A_755 : memref<16x128xf32, #tpu.memory_space<vmem>>) dst(%dma_wait3A_752 : memref<16x128xf32, #tpu.memory_space<hbm>>)
    %dma_wait3A_756 = arith.constant 0 : i32
    %dma_wait3A_757 = arith.constant 0 : i32
    %dma_wait3A_758 = arith.constant 0 : i32
    %dma_wait3A_759 = arith.constant 0 : i32
    %dma_wait3A_760 = tpu.memref_slice %arg10[%dma_wait3A_758, %dma_wait3A_759] : memref<128x131xf32, #tpu.memory_space<vmem>> -> memref<16x128xf32, #tpu.memory_space<vmem>>
    %dma_wait3A_761 = arith.constant 0 : i32
    %dma_wait3A_762 = arith.constant 0 : i32
    %dma_wait3A_763 = tpu.memref_slice %arg4[%dma_wait3A_756, %dma_wait3A_757, %dma_wait3A_761, %dma_wait3A_762] : memref<200x8x1024x128xf32, #tpu.memory_space<hbm>> -> memref<1x1x16x128xf32, #tpu.memory_space<hbm>>
    %dma_wait3A_764 = tpu.memref_squeeze %dma_wait3A_763 : memref<1x1x16x128xf32, #tpu.memory_space<hbm>> -> memref<16x128xf32, #tpu.memory_space<hbm>>
    %dma_wait3A_765 = arith.constant 0 : i32
    %dma_wait3A_766 = arith.constant 0 : i32
    %dma_wait3A_767 = tpu.memref_slice %arg4[%dma_wait3A_756, %dma_wait3A_757, %dma_wait3A_765, %dma_wait3A_766] : memref<200x8x1024x128xf32, #tpu.memory_space<hbm>> -> memref<1x1x16x128xf32, #tpu.memory_space<hbm>>
    %dma_wait3A_768 = tpu.memref_squeeze %dma_wait3A_767 : memref<1x1x16x128xf32, #tpu.memory_space<hbm>> -> memref<16x128xf32, #tpu.memory_space<hbm>>
    %dma_wait3A_769 = arith.constant 0 : i32
    %dma_wait3A_770 = arith.constant 0 : i32
    %dma_wait3A_771 = tpu.memref_slice %arg10[%dma_wait3A_769, %dma_wait3A_770] : memref<128x131xf32, #tpu.memory_space<vmem>> -> memref<16x128xf32, #tpu.memory_space<vmem>>
    tpu.wait_dma2 semaphore(%arg15 : memref<!tpu.dma_semaphore, #tpu.memory_space<semaphore_mem>>) src(%dma_wait3A_771 : memref<16x128xf32, #tpu.memory_space<vmem>>) dst(%dma_wait3A_768 : memref<16x128xf32, #tpu.memory_space<hbm>>)
    return
  }
}

</mosaic_0001>

<sc_bundles>
// kernel: kernel.3.cloned.1.call-start
scs
__scs_entry_jumppad:
0x0: {  	(pc) =	sbr.rel $0x88, $3  }
0x1: {  	(tag) =	ssettag $0x0;
	lr =	simm.s32 $0x1  }
0x2: {  	[smem:$0x3F9F] =	sst lr;
	_ =	strace $0xD0000000  }
0x3: {  	_ = 	snop  }
0x4: {  	_ = 	snop  }
0x5: {  	_ = 	snop  }
0x6: {  	_ = 	snop  }
0x7: {  	_ = 	snop  }
__scs_overlays_trampoline_lowered:
0x8: {  	[smem:$0x3FAE] =	sst s0  }
0x9: {  	[smem:$0x3FAF] =	sst s1  }
0xa: {  	[smem:$0x3FB0] =	sst s2  }
0xb: {  	[smem:$0x3FB1] =	sst s3  }
0xc: {  	[smem:$0x3FB2] =	sst s4  }
0xd: {  	[smem:$0x3FB3] =	sst s5  }
0xe: {  	[smem:$0x3FB4] =	sst s6  }
0xf: {  	[smem:$0x3FB5] =	sst s7  }
0x10: {  	[smem:$0x3FB6] =	sst s8  }
0x11: {  	[smem:$0x3FB7] =	sst s9;
	s0 =	simm.s32 @!p0 $0x0  }
0x12: {  	s1 =	sld [smem:$0x3F9D];
	s0 =	simm.s32 @p0 $0x1  }
0x13: {  	[smem:$0x3FB8] =	sst s0;
	s0 =	simm.s32 @!p1 $0x0  }
0x14: {  	s2 =	sld [smem:$0x3F9C];
	s0 =	simm.s32 @p1 $0x1  }
0x15: {  	[smem:$0x3FB9] =	sst s0;
	s0 =	simm.s32 @!p2 $0x0  }
0x16: {  	s3 =	sld [smem:$0x3FDB];
	s0 =	simm.s32 @p2 $0x1  }
0x17: {  	s4 =	simm.s32 $0x1BF5;
	[smem:$0x3FBB] =	sst s0  }
0x18: {  	s0 =	sld [smem:$0x3F9E];
	_ =	swait.ge [sflag:s4], $0x0  }
0x19: {  	s7 =	sld [smem:$0x3F9F]  }
0x1a: {  	s8 =	sadd.s32 $0xFFFFE003, lr  }
0x1b: {  	s9 =	sadd.s32 $0xFFFFFEF7, lr;
	s5 =	simm.s32 $0xFFFFFFFF;
	p2 =	slt.u32 s8, $0xFFFFF086  }
0x1c: {  	p1 =	slt.u32 s9, $0xF7A;
	s5 =	simm.s32 @!p2 $0x0  }
0x1d: {  	s5 =	simm.s32 @p1 $0x1;
	p0 =	seq.s32 s7, s2  }
0x1e: {  	s7 =	smul.u32 @!p0 $0xF7A, s2;
	p2 =	seq.s32 @!p0 s5, $0x0  }
0x1f: {  	s9 =	smul.u32 $0xF7A, s1;
	s8 =	simm.s32 @!p0 $0x1BF5;
	p2 =	por !p2, p0  }
0x20: {  	[sflag:s8] =	ssyncset.s32 @!p0 $0xFFFFF086;
	s6 =	sadd.s32 @!p0 s3, s7;
	s7 =	simm.s32 @!p0 $0x108  }
0x21: {  	s3 =	sadd.s32 s3, s9;
	s6 =	sadd.s32 @!p0 $0x88, s6;
	s7 =	simm.s32 @p2 $0x1082  }
0x22: {  	[simem:s7], [sflag:s8] =	dma.local @!p0 [hbm:s6], $0xF7A  }
0x23: {  	s9 =	sor.u32 $0xD0000000, s2;
	s6 =	simm.s32 $0x108;
	_ =	swait.ge @!p0 [sflag:s8], $0x0  }
0x24: {  	s3 =	sadd.s32 $0x88, s3;
	s6 =	simm.s32 @!p1 $0x1082;
	[sflag:s4] =	ssyncset.s32 $0xFFFFF086  }
0x25: {  	[simem:s6], [sflag:s4] =	dma.local [hbm:s3], $0xF7A  }
0x26: {  	[smem:$0x3F9F] =	sst s1;
	(tag) =	ssettag s2;
	_ =	strace s9  }
0x27: {  	s1 =	sld [smem:$0x3FAF]  }
0x28: {  	s2 =	sld [smem:$0x3FB0]  }
0x29: {  	s4 =	sld [smem:$0x3FB2]  }
0x2a: {  	p0 =	seq.s32 s5, $0x0;
	s5 =	sld [smem:$0x3FB3]  }
0x2b: {  	s6 =	sld [smem:$0x3FB4]  }
0x2c: {  	s7 =	sld [smem:$0x3FB5]  }
0x2d: {  	s3 =	simm.s32 $0x108;
	s8 =	sld [smem:$0x3FB6]  }
0x2e: {  	s3 =	simm.s32 @!p0 $0x1082;
	s9 =	sld [smem:$0x3FB7]  }
0x2f: {  	lr =	sadd.s32 s0, s3;
	s0 =	sld [smem:$0x3FAE]  }
0x30: {  	s3 =	sld [smem:$0x3FB1]  }
0x31: {  	[smem:$0x3FBA] =	sst s10  }
0x32: {  	s10 =	sld [smem:$0x3FB8];
	_ =	sdelay $0x3  }
0x33: {  	p0 =	seq.s32 s10, $0x1;
	s10 =	sld [smem:$0x3FBA];
	_ =	sdelay $0x3  }
0x34: {  	[smem:$0x3FBA] =	sst s10  }
0x35: {  	s10 =	sld [smem:$0x3FB9];
	_ =	sdelay $0x3  }
0x36: {  	p1 =	seq.s32 s10, $0x1;
	s10 =	sld [smem:$0x3FBA];
	_ =	sdelay $0x3  }
0x37: {  	[smem:$0x3FBA] =	sst s10  }
0x38: {  	s10 =	sld [smem:$0x3FBB]  }
0x39: {  	_ = 	snop;
	(pc) =	sbr.ind lr, $3  }
0x3a: {  	_ = 	snop  }
0x3b: {  	_ = 	snop  }
0x3c: {  	p2 =	seq.s32 s10, $0x1;
	s10 =	sld [smem:$0x3FBA]  }
0x3d: {  	_ =	shalt  }
0x3e: {  	_ =	shalt  }
0x3f: {  	_ =	shalt  }
0x40: {  	_ =	shalt  }
0x41: {  	_ =	shalt  }
0x42: {  	_ =	shalt  }
0x43: {  	_ =	shalt  }
0x44: {  	_ =	shalt  }
0x45: {  	_ =	shalt  }
0x46: {  	_ =	shalt  }
0x47: {  	_ =	shalt  }
0x48: {  	_ =	shalt  }
0x49: {  	_ =	shalt  }
0x4a: {  	_ =	shalt  }
0x4b: {  	_ =	shalt  }
0x4c: {  	_ =	shalt  }
0x4d: {  	_ =	shalt  }
0x4e: {  	_ =	shalt  }
0x4f: {  	_ =	shalt  }
0x50: {  	_ =	shalt  }
0x51: {  	_ =	shalt  }
0x52: {  	_ =	shalt  }
0x53: {  	_ =	shalt  }
0x54: {  	_ =	shalt  }
0x55: {  	_ =	shalt  }
0x56: {  	_ =	shalt  }
0x57: {  	_ =	shalt  }
0x58: {  	_ =	shalt  }
0x59: {  	_ =	shalt  }
0x5a: {  	_ =	shalt  }
0x5b: {  	_ =	shalt  }
0x5c: {  	_ =	shalt  }
0x5d: {  	_ =	shalt  }
0x5e: {  	_ =	shalt  }
0x5f: {  	_ =	shalt  }
0x60: {  	_ =	shalt  }
0x61: {  	_ =	shalt  }
0x62: {  	_ =	shalt  }
0x63: {  	_ =	shalt  }
0x64: {  	_ =	shalt  }
0x65: {  	_ =	shalt  }
0x66: {  	_ =	shalt  }
0x67: {  	_ =	shalt  }
0x68: {  	_ =	shalt  }
0x69: {  	_ =	shalt  }
0x6a: {  	_ =	shalt  }
0x6b: {  	_ =	shalt  }
0x6c: {  	_ =	shalt  }
0x6d: {  	_ =	shalt  }
0x6e: {  	_ =	shalt  }
0x6f: {  	_ =	shalt  }
0x70: {  	_ =	shalt  }
0x71: {  	_ =	shalt  }
0x72: {  	_ =	shalt  }
0x73: {  	_ =	shalt  }
0x74: {  	_ =	shalt  }
0x75: {  	_ =	shalt  }
0x76: {  	_ =	shalt  }
0x77: {  	_ =	shalt  }
0x78: {  	_ =	shalt  }
0x79: {  	_ =	shalt  }
0x7a: {  	_ =	shalt  }
0x7b: {  	_ =	shalt  }
0x7c: {  	_ =	shalt  }
0x7d: {  	_ =	shalt  }
0x7e: {  	_ =	shalt  }
0x7f: {  	_ =	shalt  }
0x80: {  	_ =	shalt  }
0x81: {  	_ =	shalt  }
0x82: {  	_ =	shalt  }
0x83: {  	_ =	shalt  }
0x84: {  	_ =	shalt  }
0x85: {  	_ =	shalt  }
0x86: {  	_ =	shalt  }
0x87: {  	_ =	shalt  }
.Lfunc_end0:
.L_simem_size_0:
called_computation_lowered:
.L_overlay_start_0:
0x88: {  	s2 =	sld [smem:$0x3FD9]  }
0x89: {  	s3 =	sld [smem:$0x3FFE];
	_ =	sdelay $0x1  }
0x8a: {  	s1 =	srdreg.scid  }
0x8b: {  	s0 =	sand.u32 $0x1, s1  }
0x8c: {  	s17 =	sshll.u32 s0, $0xA;
	s2 =	sadd.s32 s3, s2  }
0x8d: {  	s2 =	sadd.s32 s2, s17  }
0x8e: {  	[smem:$0x3FC6] =	sst s2  }
0x8f: {  	_ = 	snop  }
0x90: {  	s2 =	sld [smem:$0x3FC9]  }
0x91: {  	s18 =	sld [smem:$0x3FD0];
	(tm) =	ssettm $0x1  }
0x92: {  	s4 =	sld [smem:$0x3FFB];
	_ =	sdelay $0x3  }
0x93: {  	_ =	strace s4  }
0x94: {  	s4 =	sld [smem:$0x3FFC];
	_ =	sdelay $0x3  }
0x95: {  	_ =	strace s4  }
0x96: {  	s4 =	sld [smem:$0x3FFD];
	_ =	sdelay $0x3  }
0x97: {  	_ =	strace s4  }
0x98: {  	_ =	strace $0x8FFFFFFF  }
0x99: {  	s19 =	sld [smem:$0x3FDB];
	_ =	sdelay $0x1  }
0x9a: {  	s5 =	simm.s32 $_scs_section_size  }
0x9b: {  	s6 =	simm.s32 $_size__tile_overlayer_lowered;
	s7 =	simm.s32 $_tile_overlayer_lowered  }
0x9c: {  	s22 =	simm.s32 $0x1BFF;
	s21 =	sshll.u32 s7, $0x1;
	s4 =	sadd.s32 s5, s19  }
0x9d: {  	s8 =	simm.s32 $0x0;
	s20 =	sshll.u32 s6, $0x1;
	s6 =	sadd.s32 s21, s4  }
0x9e: {  	[timem:s8], [sflag:s22] =	dma.local [hbm:s6], s20  }
0x9f: {  	_ =	swait.ge [sflag:s22], s20  }
0xa0: {  	s5 =	ssub.s32 $0x0, s20;
	[sflag:s22] =	ssyncset.done $0x0  }
0xa1: {  	[sflag:s22] =	ssyncadd.s32 s5;
	_ =	sdelay $0x1  }
0xa2: {  	s23 =	simm.s32 $0x1B8B  }
0xa3: {  	_ =	swait.ge [sflag:s23], $0x1  }
0xa4: {  	[sflag:s23] =	ssyncset.done $0x0  }
0xa5: {  	s25 =	simm.s32 $0x1B8E;
	s24 =	sld [smem:$0x3FFE];
	[sflag:s23] =	ssyncadd.s32 $0xFFFFFFFF  }
0xa6: {  	s26 =	simm.s32 $execute0_lowered;
	[smem:$0x3FD2] =	sst s25  }
0xa7: {  	s6 =	sshll.u32 s26, $0x1;
	_ =	strace $0x80000046;
	[dreg:$0x1] =	wrdreg $0xFFFFFFFF  }
0xa8: {  	s28 =	simm.s32 $_size_execute0_lowered;
	s4 =	sadd.s32 s4, s6;
	[dreg:$0x0] =	wrdreg $0x0  }
0xa9: {  	s6 =	sshll.u32 s28, $0x1;
	[dreg:$0x2] =	wrdreg s4  }
0xaa: {  	[dreg:$0x3] =	wrdreg s6  }
0xab: {  	[dreg:$0x4] =	wrdreg $0xC0  }
0xac: {  	_ =	task [dreg:s8], $0x5FFFF  }
0xad: {  	[dreg:$0x1] =	wrdreg $0xFFFFFFFF  }
0xae: {  	[dreg:$0x0] =	wrdreg $0x60  }
0xaf: {  	[dreg:$0x2] =	wrdreg s2  }
0xb0: {  	[dreg:$0x3] =	wrdreg s24  }
0xb1: {  	[dreg:$0x4] =	wrdreg s18  }
0xb2: {  	[dreg:$0x5] =	wrdreg $0x9  }
0xb3: {  	_ =	task.clear_ibuf [dreg:s8], $0x6FFFF;
	_ =	strace $0x90000046  }
0xb4: {  	s29 =	simm.s32 $0x9;
	_ =	strace $0x80000048  }
0xb5: {  	_ =	swait.ge [sflag:s29], $0x1  }
0xb6: {  	[sflag:s29] =	ssyncadd.s32 $0xFFFFFFFF  }
0xb7: {  	_ =	strace $0x90000048  }
0xb8: {  	_ =	sfence  }
0xb9: {  	s30 =	sld [smem:$0x0];
	_ =	sdelay $0x2  }
0xba: {  	s31 =	sshll.u32 s1, $0xD;
	s1 =	sshrl.u32 s1, $0x2  }
0xbb: {  	s3 =	sand.u32 $0x4000, s31;
	s1 =	sadd.s32 s1, s30  }
0xbc: {  	s0 =	sor.u32 s3, s0;
	s1 =	sshll.u32 s1, $0x11  }
0xbd: {  	s0 =	sor.u32 s1, s0  }
0xbe: {  	s0 =	sadd.s32 $0x8F2B, s0  }
0xbf: {  	[sflag:s0] =	ssyncadd.remote.s32 $0x1  }
0xc0: {  	_ =	sfence.sel $0xFFFF  }
0xc1: {  	[dreg:$0x0] =	wrdreg $0xFFFFFFFF;
	(pc) =	sbr.abs _section_cstart, $3  }
0xc2: {  	[dreg:$0x1] =	wrdreg $0xFFFFFFFF  }
0xc3: {  	_ =	task.clear_ibuf [dreg:s8], $0x2FFFF;
	_ =	strace $0x9FFFFFFF  }
0xc4: {  	(tm) =	ssettm $0x7FFFFFFF  }
0xc5: {  	_ =	shalt  }
tec
execute0_lowered:
.L_overlay_start_1:
0x0: {  	(tag) =	ssettag $0x1  }
0x1: {  	v0 =	vimm.s32 $0xC38;
	vm0 =	vcmask $0x300  }
0x2: {  	v1 =	vimm.s32 $0x1D38;
	vm1 =	vcmask $0x704;
	vm2 =	vcmask $0xB08  }
0x3: {  	vm3 =	vcmask $0xF0C;
	vm4 =	vcmask $0x1310;
	vm5 =	vcmask $0x1714  }
0x4: {  	vm6 =	vcmask $0x1B18;
	vm7 =	vcmask $0x1F1C;
	vm8 =	vcmask $0x2320  }
0x5: {  	vm9 =	vcmask $0x2724;
	vm10 =	vcmask $0x2B28;
	vm11 =	vcmask $0x2F2C  }
0x6: {  	vm12 =	vcmask $0x3330;
	vm13 =	vcmask $0x3734;
	vm14 =	vcmask $0x3B38  }
0x7: {  	v2 =	vimm.s32 $0x2E38;
	v3 =	vimm.s32 $0x3F38;
	v4 =	vimm.s32 $0x1078  }
0x8: {  	v5 =	vimm.s32 $0x2178;
	v6 =	vimm.s32 $0x3278;
	v7 =	vimm.s32 $0x4378  }
0x9: {  	v0 =	vsel vm0, $0x0, v0;
	v1 =	vsel vm0, $0x1100, v1;
	v2 =	vsel vm0, $0x2200, v2  }
0xa: {  	v3 =	vsel vm0, $0x3300, v3;
	v4 =	vsel vm0, $0x440, v4;
	v5 =	vsel vm0, $0x1540, v5  }
0xb: {  	v6 =	vsel vm0, $0x2640, v6;
	v7 =	vsel vm0, $0x3740, v7;
	v0 =	vsel vm1, $0x88, v0  }
0xc: {  	v1 =	vsel vm1, $0x1188, v1;
	v2 =	vsel vm1, $0x2288, v2;
	v3 =	vsel vm1, $0x3388, v3  }
0xd: {  	v4 =	vsel vm1, $0x4C8, v4;
	v5 =	vsel vm1, $0x15C8, v5;
	v6 =	vsel vm1, $0x26C8, v6  }
0xe: {  	v7 =	vsel vm1, $0x37C8, v7;
	v0 =	vsel vm2, $0x110, v0;
	v1 =	vsel vm2, $0x1210, v1  }
0xf: {  	v2 =	vsel vm2, $0x2310, v2;
	v3 =	vsel vm2, $0x3410, v3;
	v4 =	vsel vm2, $0x550, v4  }
0x10: {  	v5 =	vsel vm2, $0x1650, v5;
	v6 =	vsel vm2, $0x2750, v6;
	v7 =	vsel vm2, $0x3850, v7  }
0x11: {  	v0 =	vsel vm3, $0x198, v0;
	v1 =	vsel vm3, $0x1298, v1;
	v2 =	vsel vm3, $0x2398, v2  }
0x12: {  	v3 =	vsel vm3, $0x3498, v3;
	v4 =	vsel vm3, $0x5D8, v4;
	v5 =	vsel vm3, $0x16D8, v5  }
0x13: {  	v6 =	vsel vm3, $0x27D8, v6;
	v7 =	vsel vm3, $0x38D8, v7;
	v0 =	vsel vm4, $0x220, v0  }
0x14: {  	v1 =	vsel vm4, $0x1320, v1;
	v2 =	vsel vm4, $0x2420, v2;
	v3 =	vsel vm4, $0x3520, v3  }
0x15: {  	v4 =	vsel vm4, $0x660, v4;
	v5 =	vsel vm4, $0x1760, v5;
	v6 =	vsel vm4, $0x2860, v6  }
0x16: {  	v7 =	vsel vm4, $0x3960, v7;
	v0 =	vsel vm5, $0x2A8, v0;
	v1 =	vsel vm5, $0x13A8, v1  }
0x17: {  	v2 =	vsel vm5, $0x24A8, v2;
	v3 =	vsel vm5, $0x35A8, v3;
	v4 =	vsel vm5, $0x6E8, v4  }
0x18: {  	v5 =	vsel vm5, $0x17E8, v5;
	v6 =	vsel vm5, $0x28E8, v6;
	v7 =	vsel vm5, $0x39E8, v7  }
0x19: {  	v0 =	vsel vm6, $0x330, v0;
	v1 =	vsel vm6, $0x1430, v1;
	v2 =	vsel vm6, $0x2530, v2  }
0x1a: {  	v3 =	vsel vm6, $0x3630, v3;
	v4 =	vsel vm6, $0x770, v4;
	v5 =	vsel vm6, $0x1870, v5  }
0x1b: {  	v6 =	vsel vm6, $0x2970, v6;
	v7 =	vsel vm6, $0x3A70, v7;
	v0 =	vsel vm7, $0x3B8, v0  }
0x1c: {  	v1 =	vsel vm7, $0x14B8, v1;
	v2 =	vsel vm7, $0x25B8, v2;
	v3 =	vsel vm7, $0x36B8, v3  }
0x1d: {  	v4 =	vsel vm7, $0x7F8, v4;
	v5 =	vsel vm7, $0x18F8, v5;
	v6 =	vsel vm7, $0x29F8, v6  }
0x1e: {  	v7 =	vsel vm7, $0x3AF8, v7;
	v0 =	vsel vm8, $0x880, v0;
	v1 =	vsel vm8, $0x1980, v1  }
0x1f: {  	s0 =	srdreg.scid;
	v2 =	vsel vm8, $0x2A80, v2;
	v3 =	vsel vm8, $0x3B80, v3;
	v4 =	vsel vm8, $0xCC0, v4  }
0x20: {  	s1 =	stileid.u32;
	s2 =	rddreg [dreg:$0x0];
	v5 =	vsel vm8, $0x1DC0, v5;
	v6 =	vsel vm8, $0x2EC0, v6;
	v7 =	vsel vm8, $0x3FC0, v7  }
0x21: {  	s6 =	rddreg [dreg:$0x1];
	s26 =	simm.s32 $0x3;
	s28 =	simm.s32 $0x2;
	v0 =	vsel vm9, $0x908, v0;
	v1 =	vsel vm9, $0x1A08, v1;
	v2 =	vsel vm9, $0x2B08, v2  }
0x22: {  	s30 =	simm.s32 $0x8200;
	s10 =	simm.s32 $0xC600;
	s22 =	simm.s32 $0x106D0;
	v3 =	vsel vm9, $0x3C08, v3;
	v4 =	vsel vm9, $0xD48, v4;
	v5 =	vsel vm9, $0x1E48, v5  }
0x23: {  	s25 =	simm.s32 $0x4;
	s0 =	sand.u32 $0x1, s0;
	s1 =	sshll.u32 s1, $0x1;
	v6 =	vsel vm9, $0x2F48, v6;
	v7 =	vsel vm9, $0x4048, v7;
	v0 =	vsel vm10, $0x990, v0  }
0x24: {  	s23 =	simm.s32 $0x100;
	s3 =	sor.u32 s0, s1;
	s0 =	ssub.s32 $0x2, s0;
	v1 =	vsel vm10, $0x1A90, v1;
	v2 =	vsel vm10, $0x2B90, v2;
	v3 =	vsel vm10, $0x3C90, v3  }
0x25: {  	s1 =	smul.u32 $0x19000, s3;
	s3 =	sshll.u32 s3, $0xF;
	s8 =	sshrl.u32 s0, $0x1;
	v4 =	vsel vm10, $0xDD0, v4;
	v5 =	vsel vm10, $0x1ED0, v5;
	v6 =	vsel vm10, $0x2FD0, v6  }
0x26: {  	s3 =	sand.u32 $0x18000, s3;
	s0 =	ssub.s32 s0, s8;
	s8 =	simm.s32 $0x5;
	v7 =	vsel vm10, $0x40D0, v7;
	v0 =	vsel vm11, $0xA18, v0;
	v1 =	vsel vm11, $0x1B18, v1  }
0x27: {  	s4 =	sshrl.u32 s1, $0x7;
	s11 =	sor.u32 $0x200, s1;
	s19 =	sor.u32 $0x300, s1;
	v2 =	vsel vm11, $0x2C18, v2;
	v3 =	vsel vm11, $0x3D18, v3;
	v4 =	vsel vm11, $0xE58, v4  }
0x28: {  	s0 =	smax.u32 s0, $0x1;
	s5 =	sor.u32 s1, s4;
	s4 =	rddreg [dreg:$0x2];
	v5 =	vsel vm11, $0x1F58, v5;
	v6 =	vsel vm11, $0x3058, v6;
	v7 =	vsel vm11, $0x4158, v7  }
0x29: {  	s7 =	sand.u32 $0x3E0380, s5;
	s5 =	simm.s32 $0x0;
	s12 =	sadd.s32 $0x4000, s4;
	v0 =	vsel vm12, $0xAA0, v0;
	v1 =	vsel vm12, $0x1BA0, v1;
	v2 =	vsel vm12, $0x2CA0, v2  }
0x2a: {  	s13 =	sadd.s32 $0x8000, s4;
	s14 =	sadd.s32 $0xC000, s4;
	s3 =	sor.u32 s3, s7;
	v3 =	vsel vm12, $0x3DA0, v3;
	v4 =	vsel vm12, $0xEE0, v4;
	v5 =	vsel vm12, $0x1FE0, v5  }
0x2b: {  	s15 =	sadd.s32 $0x10000, s4;
	[smem:$0x7FF] =	sst s5;
	s3 =	sshrl.u32 s3, $0x3;
	v6 =	vsel vm12, $0x30E0, v6;
	v7 =	vsel vm12, $0x41E0, v7;
	v0 =	vsel vm13, $0xB28, v0  }
0x2c: {  	_ =	strace $0x80000047;
	[dreg:$0x8] =	wrdreg s0;
	s3 =	sadd.s32 s2, s3;
	v1 =	vsel vm13, $0x1C28, v1;
	v2 =	vsel vm13, $0x2D28, v2;
	v3 =	vsel vm13, $0x3E28, v3  }
0x2d: {  	s16 =	sadd.s32 $0x14000, s4;
	s29 =	sadd.s32 $0x80, s3;
	[dreg:$0x4] =	wrdreg s3;
	v4 =	vsel vm13, $0xF68, v4;
	v5 =	vsel vm13, $0x2068, v5;
	v6 =	vsel vm13, $0x3168, v6  }
0x2e: {  	s17 =	sadd.s32 $0x18000, s4;
	s31 =	sadd.s32 $0x100, s3;
	[dreg:$0x5] =	wrdreg s29;
	v7 =	vsel vm13, $0x4268, v7;
	v0 =	vsel vm14, $0xBB0, v0;
	v1 =	vsel vm14, $0x1CB0, v1  }
0x2f: {  	s18 =	sadd.s32 $0x1C000, s4;
	s3 =	sadd.s32 $0x180, s3;
	[dreg:$0x6] =	wrdreg s31;
	v2 =	vsel vm14, $0x2DB0, v2;
	v3 =	vsel vm14, $0x3EB0, v3;
	v4 =	vsel vm14, $0xFF0, v4  }
0x30: {  	s7 =	sadd.s32 $0x400, s6;
	[dreg:$0x7] =	wrdreg s3;
	s3 =	simm.s32 $0x0;
	v5 =	vsel vm14, $0x20F0, v5;
	v6 =	vsel vm14, $0x31F0, v6;
	v7 =	vsel vm14, $0x42F0, v7  }
.LBB2_1:
0x31: {  	[dreg:$0x9] =	wrdreg s3  }
0x32: {  	s0 =	rddreg [dreg:$0x4]  }
0x33: {  	[tilespmem:s5], [sflag:$0x1] =	stream.linear.gather [hbm4b:s0+s5], $0x80, $0x38;
	[tilespmem:$0x10A00] =	vst v63  }
0x34: {  	s6 =	rddreg [dreg:$0x5];
	s9 =	simm.s32 $0x80  }
0x35: {  	[tilespmem:s9], [sflag:$0x1] =	stream.linear.gather [hbm4b:s6+s5], $0x80, $0x38;
	[tilespmem:$0x10A00] =	vst v63  }
0x36: {  	s20 =	rddreg [dreg:$0x6];
	s21 =	simm.s32 $0x100  }
0x37: {  	[tilespmem:s21], [sflag:$0x2] =	stream.linear.gather [hbm4b:s20+s5], $0x80, $0x38;
	[tilespmem:$0x10A00] =	vst v63  }
0x38: {  	s24 =	rddreg [dreg:$0x7];
	s29 =	simm.s32 $0x1;
	s6 =	simm.s32 $0x180  }
0x39: {  	[tilespmem:s6], [sflag:$0x2] =	stream.linear.gather [hbm4b:s24+s5], $0x80, $0x38;
	[tilespmem:$0x10A00] =	vst v63  }
0x3a: {  	_ =	swait.ge [sflag:s29], $0x80  }
0x3b: {  	[sflag:s29] =	ssyncset.done $0x0  }
0x3c: {  	[sflag:s29] =	ssyncadd.s32 $0xFFFFFF80  }
0x3d: {  	_ =	swait.ge [sflag:s29], $0x80  }
0x3e: {  	[sflag:s29] =	ssyncset.done $0x0  }
0x3f: {  	s31 =	simm.s32 $0x200;
	s9 =	simm.s32 $0x0;
	[sflag:s29] =	ssyncadd.s32 $0xFFFFFF80  }
0x40: {  	[tilespmem:s31], [sflag:$0x3] =	stream.indirect.gather [hbm4b:s7+s21], $0x40, s5, s21, $0xb8;
	[tilespmem:$0x10A00] =	vst v63  }
.LBB2_2:
0x41: {  	_ =	swait.ge [sflag:s26], $0x4000  }
0x42: {  	[sflag:s26] =	ssyncset.done $0x0  }
0x43: {  	[sflag:s26] =	ssyncadd.s32 $0xFFFFC000  }
0x44: {  	_ =	swait.ge [sflag:s28], $0x80  }
0x45: {  	[sflag:s28] =	ssyncset.done $0x0  }
0x46: {  	[sflag:s28] =	ssyncadd.s32 $0xFFFFFF80  }
0x47: {  	_ =	swait.ge [sflag:s28], $0x80  }
0x48: {  	s0 =	simm.s32 $0x4200;
	[sflag:s28] =	ssyncset.done $0x0  }
0x49: {  	s6 =	sshll.u32 s9, $0x9;
	p0 =	seq.s32 s9, $0xC7;
	[sflag:s28] =	ssyncadd.s32 $0xFFFFFF80  }
0x4a: {  	[tilespmem:s0], [sflag:$0x3] =	stream.indirect.gather [hbm4b:s7+s23], $0x40, s23, s23, $0xb8;
	[tilespmem:$0x10A00] =	vst v63  }
0x4b: {  	s0 =	sadd.s32 @!p0 s6, s11  }
0x4c: {  	s3 =	sshll.u32 @!p0 s0, $0x3  }
0x4d: {  	s20 =	sand.u32 @!p0 $0x7E0000, s0;
	s0 =	sshrl.u32 @!p0 s0, $0x7;
	s3 =	sand.u32 @!p0 $0x1F000, s3  }
0x4e: {  	p1 =	seq.s32 @!p0 s9, $0x0;
	s0 =	sand.u32 @!p0 $0x380, s0;
	s3 =	sor.u32 @!p0 s20, s3  }
0x4f: {  	p1 =	por p0, !p1;
	s0 =	sor.u32 @!p0 s0, s3  }
.Ltmp0:
0x50: {  	s0 =	sshrl.u32 @!p0 s0, $0x3;
	(pc) =	sbr.rel @!p1 .LBB2_3-.Ltmp0, $4  }
0x51: {  	s3 =	simm.s32 @!p0 $0x0;
	s0 =	sadd.s32 @!p0 s2, s0  }
0x52: {  	[tilespmem:s3], [sflag:$0x1] =	stream.linear.gather @!p0 [hbm4b:s0+s3], $0x80, $0x38;
	[tilespmem:$0x10A00] =	vst v63  }
0x53: {  	s20 =	simm.s32 @!p0 $0x80;
	s0 =	sadd.s32 @!p0 $0x80, s0  }
0x54: {  	[tilespmem:s20], [sflag:$0x1] =	stream.linear.gather @!p0 [hbm4b:s0+s3], $0x80, $0x38;
	[tilespmem:$0x10A00] =	vst v63  }
0x55: {  	_ =	swait.ge [sflag:s25], $0x800  }
0x56: {  	[sflag:s25] =	ssyncset.done $0x0  }
0x57: {  	[sflag:s25] =	ssyncadd.s32 $0xFFFFF800  }
0x58: {  	_ =	swait.ge [sflag:s25], $0x800  }
0x59: {  	[sflag:s25] =	ssyncset.done $0x0  }
0x5a: {  	[sflag:s25] =	ssyncadd.s32 $0xFFFFF800  }
0x5b: {  	_ =	swait.ge [sflag:s25], $0x800  }
0x5c: {  	[sflag:s25] =	ssyncset.done $0x0  }
0x5d: {  	[sflag:s25] =	ssyncadd.s32 $0xFFFFF800  }
0x5e: {  	_ =	swait.ge [sflag:s25], $0x800  }
0x5f: {  	[sflag:s25] =	ssyncset.done $0x0  }
0x60: {  	[sflag:s25] =	ssyncadd.s32 $0xFFFFF800  }
0x61: {  	_ =	swait.ge [sflag:s25], $0x800  }
0x62: {  	[sflag:s25] =	ssyncset.done $0x0  }
0x63: {  	[sflag:s25] =	ssyncadd.s32 $0xFFFFF800  }
0x64: {  	_ =	swait.ge [sflag:s25], $0x800  }
0x65: {  	[sflag:s25] =	ssyncset.done $0x0  }
0x66: {  	[sflag:s25] =	ssyncadd.s32 $0xFFFFF800  }
0x67: {  	_ =	swait.ge [sflag:s25], $0x800  }
.Ltmp1:
0x68: {  	[sflag:s25] =	ssyncset.done $0x0;
	(pc) =	sbr.rel .LBB2_5-.Ltmp1, $4  }
0x69: {  	[sflag:s25] =	ssyncadd.s32 $0xFFFFF800  }
0x6a: {  	_ =	swait.ge [sflag:s25], $0x800  }
0x6b: {  	[sflag:s25] =	ssyncset.done $0x0  }
0x6c: {  	p1 =	por $0x0, $0x0;
	[sflag:s25] =	ssyncadd.s32 $0xFFFFF800  }
.LBB2_3:
0x6d: {  	p1 =	por @!p0 $0x1, $0x1  }
.LBB2_5:
0x6e: {  	s0 =	simm.s32 $0x1  }
0x6f: {  	s3 =	simm.s32 $0x0;
	v8 =	vmov s0  }
0x70: {  	s20 =	simm.s32 $0x2200;
	v9 =	vmov s3;
	v14 =	vand.u32 $0x7F, v8  }
0x71: {  	v18 =	vand.u32 $0x7E, v9;
	v8 =	vld [tilespmem:s20+$0xFFFFE040];
	v9 =	vadd.s32 v0, v14  }
0x72: {  	v10 =	vld [tilespmem:s20+$0xFFFFE000];
	v11 =	vadd.s32 v0, v18;
	_ =	sdelay $0x3  }
0x73: {  	[tilespmem:v9+s30+$0x0] =	vst.idx.msk $0xffff, v8  }
0x74: {  	[tilespmem:v11+s30+$0x0] =	vst.idx.msk $0xffff, v10;
	v9 =	vadd.s32 v1, v14;
	v8 =	vld [tilespmem:s20+$0xFFFFE050]  }
0x75: {  	v11 =	vadd.s32 v1, v18;
	v10 =	vld [tilespmem:s20+$0xFFFFE010];
	_ =	sdelay $0x3  }
0x76: {  	[tilespmem:v9+s30+$0x0] =	vst.idx.msk $0xffff, v8  }
0x77: {  	[tilespmem:v11+s30+$0x0] =	vst.idx.msk $0xffff, v10;
	v11 =	vadd.s32 v2, v14;
	v10 =	vld [tilespmem:s20+$0xFFFFE060]  }
0x78: {  	s21 =	simm.s32 $0x3;
	v13 =	vadd.s32 v2, v18;
	v12 =	vld [tilespmem:s20+$0xFFFFE020]  }
0x79: {  	s24 =	simm.s32 $0x2;
	v8 =	vmov s21  }
0x7a: {  	v9 =	vmov s24;
	s24 =	simm.s32 $0x2280;
	v8 =	vand.u32 $0x7F, v8  }
0x7b: {  	v9 =	vand.u32 $0x7E, v9;
	v15 =	vld [tilespmem:s24+$0xFFFFE040];
	v16 =	vadd.s32 v0, v8  }
0x7c: {  	v17 =	vld [tilespmem:s24+$0xFFFFE000];
	v19 =	vadd.s32 v0, v9;
	[tilespmem:v11+s30+$0x0] =	vst.idx.msk $0xffff, v10  }
0x7d: {  	[tilespmem:v13+s30+$0x0] =	vst.idx.msk $0xffff, v12;
	v11 =	vadd.s32 v3, v14;
	v10 =	vld [tilespmem:s20+$0xFFFFE070]  }
0x7e: {  	v13 =	vadd.s32 v3, v18;
	v12 =	vld [tilespmem:s20+$0xFFFFE030];
	_ =	sdelay $0x1  }
0x7f: {  	[tilespmem:v16+s30+$0x0] =	vst.idx.msk $0xffff, v15  }
0x80: {  	[tilespmem:v19+s30+$0x0] =	vst.idx.msk $0xffff, v17;
	v16 =	vadd.s32 v1, v8;
	v15 =	vld [tilespmem:s24+$0xFFFFE050]  }
0x81: {  	v19 =	vadd.s32 v1, v9;
	v17 =	vld [tilespmem:s24+$0xFFFFE010];
	[tilespmem:v11+s30+$0x0] =	vst.idx.msk $0xffff, v10  }
0x82: {  	[tilespmem:v13+s30+$0x0] =	vst.idx.msk $0xffff, v12;
	v11 =	vadd.s32 v4, v14;
	v10 =	vld [tilespmem:s20+$0x40]  }
0x83: {  	v13 =	vadd.s32 v4, v18;
	v12 =	vld [tilespmem:s20+$0x0];
	_ =	sdelay $0x1  }
0x84: {  	[tilespmem:v16+s30+$0x0] =	vst.idx.msk $0xffff, v15  }
0x85: {  	[tilespmem:v19+s30+$0x0] =	vst.idx.msk $0xffff, v17;
	v16 =	vadd.s32 v2, v8;
	v15 =	vld [tilespmem:s24+$0xFFFFE060]  }
0x86: {  	s3 =	simm.s32 $0x5;
	v19 =	vadd.s32 v2, v9;
	v17 =	vld [tilespmem:s24+$0xFFFFE020];
	[tilespmem:v11+s30+$0x0] =	vst.idx.msk $0xffff, v10  }
0x87: {  	s21 =	simm.s32 $0x4;
	v10 =	vmov s3;
	[tilespmem:v13+s30+$0x0] =	vst.idx.msk $0xffff, v12;
	v13 =	vadd.s32 v5, v14;
	v12 =	vld [tilespmem:s20+$0x50]  }
0x88: {  	s31 =	simm.s32 $0x2300;
	v21 =	vadd.s32 v5, v18;
	v11 =	vmov s21;
	v10 =	vand.u32 $0x7F, v10;
	v20 =	vld [tilespmem:s20+$0x10]  }
0x89: {  	v22 =	vld [tilespmem:s31+$0xFFFFE040];
	v11 =	vand.u32 $0x7E, v11;
	v23 =	vadd.s32 v0, v10  }
0x8a: {  	v24 =	vld [tilespmem:s31+$0xFFFFE000];
	[tilespmem:v16+s30+$0x0] =	vst.idx.msk $0xffff, v15;
	v25 =	vadd.s32 v0, v11  }
0x8b: {  	[tilespmem:v19+s30+$0x0] =	vst.idx.msk $0xffff, v17;
	v16 =	vadd.s32 v3, v8;
	v15 =	vld [tilespmem:s24+$0xFFFFE070]  }
0x8c: {  	v19 =	vadd.s32 v3, v9;
	v17 =	vld [tilespmem:s24+$0xFFFFE030];
	[tilespmem:v13+s30+$0x0] =	vst.idx.msk $0xffff, v12  }
0x8d: {  	[tilespmem:v21+s30+$0x0] =	vst.idx.msk $0xffff, v20;
	v13 =	vadd.s32 v6, v14;
	v12 =	vld [tilespmem:s20+$0x60]  }
0x8e: {  	v21 =	vadd.s32 v6, v18;
	[tilespmem:v23+s30+$0x0] =	vst.idx.msk $0xffff, v22;
	v20 =	vld [tilespmem:s20+$0x20]  }
0x8f: {  	[tilespmem:v25+s30+$0x0] =	vst.idx.msk $0xffff, v24;
	v23 =	vadd.s32 v1, v10;
	v22 =	vld [tilespmem:s31+$0xFFFFE050]  }
0x90: {  	v63 =	vadd.s32 v1, v11;
	[tilespmem:v16+s30+$0x0] =	vst.idx.msk $0xffff, v15;
	v24 =	vld [tilespmem:s31+$0xFFFFE010]  }
0x91: {  	v27 =	vadd.s32 v4, v8;
	[tilespmem:v19+s30+$0x0] =	vst.idx.msk $0xffff, v17;
	v26 =	vld [tilespmem:s24+$0x40]  }
0x92: {  	v17 =	vadd.s32 v4, v9;
	v16 =	vld [tilespmem:s24+$0x0];
	[tilespmem:v13+s30+$0x0] =	vst.idx.msk $0xffff, v12  }
0x93: {  	v15 =	vadd.s32 v7, v14;
	[tilespmem:v21+s30+$0x0] =	vst.idx.msk $0xffff, v20;
	v13 =	vld [tilespmem:s20+$0x70]  }
0x94: {  	v14 =	vadd.s32 v7, v18;
	[tilespmem:v23+s30+$0x0] =	vst.idx.msk $0xffff, v22;
	v12 =	vld [tilespmem:s20+$0x30]  }
0x95: {  	s29 =	simm.s32 $0x2300;
	s0 =	simm.s32 $0x8;
	v19 =	vadd.s32 v2, v10;
	[tilespmem:v63+s30+$0x0] =	vst.idx.msk $0xffff, v24;
	v18 =	vld [tilespmem:s31+$0xFFFFE060]  }
0x96: {  	s3 =	simm.s32 $0x6;
	s21 =	simm.s32 $0x7;
	v21 =	vadd.s32 v2, v11;
	s20 =	sor.u32 $0x100, s6;
	[tilespmem:v27+s30+$0x0] =	vst.idx.msk $0xffff, v26;
	v20 =	vld [tilespmem:s31+$0xFFFFE020]  }
.LBB2_6:
0x97: {  	p2 =	slt.u32 s0, $0x7E;
	v22 =	vmov s21;
	[tilespmem:v17+s30+$0x0] =	vst.idx.msk $0xffff, v16;
	v16 =	vld [tilespmem:s24+$0x50];
	v17 =	vadd.s32 v5, v8  }
0x98: {  	v23 =	vmov s3;
	s31 =	sadd.s32 $0x80, s31;
	v25 =	vadd.s32 v5, v9;
	s3 =	smov.u32 s0;
	v22 =	vand.u32 $0x7F, v22;
	v24 =	vld [tilespmem:s24+$0x10];
	[tilespmem:v15+s30+$0x0] =	vst.idx.msk $0xffff, v13  }
0x99: {  	v23 =	vand.u32 $0x7E, v23;
	v13 =	vld [tilespmem:s31+$0xFFFFE040];
	v15 =	vadd.s32 v0, v22;
	[tilespmem:v14+s30+$0x0] =	vst.idx.msk $0xffff, v12  }
0x9a: {  	v14 =	vadd.s32 v0, v23;
	v12 =	vld [tilespmem:s31+$0xFFFFE000];
	[tilespmem:v19+s30+$0x0] =	vst.idx.msk $0xffff, v18  }
0x9b: {  	v19 =	vadd.s32 v3, v10;
	[tilespmem:v21+s30+$0x0] =	vst.idx.msk $0xffff, v20;
	v18 =	vld [tilespmem:s29+$0xFFFFE070]  }
0x9c: {  	v21 =	vadd.s32 v3, v11;
	v20 =	vld [tilespmem:s29+$0xFFFFE030];
	[tilespmem:v17+s30+$0x0] =	vst.idx.msk $0xffff, v16  }
0x9d: {  	[tilespmem:v25+s30+$0x0] =	vst.idx.msk $0xffff, v24;
	v24 =	vld [tilespmem:s24+$0x60];
	v25 =	vadd.s32 v6, v8  }
0x9e: {  	[tilespmem:v15+s30+$0x0] =	vst.idx.msk $0xffff, v13;
	v13 =	vld [tilespmem:s24+$0x20];
	v15 =	vadd.s32 v6, v9  }
0x9f: {  	[tilespmem:v14+s30+$0x0] =	vst.idx.msk $0xffff, v12;
	v12 =	vld [tilespmem:s31+$0xFFFFE050];
	v14 =	vadd.s32 v1, v22  }
0xa0: {  	v27 =	vadd.s32 v1, v23;
	v26 =	vld [tilespmem:s31+$0xFFFFE010];
	[tilespmem:v19+s30+$0x0] =	vst.idx.msk $0xffff, v18  }
0xa1: {  	v29 =	vadd.s32 v4, v10;
	[tilespmem:v21+s30+$0x0] =	vst.idx.msk $0xffff, v20;
	v28 =	vld [tilespmem:s29+$0x40]  }
.Ltmp2:
0xa2: {  	v17 =	vadd.s32 v4, v11;
	v16 =	vld [tilespmem:s29+$0x0];
	[tilespmem:v25+s30+$0x0] =	vst.idx.msk $0xffff, v24;
	(pc) =	sbr.rel @p2 .LBB2_6-.Ltmp2, $4  }
0xa3: {  	[tilespmem:v15+s30+$0x0] =	vst.idx.msk $0xffff, v13;
	v13 =	vld [tilespmem:s24+$0x70];
	v15 =	vadd.s32 v7, v8;
	v8 =	vmov v10;
	v10 =	vmov v22  }
0xa4: {  	[tilespmem:v14+s30+$0x0] =	vst.idx.msk $0xffff, v12;
	v12 =	vld [tilespmem:s24+$0x30];
	v14 =	vadd.s32 v7, v9;
	v9 =	vmov v11;
	v11 =	vmov v23;
	s24 =	smov.u32 s29;
	s29 =	smov.u32 s31  }
0xa5: {  	v19 =	vadd.s32 v2, v10;
	[tilespmem:v27+s30+$0x0] =	vst.idx.msk $0xffff, v26;
	v18 =	vld [tilespmem:s31+$0xFFFFE060]  }
0xa6: {  	s0 =	sadd.s32 $0x2, s0;
	s21 =	sadd.s32 $0x1, s3;
	v21 =	vadd.s32 v2, v11;
	v20 =	vld [tilespmem:s31+$0xFFFFE020];
	[tilespmem:v29+s30+$0x0] =	vst.idx.msk $0xffff, v28  }
0xa7: {  	v22 =	vmov s21  }
0xa8: {  	v23 =	vmov s3;
	s31 =	sadd.s32 $0x80, s31;
	v22 =	vand.u32 $0x7F, v22  }
0xa9: {  	v23 =	vand.u32 $0x7E, v23;
	v24 =	vld [tilespmem:s31+$0xFFFFE040];
	v25 =	vadd.s32 v0, v22  }
0xaa: {  	v26 =	vld [tilespmem:s31+$0xFFFFE000];
	v27 =	vadd.s32 v0, v23;
	_ =	sdelay $0x3  }
0xab: {  	[tilespmem:v25+s30+$0x0] =	vst.idx.msk $0xffff, v24  }
0xac: {  	v49 =	vadd.s32 v1, v22;
	[tilespmem:v27+s30+$0x0] =	vst.idx.msk $0xffff, v26;
	v24 =	vld [tilespmem:s31+$0xFFFFE050]  }
0xad: {  	v50 =	vadd.s32 v1, v23;
	v26 =	vld [tilespmem:s31+$0xFFFFE010];
	_ =	sdelay $0x3  }
0xae: {  	[tilespmem:v49+s30+$0x0] =	vst.idx.msk $0xffff, v24  }
0xaf: {  	v51 =	vadd.s32 v2, v22;
	[tilespmem:v50+s30+$0x0] =	vst.idx.msk $0xffff, v26;
	v24 =	vld [tilespmem:s31+$0xFFFFE060]  }
0xb0: {  	v52 =	vadd.s32 v2, v23;
	v26 =	vld [tilespmem:s31+$0xFFFFE020]  }
0xb1: {  	[tilespmem:v19+s30+$0x0] =	vst.idx.msk $0xffff, v18  }
0xb2: {  	v19 =	vadd.s32 v3, v10;
	[tilespmem:v21+s30+$0x0] =	vst.idx.msk $0xffff, v20;
	v18 =	vld [tilespmem:s29+$0xFFFFE070]  }
0xb3: {  	v21 =	vadd.s32 v3, v11;
	v20 =	vld [tilespmem:s29+$0xFFFFE030]  }
0xb4: {  	[tilespmem:v51+s30+$0x0] =	vst.idx.msk $0xffff, v24  }
0xb5: {  	v53 =	vadd.s32 v3, v22;
	[tilespmem:v52+s30+$0x0] =	vst.idx.msk $0xffff, v26;
	v24 =	vld [tilespmem:s31+$0xFFFFE070]  }
0xb6: {  	[tilespmem:v17+s30+$0x0] =	vst.idx.msk $0xffff, v16;
	v54 =	vadd.s32 v3, v23;
	v26 =	vld [tilespmem:s31+$0xFFFFE030]  }
0xb7: {  	[tilespmem:v19+s30+$0x0] =	vst.idx.msk $0xffff, v18  }
0xb8: {  	v17 =	vadd.s32 v4, v10;
	[tilespmem:v21+s30+$0x0] =	vst.idx.msk $0xffff, v20;
	v16 =	vld [tilespmem:s29+$0x40]  }
0xb9: {  	[tilespmem:v15+s30+$0x0] =	vst.idx.msk $0xffff, v13;
	v19 =	vadd.s32 v4, v11;
	v18 =	vld [tilespmem:s29+$0x0]  }
0xba: {  	v55 =	vld [tilespmem:s24+$0x50];
	v56 =	vadd.s32 v5, v8;
	[tilespmem:v53+s30+$0x0] =	vst.idx.msk $0xffff, v24  }
0xbb: {  	v21 =	vadd.s32 v4, v22;
	[tilespmem:v54+s30+$0x0] =	vst.idx.msk $0xffff, v26;
	v20 =	vld [tilespmem:s31+$0x40]  }
0xbc: {  	v15 =	vadd.s32 v4, v23;
	[tilespmem:v14+s30+$0x0] =	vst.idx.msk $0xffff, v12;
	v13 =	vld [tilespmem:s31+$0x0]  }
0xbd: {  	v12 =	vld [tilespmem:s24+$0x10];
	v14 =	vadd.s32 v5, v9;
	[tilespmem:v17+s30+$0x0] =	vst.idx.msk $0xffff, v16  }
0xbe: {  	v17 =	vadd.s32 v5, v10;
	[tilespmem:v19+s30+$0x0] =	vst.idx.msk $0xffff, v18;
	v16 =	vld [tilespmem:s29+$0x50]  }
0xbf: {  	[tilespmem:v56+s30+$0x0] =	vst.idx.msk $0xffff, v55;
	v19 =	vadd.s32 v5, v11;
	v18 =	vld [tilespmem:s29+$0x10]  }
0xc0: {  	[tilespmem:v21+s30+$0x0] =	vst.idx.msk $0xffff, v20  }
0xc1: {  	[tilespmem:v15+s30+$0x0] =	vst.idx.msk $0xffff, v13;
	v15 =	vadd.s32 v5, v22;
	v13 =	vld [tilespmem:s31+$0x50]  }
0xc2: {  	[tilespmem:v14+s30+$0x0] =	vst.idx.msk $0xffff, v12;
	v21 =	vadd.s32 v5, v23;
	v20 =	vld [tilespmem:s31+$0x10]  }
0xc3: {  	v12 =	vld [tilespmem:s24+$0x60];
	v14 =	vadd.s32 v6, v8;
	[tilespmem:v17+s30+$0x0] =	vst.idx.msk $0xffff, v16  }
0xc4: {  	v17 =	vadd.s32 v6, v10;
	[tilespmem:v19+s30+$0x0] =	vst.idx.msk $0xffff, v18;
	v16 =	vld [tilespmem:s29+$0x60]  }
0xc5: {  	v19 =	vadd.s32 v6, v11;
	v18 =	vld [tilespmem:s29+$0x20]  }
0xc6: {  	v58 =	vadd.s32 v6, v9;
	v57 =	vld [tilespmem:s24+$0x20];
	[tilespmem:v15+s30+$0x0] =	vst.idx.msk $0xffff, v13  }
0xc7: {  	[tilespmem:v21+s30+$0x0] =	vst.idx.msk $0xffff, v20;
	v15 =	vadd.s32 v6, v22;
	v13 =	vld [tilespmem:s31+$0x60]  }
0xc8: {  	[tilespmem:v14+s30+$0x0] =	vst.idx.msk $0xffff, v12;
	v14 =	vadd.s32 v6, v23;
	v12 =	vld [tilespmem:s31+$0x20]  }
0xc9: {  	v8 =	vadd.s32 v7, v8;
	[tilespmem:v17+s30+$0x0] =	vst.idx.msk $0xffff, v16;
	v20 =	vld [tilespmem:s24+$0x70]  }
0xca: {  	v10 =	vadd.s32 v7, v10;
	[tilespmem:v19+s30+$0x0] =	vst.idx.msk $0xffff, v18;
	v16 =	vld [tilespmem:s29+$0x70]  }
0xcb: {  	[tilespmem:v58+s30+$0x0] =	vst.idx.msk $0xffff, v57;
	v11 =	vadd.s32 v7, v11;
	v17 =	vld [tilespmem:s29+$0x30]  }
0xcc: {  	v9 =	vadd.s32 v7, v9;
	v21 =	vld [tilespmem:s24+$0x30];
	[tilespmem:v15+s30+$0x0] =	vst.idx.msk $0xffff, v13  }
0xcd: {  	[tilespmem:v14+s30+$0x0] =	vst.idx.msk $0xffff, v12;
	v13 =	vadd.s32 v7, v22;
	v12 =	vld [tilespmem:s31+$0x70]  }
0xce: {  	[tilespmem:v8+s30+$0x0] =	vst.idx.msk $0xffff, v20;
	v14 =	vadd.s32 v7, v23;
	v8 =	vld [tilespmem:s31+$0x30]  }
0xcf: {  	s0 =	sadd.s32 s1, s6;
	[tilespmem:v10+s30+$0x0] =	vst.idx.msk $0xffff, v16  }
0xd0: {  	[tilespmem:v11+s30+$0x0] =	vst.idx.msk $0xffff, v17;
	s31 =	sshll.u32 s0, $0x3  }
0xd1: {  	[tilespmem:v9+s30+$0x0] =	vst.idx.msk $0xffff, v21;
	s0 =	sand.u32 $0x3E00, s0;
	s3 =	sand.u32 $0xFFE0000, s31  }
0xd2: {  	s24 =	sor.u32 s0, s3;
	[tilespmem:v13+s30+$0x0] =	vst.idx.msk $0xffff, v12  }
0xd3: {  	s0 =	sadd.s32 s4, s24;
	[tilespmem:v14+s30+$0x0] =	vst.idx.msk $0xffff, v8  }
0xd4: {  	[hbm4b:s0+s5] =	stream.linear.scatter [tilespmem:s30], [sflag:$0x4], $0x80, $0x38;
	[tilespmem:$0x10A00] =	vst v63  }
0xd5: {  	s31 =	simm.s32 $0x8288;
	s21 =	sadd.s32 $0x10, s0  }
0xd6: {  	[hbm4b:s21+s5] =	stream.linear.scatter [tilespmem:s31], [sflag:$0x4], $0x80, $0x38;
	[tilespmem:$0x10A00] =	vst v63  }
0xd7: {  	s21 =	sadd.s32 $0x20, s0;
	s31 =	simm.s32 $0x8310  }
0xd8: {  	[hbm4b:s21+s5] =	stream.linear.scatter [tilespmem:s31], [sflag:$0x4], $0x80, $0x38;
	[tilespmem:$0x10A00] =	vst v63  }
0xd9: {  	s21 =	sadd.s32 $0x30, s0;
	s31 =	simm.s32 $0x8398  }
0xda: {  	[hbm4b:s21+s5] =	stream.linear.scatter [tilespmem:s31], [sflag:$0x4], $0x80, $0x38;
	[tilespmem:$0x10A00] =	vst v63  }
0xdb: {  	s21 =	sadd.s32 $0x40, s0;
	s31 =	simm.s32 $0x8420  }
0xdc: {  	[hbm4b:s21+s5] =	stream.linear.scatter [tilespmem:s31], [sflag:$0x4], $0x80, $0x38;
	[tilespmem:$0x10A00] =	vst v63  }
0xdd: {  	s21 =	sadd.s32 $0x50, s0;
	s31 =	simm.s32 $0x84A8  }
0xde: {  	[hbm4b:s21+s5] =	stream.linear.scatter [tilespmem:s31], [sflag:$0x4], $0x80, $0x38;
	[tilespmem:$0x10A00] =	vst v63  }
0xdf: {  	s21 =	sadd.s32 $0x60, s0;
	s31 =	simm.s32 $0x8530  }
0xe0: {  	[hbm4b:s21+s5] =	stream.linear.scatter [tilespmem:s31], [sflag:$0x4], $0x80, $0x38;
	[tilespmem:$0x10A00] =	vst v63  }
0xe1: {  	s21 =	sadd.s32 $0x70, s0;
	s31 =	simm.s32 $0x85B8  }
0xe2: {  	[hbm4b:s21+s5] =	stream.linear.scatter [tilespmem:s31], [sflag:$0x4], $0x80, $0x38;
	[tilespmem:$0x10A00] =	vst v63  }
0xe3: {  	s21 =	sadd.s32 $0x80, s0;
	s31 =	simm.s32 $0x8640  }
0xe4: {  	[hbm4b:s21+s5] =	stream.linear.scatter [tilespmem:s31], [sflag:$0x4], $0x80, $0x38;
	[tilespmem:$0x10A00] =	vst v63  }
0xe5: {  	s21 =	sadd.s32 $0x90, s0;
	s31 =	simm.s32 $0x86C8  }
0xe6: {  	[hbm4b:s21+s5] =	stream.linear.scatter [tilespmem:s31], [sflag:$0x4], $0x80, $0x38;
	[tilespmem:$0x10A00] =	vst v63  }
0xe7: {  	s21 =	sadd.s32 $0xA0, s0;
	s31 =	simm.s32 $0x8750  }
0xe8: {  	[hbm4b:s21+s5] =	stream.linear.scatter [tilespmem:s31], [sflag:$0x4], $0x80, $0x38;
	[tilespmem:$0x10A00] =	vst v63  }
0xe9: {  	s21 =	sadd.s32 $0xB0, s0;
	s31 =	simm.s32 $0x87D8  }
0xea: {  	[hbm4b:s21+s5] =	stream.linear.scatter [tilespmem:s31], [sflag:$0x4], $0x80, $0x38;
	[tilespmem:$0x10A00] =	vst v63  }
0xeb: {  	s21 =	sadd.s32 $0xC0, s0;
	s31 =	simm.s32 $0x8860  }
0xec: {  	[hbm4b:s21+s5] =	stream.linear.scatter [tilespmem:s31], [sflag:$0x4], $0x80, $0x38;
	[tilespmem:$0x10A00] =	vst v63  }
0xed: {  	s21 =	sadd.s32 $0xD0, s0;
	s31 =	simm.s32 $0x88E8  }
0xee: {  	[hbm4b:s21+s5] =	stream.linear.scatter [tilespmem:s31], [sflag:$0x4], $0x80, $0x38;
	[tilespmem:$0x10A00] =	vst v63  }
0xef: {  	s21 =	sadd.s32 $0xE0, s0;
	s31 =	simm.s32 $0x8970  }
0xf0: {  	[hbm4b:s21+s5] =	stream.linear.scatter [tilespmem:s31], [sflag:$0x4], $0x80, $0x38;
	[tilespmem:$0x10A00] =	vst v63  }
0xf1: {  	s0 =	sadd.s32 $0xF0, s0;
	s21 =	simm.s32 $0x89F8  }
0xf2: {  	[hbm4b:s0+s5] =	stream.linear.scatter [tilespmem:s21], [sflag:$0x4], $0x80, $0x38;
	[tilespmem:$0x10A00] =	vst v63  }
0xf3: {  	s31 =	simm.s32 $0x8A80;
	s0 =	sadd.s32 s24, s12  }
0xf4: {  	[hbm4b:s0+s5] =	stream.linear.scatter [tilespmem:s31], [sflag:$0x4], $0x80, $0x38;
	[tilespmem:$0x10A00] =	vst v63  }
0xf5: {  	s21 =	sadd.s32 $0x10, s0;
	s31 =	simm.s32 $0x8B08  }
0xf6: {  	[hbm4b:s21+s5] =	stream.linear.scatter [tilespmem:s31], [sflag:$0x4], $0x80, $0x38;
	[tilespmem:$0x10A00] =	vst v63  }
0xf7: {  	s21 =	sadd.s32 $0x20, s0;
	s31 =	simm.s32 $0x8B90  }
0xf8: {  	[hbm4b:s21+s5] =	stream.linear.scatter [tilespmem:s31], [sflag:$0x4], $0x80, $0x38;
	[tilespmem:$0x10A00] =	vst v63  }
0xf9: {  	s21 =	sadd.s32 $0x30, s0;
	s31 =	simm.s32 $0x8C18  }
0xfa: {  	[hbm4b:s21+s5] =	stream.linear.scatter [tilespmem:s31], [sflag:$0x4], $0x80, $0x38;
	[tilespmem:$0x10A00] =	vst v63  }
0xfb: {  	s21 =	sadd.s32 $0x40, s0;
	s31 =	simm.s32 $0x8CA0  }
0xfc: {  	[hbm4b:s21+s5] =	stream.linear.scatter [tilespmem:s31], [sflag:$0x4], $0x80, $0x38;
	[tilespmem:$0x10A00] =	vst v63  }
0xfd: {  	s21 =	sadd.s32 $0x50, s0;
	s31 =	simm.s32 $0x8D28  }
0xfe: {  	[hbm4b:s21+s5] =	stream.linear.scatter [tilespmem:s31], [sflag:$0x4], $0x80, $0x38;
	[tilespmem:$0x10A00] =	vst v63  }
0xff: {  	s21 =	sadd.s32 $0x60, s0;
	s31 =	simm.s32 $0x8DB0  }
0x100: {  	[hbm4b:s21+s5] =	stream.linear.scatter [tilespmem:s31], [sflag:$0x4], $0x80, $0x38;
	[tilespmem:$0x10A00] =	vst v63  }
0x101: {  	s21 =	sadd.s32 $0x70, s0;
	s31 =	simm.s32 $0x8E38  }
0x102: {  	[hbm4b:s21+s5] =	stream.linear.scatter [tilespmem:s31], [sflag:$0x4], $0x80, $0x38;
	[tilespmem:$0x10A00] =	vst v63  }
0x103: {  	s21 =	sadd.s32 $0x80, s0;
	s31 =	simm.s32 $0x8EC0  }
0x104: {  	[hbm4b:s21+s5] =	stream.linear.scatter [tilespmem:s31], [sflag:$0x4], $0x80, $0x38;
	[tilespmem:$0x10A00] =	vst v63  }
0x105: {  	s21 =	sadd.s32 $0x90, s0;
	s31 =	simm.s32 $0x8F48  }
0x106: {  	[hbm4b:s21+s5] =	stream.linear.scatter [tilespmem:s31], [sflag:$0x4], $0x80, $0x38;
	[tilespmem:$0x10A00] =	vst v63  }
0x107: {  	s21 =	sadd.s32 $0xA0, s0;
	s31 =	simm.s32 $0x8FD0  }
0x108: {  	[hbm4b:s21+s5] =	stream.linear.scatter [tilespmem:s31], [sflag:$0x4], $0x80, $0x38;
	[tilespmem:$0x10A00] =	vst v63  }
0x109: {  	s21 =	sadd.s32 $0xB0, s0;
	s31 =	simm.s32 $0x9058  }
0x10a: {  	[hbm4b:s21+s5] =	stream.linear.scatter [tilespmem:s31], [sflag:$0x4], $0x80, $0x38;
	[tilespmem:$0x10A00] =	vst v63  }
0x10b: {  	s21 =	sadd.s32 $0xC0, s0;
	s31 =	simm.s32 $0x90E0  }
0x10c: {  	[hbm4b:s21+s5] =	stream.linear.scatter [tilespmem:s31], [sflag:$0x4], $0x80, $0x38;
	[tilespmem:$0x10A00] =	vst v63  }
0x10d: {  	s21 =	sadd.s32 $0xD0, s0;
	s31 =	simm.s32 $0x9168  }
0x10e: {  	[hbm4b:s21+s5] =	stream.linear.scatter [tilespmem:s31], [sflag:$0x4], $0x80, $0x38;
	[tilespmem:$0x10A00] =	vst v63  }
0x10f: {  	s21 =	sadd.s32 $0xE0, s0;
	s31 =	simm.s32 $0x91F0  }
0x110: {  	[hbm4b:s21+s5] =	stream.linear.scatter [tilespmem:s31], [sflag:$0x4], $0x80, $0x38;
	[tilespmem:$0x10A00] =	vst v63  }
0x111: {  	s0 =	sadd.s32 $0xF0, s0;
	s21 =	simm.s32 $0x9278  }
0x112: {  	[hbm4b:s0+s5] =	stream.linear.scatter [tilespmem:s21], [sflag:$0x4], $0x80, $0x38;
	[tilespmem:$0x10A00] =	vst v63  }
0x113: {  	s31 =	simm.s32 $0x9300;
	s0 =	sadd.s32 s24, s13  }
0x114: {  	[hbm4b:s0+s5] =	stream.linear.scatter [tilespmem:s31], [sflag:$0x4], $0x80, $0x38;
	[tilespmem:$0x10A00] =	vst v63  }
0x115: {  	s21 =	sadd.s32 $0x10, s0;
	s31 =	simm.s32 $0x9388  }
0x116: {  	[hbm4b:s21+s5] =	stream.linear.scatter [tilespmem:s31], [sflag:$0x4], $0x80, $0x38;
	[tilespmem:$0x10A00] =	vst v63  }
0x117: {  	s21 =	sadd.s32 $0x20, s0;
	s31 =	simm.s32 $0x9410  }
0x118: {  	[hbm4b:s21+s5] =	stream.linear.scatter [tilespmem:s31], [sflag:$0x4], $0x80, $0x38;
	[tilespmem:$0x10A00] =	vst v63  }
0x119: {  	s21 =	sadd.s32 $0x30, s0;
	s31 =	simm.s32 $0x9498  }
0x11a: {  	[hbm4b:s21+s5] =	stream.linear.scatter [tilespmem:s31], [sflag:$0x4], $0x80, $0x38;
	[tilespmem:$0x10A00] =	vst v63  }
0x11b: {  	s21 =	sadd.s32 $0x40, s0;
	s31 =	simm.s32 $0x9520  }
0x11c: {  	[hbm4b:s21+s5] =	stream.linear.scatter [tilespmem:s31], [sflag:$0x4], $0x80, $0x38;
	[tilespmem:$0x10A00] =	vst v63  }
0x11d: {  	s21 =	sadd.s32 $0x50, s0;
	s31 =	simm.s32 $0x95A8  }
0x11e: {  	[hbm4b:s21+s5] =	stream.linear.scatter [tilespmem:s31], [sflag:$0x4], $0x80, $0x38;
	[tilespmem:$0x10A00] =	vst v63  }
0x11f: {  	s21 =	sadd.s32 $0x60, s0;
	s31 =	simm.s32 $0x9630  }
0x120: {  	[hbm4b:s21+s5] =	stream.linear.scatter [tilespmem:s31], [sflag:$0x4], $0x80, $0x38;
	[tilespmem:$0x10A00] =	vst v63  }
0x121: {  	s21 =	sadd.s32 $0x70, s0;
	s31 =	simm.s32 $0x96B8  }
0x122: {  	[hbm4b:s21+s5] =	stream.linear.scatter [tilespmem:s31], [sflag:$0x4], $0x80, $0x38;
	[tilespmem:$0x10A00] =	vst v63  }
0x123: {  	s21 =	sadd.s32 $0x80, s0;
	s31 =	simm.s32 $0x9740  }
0x124: {  	[hbm4b:s21+s5] =	stream.linear.scatter [tilespmem:s31], [sflag:$0x4], $0x80, $0x38;
	[tilespmem:$0x10A00] =	vst v63  }
0x125: {  	s21 =	sadd.s32 $0x90, s0;
	s31 =	simm.s32 $0x97C8  }
0x126: {  	[hbm4b:s21+s5] =	stream.linear.scatter [tilespmem:s31], [sflag:$0x4], $0x80, $0x38;
	[tilespmem:$0x10A00] =	vst v63  }
0x127: {  	s21 =	sadd.s32 $0xA0, s0;
	s31 =	simm.s32 $0x9850  }
0x128: {  	[hbm4b:s21+s5] =	stream.linear.scatter [tilespmem:s31], [sflag:$0x4], $0x80, $0x38;
	[tilespmem:$0x10A00] =	vst v63  }
0x129: {  	s21 =	sadd.s32 $0xB0, s0;
	s31 =	simm.s32 $0x98D8  }
0x12a: {  	[hbm4b:s21+s5] =	stream.linear.scatter [tilespmem:s31], [sflag:$0x4], $0x80, $0x38;
	[tilespmem:$0x10A00] =	vst v63  }
0x12b: {  	s21 =	sadd.s32 $0xC0, s0;
	s31 =	simm.s32 $0x9960  }
0x12c: {  	[hbm4b:s21+s5] =	stream.linear.scatter [tilespmem:s31], [sflag:$0x4], $0x80, $0x38;
	[tilespmem:$0x10A00] =	vst v63  }
0x12d: {  	s21 =	sadd.s32 $0xD0, s0;
	s31 =	simm.s32 $0x99E8  }
0x12e: {  	[hbm4b:s21+s5] =	stream.linear.scatter [tilespmem:s31], [sflag:$0x4], $0x80, $0x38;
	[tilespmem:$0x10A00] =	vst v63  }
0x12f: {  	s21 =	sadd.s32 $0xE0, s0;
	s31 =	simm.s32 $0x9A70  }
0x130: {  	[hbm4b:s21+s5] =	stream.linear.scatter [tilespmem:s31], [sflag:$0x4], $0x80, $0x38;
	[tilespmem:$0x10A00] =	vst v63  }
0x131: {  	s0 =	sadd.s32 $0xF0, s0;
	s21 =	simm.s32 $0x9AF8  }
0x132: {  	[hbm4b:s0+s5] =	stream.linear.scatter [tilespmem:s21], [sflag:$0x4], $0x80, $0x38;
	[tilespmem:$0x10A00] =	vst v63  }
0x133: {  	s31 =	simm.s32 $0x9B80;
	s0 =	sadd.s32 s24, s14  }
0x134: {  	[hbm4b:s0+s5] =	stream.linear.scatter [tilespmem:s31], [sflag:$0x4], $0x80, $0x38;
	[tilespmem:$0x10A00] =	vst v63  }
0x135: {  	s21 =	sadd.s32 $0x10, s0;
	s31 =	simm.s32 $0x9C08  }
0x136: {  	[hbm4b:s21+s5] =	stream.linear.scatter [tilespmem:s31], [sflag:$0x4], $0x80, $0x38;
	[tilespmem:$0x10A00] =	vst v63  }
0x137: {  	s21 =	sadd.s32 $0x20, s0;
	s31 =	simm.s32 $0x9C90  }
0x138: {  	[hbm4b:s21+s5] =	stream.linear.scatter [tilespmem:s31], [sflag:$0x4], $0x80, $0x38;
	[tilespmem:$0x10A00] =	vst v63  }
0x139: {  	s21 =	sadd.s32 $0x30, s0;
	s31 =	simm.s32 $0x9D18  }
0x13a: {  	[hbm4b:s21+s5] =	stream.linear.scatter [tilespmem:s31], [sflag:$0x4], $0x80, $0x38;
	[tilespmem:$0x10A00] =	vst v63  }
0x13b: {  	s21 =	sadd.s32 $0x40, s0;
	s31 =	simm.s32 $0x9DA0  }
0x13c: {  	[hbm4b:s21+s5] =	stream.linear.scatter [tilespmem:s31], [sflag:$0x4], $0x80, $0x38;
	[tilespmem:$0x10A00] =	vst v63  }
0x13d: {  	s21 =	sadd.s32 $0x50, s0;
	s31 =	simm.s32 $0x9E28  }
0x13e: {  	[hbm4b:s21+s5] =	stream.linear.scatter [tilespmem:s31], [sflag:$0x4], $0x80, $0x38;
	[tilespmem:$0x10A00] =	vst v63  }
0x13f: {  	s21 =	sadd.s32 $0x60, s0;
	s31 =	simm.s32 $0x9EB0  }
0x140: {  	[hbm4b:s21+s5] =	stream.linear.scatter [tilespmem:s31], [sflag:$0x4], $0x80, $0x38;
	[tilespmem:$0x10A00] =	vst v63  }
0x141: {  	s21 =	sadd.s32 $0x70, s0;
	s31 =	simm.s32 $0x9F38  }
0x142: {  	[hbm4b:s21+s5] =	stream.linear.scatter [tilespmem:s31], [sflag:$0x4], $0x80, $0x38;
	[tilespmem:$0x10A00] =	vst v63  }
0x143: {  	s21 =	sadd.s32 $0x80, s0;
	s31 =	simm.s32 $0x9FC0  }
0x144: {  	[hbm4b:s21+s5] =	stream.linear.scatter [tilespmem:s31], [sflag:$0x4], $0x80, $0x38;
	[tilespmem:$0x10A00] =	vst v63  }
0x145: {  	s21 =	sadd.s32 $0x90, s0;
	s31 =	simm.s32 $0xA048  }
0x146: {  	[hbm4b:s21+s5] =	stream.linear.scatter [tilespmem:s31], [sflag:$0x4], $0x80, $0x38;
	[tilespmem:$0x10A00] =	vst v63  }
0x147: {  	s21 =	sadd.s32 $0xA0, s0;
	s31 =	simm.s32 $0xA0D0  }
0x148: {  	[hbm4b:s21+s5] =	stream.linear.scatter [tilespmem:s31], [sflag:$0x4], $0x80, $0x38;
	[tilespmem:$0x10A00] =	vst v63  }
0x149: {  	s21 =	sadd.s32 $0xB0, s0;
	s31 =	simm.s32 $0xA158  }
0x14a: {  	[hbm4b:s21+s5] =	stream.linear.scatter [tilespmem:s31], [sflag:$0x4], $0x80, $0x38;
	[tilespmem:$0x10A00] =	vst v63  }
0x14b: {  	s21 =	sadd.s32 $0xC0, s0;
	s31 =	simm.s32 $0xA1E0  }
0x14c: {  	[hbm4b:s21+s5] =	stream.linear.scatter [tilespmem:s31], [sflag:$0x4], $0x80, $0x38;
	[tilespmem:$0x10A00] =	vst v63  }
0x14d: {  	s21 =	sadd.s32 $0xD0, s0;
	s31 =	simm.s32 $0xA268  }
0x14e: {  	[hbm4b:s21+s5] =	stream.linear.scatter [tilespmem:s31], [sflag:$0x4], $0x80, $0x38;
	[tilespmem:$0x10A00] =	vst v63  }
0x14f: {  	s21 =	sadd.s32 $0xE0, s0;
	s31 =	simm.s32 $0xA2F0  }
0x150: {  	[hbm4b:s21+s5] =	stream.linear.scatter [tilespmem:s31], [sflag:$0x4], $0x80, $0x38;
	[tilespmem:$0x10A00] =	vst v63  }
0x151: {  	s0 =	sadd.s32 $0xF0, s0;
	s21 =	simm.s32 $0xA378  }
0x152: {  	[hbm4b:s0+s5] =	stream.linear.scatter [tilespmem:s21], [sflag:$0x4], $0x80, $0x38;
	[tilespmem:$0x10A00] =	vst v63  }
0x153: {  	s31 =	simm.s32 $0xA400;
	s0 =	sadd.s32 s24, s15  }
0x154: {  	[hbm4b:s0+s5] =	stream.linear.scatter [tilespmem:s31], [sflag:$0x4], $0x80, $0x38;
	[tilespmem:$0x10A00] =	vst v63  }
0x155: {  	s21 =	sadd.s32 $0x10, s0;
	s31 =	simm.s32 $0xA488  }
0x156: {  	[hbm4b:s21+s5] =	stream.linear.scatter [tilespmem:s31], [sflag:$0x4], $0x80, $0x38;
	[tilespmem:$0x10A00] =	vst v63  }
0x157: {  	s21 =	sadd.s32 $0x20, s0;
	s31 =	simm.s32 $0xA510  }
0x158: {  	[hbm4b:s21+s5] =	stream.linear.scatter [tilespmem:s31], [sflag:$0x4], $0x80, $0x38;
	[tilespmem:$0x10A00] =	vst v63  }
0x159: {  	s21 =	sadd.s32 $0x30, s0;
	s31 =	simm.s32 $0xA598  }
0x15a: {  	[hbm4b:s21+s5] =	stream.linear.scatter [tilespmem:s31], [sflag:$0x4], $0x80, $0x38;
	[tilespmem:$0x10A00] =	vst v63  }
0x15b: {  	s21 =	sadd.s32 $0x40, s0;
	s31 =	simm.s32 $0xA620  }
0x15c: {  	[hbm4b:s21+s5] =	stream.linear.scatter [tilespmem:s31], [sflag:$0x4], $0x80, $0x38;
	[tilespmem:$0x10A00] =	vst v63  }
0x15d: {  	s21 =	sadd.s32 $0x50, s0;
	s31 =	simm.s32 $0xA6A8  }
0x15e: {  	[hbm4b:s21+s5] =	stream.linear.scatter [tilespmem:s31], [sflag:$0x4], $0x80, $0x38;
	[tilespmem:$0x10A00] =	vst v63  }
0x15f: {  	s21 =	sadd.s32 $0x60, s0;
	s31 =	simm.s32 $0xA730  }
0x160: {  	[hbm4b:s21+s5] =	stream.linear.scatter [tilespmem:s31], [sflag:$0x4], $0x80, $0x38;
	[tilespmem:$0x10A00] =	vst v63  }
0x161: {  	s21 =	sadd.s32 $0x70, s0;
	s31 =	simm.s32 $0xA7B8  }
0x162: {  	[hbm4b:s21+s5] =	stream.linear.scatter [tilespmem:s31], [sflag:$0x4], $0x80, $0x38;
	[tilespmem:$0x10A00] =	vst v63  }
0x163: {  	s21 =	sadd.s32 $0x80, s0;
	s31 =	simm.s32 $0xA840  }
0x164: {  	[hbm4b:s21+s5] =	stream.linear.scatter [tilespmem:s31], [sflag:$0x4], $0x80, $0x38;
	[tilespmem:$0x10A00] =	vst v63  }
0x165: {  	s21 =	sadd.s32 $0x90, s0;
	s31 =	simm.s32 $0xA8C8  }
0x166: {  	[hbm4b:s21+s5] =	stream.linear.scatter [tilespmem:s31], [sflag:$0x4], $0x80, $0x38;
	[tilespmem:$0x10A00] =	vst v63  }
0x167: {  	s21 =	sadd.s32 $0xA0, s0;
	s31 =	simm.s32 $0xA950  }
0x168: {  	[hbm4b:s21+s5] =	stream.linear.scatter [tilespmem:s31], [sflag:$0x4], $0x80, $0x38;
	[tilespmem:$0x10A00] =	vst v63  }
0x169: {  	s21 =	sadd.s32 $0xB0, s0;
	s31 =	simm.s32 $0xA9D8  }
0x16a: {  	[hbm4b:s21+s5] =	stream.linear.scatter [tilespmem:s31], [sflag:$0x4], $0x80, $0x38;
	[tilespmem:$0x10A00] =	vst v63  }
0x16b: {  	s21 =	sadd.s32 $0xC0, s0;
	s31 =	simm.s32 $0xAA60  }
0x16c: {  	[hbm4b:s21+s5] =	stream.linear.scatter [tilespmem:s31], [sflag:$0x4], $0x80, $0x38;
	[tilespmem:$0x10A00] =	vst v63  }
0x16d: {  	s21 =	sadd.s32 $0xD0, s0;
	s31 =	simm.s32 $0xAAE8  }
0x16e: {  	[hbm4b:s21+s5] =	stream.linear.scatter [tilespmem:s31], [sflag:$0x4], $0x80, $0x38;
	[tilespmem:$0x10A00] =	vst v63  }
0x16f: {  	s21 =	sadd.s32 $0xE0, s0;
	s31 =	simm.s32 $0xAB70  }
0x170: {  	[hbm4b:s21+s5] =	stream.linear.scatter [tilespmem:s31], [sflag:$0x4], $0x80, $0x38;
	[tilespmem:$0x10A00] =	vst v63  }
0x171: {  	s0 =	sadd.s32 $0xF0, s0;
	s21 =	simm.s32 $0xABF8  }
0x172: {  	[hbm4b:s0+s5] =	stream.linear.scatter [tilespmem:s21], [sflag:$0x4], $0x80, $0x38;
	[tilespmem:$0x10A00] =	vst v63  }
0x173: {  	s31 =	simm.s32 $0xAC80;
	s0 =	sadd.s32 s24, s16  }
0x174: {  	[hbm4b:s0+s5] =	stream.linear.scatter [tilespmem:s31], [sflag:$0x4], $0x80, $0x38;
	[tilespmem:$0x10A00] =	vst v63  }
0x175: {  	s21 =	sadd.s32 $0x10, s0;
	s31 =	simm.s32 $0xAD08  }
0x176: {  	[hbm4b:s21+s5] =	stream.linear.scatter [tilespmem:s31], [sflag:$0x4], $0x80, $0x38;
	[tilespmem:$0x10A00] =	vst v63  }
0x177: {  	s21 =	sadd.s32 $0x20, s0;
	s31 =	simm.s32 $0xAD90  }
0x178: {  	[hbm4b:s21+s5] =	stream.linear.scatter [tilespmem:s31], [sflag:$0x4], $0x80, $0x38;
	[tilespmem:$0x10A00] =	vst v63  }
0x179: {  	s21 =	sadd.s32 $0x30, s0;
	s31 =	simm.s32 $0xAE18  }
0x17a: {  	[hbm4b:s21+s5] =	stream.linear.scatter [tilespmem:s31], [sflag:$0x4], $0x80, $0x38;
	[tilespmem:$0x10A00] =	vst v63  }
0x17b: {  	s21 =	sadd.s32 $0x40, s0;
	s31 =	simm.s32 $0xAEA0  }
0x17c: {  	[hbm4b:s21+s5] =	stream.linear.scatter [tilespmem:s31], [sflag:$0x4], $0x80, $0x38;
	[tilespmem:$0x10A00] =	vst v63  }
0x17d: {  	s21 =	sadd.s32 $0x50, s0;
	s31 =	simm.s32 $0xAF28  }
0x17e: {  	[hbm4b:s21+s5] =	stream.linear.scatter [tilespmem:s31], [sflag:$0x4], $0x80, $0x38;
	[tilespmem:$0x10A00] =	vst v63  }
0x17f: {  	s21 =	sadd.s32 $0x60, s0;
	s31 =	simm.s32 $0xAFB0  }
0x180: {  	[hbm4b:s21+s5] =	stream.linear.scatter [tilespmem:s31], [sflag:$0x4], $0x80, $0x38;
	[tilespmem:$0x10A00] =	vst v63  }
0x181: {  	s21 =	sadd.s32 $0x70, s0;
	s31 =	simm.s32 $0xB038  }
0x182: {  	[hbm4b:s21+s5] =	stream.linear.scatter [tilespmem:s31], [sflag:$0x4], $0x80, $0x38;
	[tilespmem:$0x10A00] =	vst v63  }
0x183: {  	s21 =	sadd.s32 $0x80, s0;
	s31 =	simm.s32 $0xB0C0  }
0x184: {  	[hbm4b:s21+s5] =	stream.linear.scatter [tilespmem:s31], [sflag:$0x4], $0x80, $0x38;
	[tilespmem:$0x10A00] =	vst v63  }
0x185: {  	s21 =	sadd.s32 $0x90, s0;
	s31 =	simm.s32 $0xB148  }
0x186: {  	[hbm4b:s21+s5] =	stream.linear.scatter [tilespmem:s31], [sflag:$0x4], $0x80, $0x38;
	[tilespmem:$0x10A00] =	vst v63  }
0x187: {  	s21 =	sadd.s32 $0xA0, s0;
	s31 =	simm.s32 $0xB1D0  }
0x188: {  	[hbm4b:s21+s5] =	stream.linear.scatter [tilespmem:s31], [sflag:$0x4], $0x80, $0x38;
	[tilespmem:$0x10A00] =	vst v63  }
0x189: {  	s21 =	sadd.s32 $0xB0, s0;
	s31 =	simm.s32 $0xB258  }
0x18a: {  	[hbm4b:s21+s5] =	stream.linear.scatter [tilespmem:s31], [sflag:$0x4], $0x80, $0x38;
	[tilespmem:$0x10A00] =	vst v63  }
0x18b: {  	s21 =	sadd.s32 $0xC0, s0;
	s31 =	simm.s32 $0xB2E0  }
0x18c: {  	[hbm4b:s21+s5] =	stream.linear.scatter [tilespmem:s31], [sflag:$0x4], $0x80, $0x38;
	[tilespmem:$0x10A00] =	vst v63  }
0x18d: {  	s21 =	sadd.s32 $0xD0, s0;
	s31 =	simm.s32 $0xB368  }
0x18e: {  	[hbm4b:s21+s5] =	stream.linear.scatter [tilespmem:s31], [sflag:$0x4], $0x80, $0x38;
	[tilespmem:$0x10A00] =	vst v63  }
0x18f: {  	s21 =	sadd.s32 $0xE0, s0;
	s31 =	simm.s32 $0xB3F0  }
0x190: {  	[hbm4b:s21+s5] =	stream.linear.scatter [tilespmem:s31], [sflag:$0x4], $0x80, $0x38;
	[tilespmem:$0x10A00] =	vst v63  }
0x191: {  	s0 =	sadd.s32 $0xF0, s0;
	s21 =	simm.s32 $0xB478  }
0x192: {  	[hbm4b:s0+s5] =	stream.linear.scatter [tilespmem:s21], [sflag:$0x4], $0x80, $0x38;
	[tilespmem:$0x10A00] =	vst v63  }
0x193: {  	s31 =	simm.s32 $0xB500;
	s0 =	sadd.s32 s24, s17  }
0x194: {  	[hbm4b:s0+s5] =	stream.linear.scatter [tilespmem:s31], [sflag:$0x4], $0x80, $0x38;
	[tilespmem:$0x10A00] =	vst v63  }
0x195: {  	s21 =	sadd.s32 $0x10, s0;
	s31 =	simm.s32 $0xB588  }
0x196: {  	[hbm4b:s21+s5] =	stream.linear.scatter [tilespmem:s31], [sflag:$0x4], $0x80, $0x38;
	[tilespmem:$0x10A00] =	vst v63  }
0x197: {  	s21 =	sadd.s32 $0x20, s0;
	s31 =	simm.s32 $0xB610  }
0x198: {  	[hbm4b:s21+s5] =	stream.linear.scatter [tilespmem:s31], [sflag:$0x4], $0x80, $0x38;
	[tilespmem:$0x10A00] =	vst v63  }
0x199: {  	s21 =	sadd.s32 $0x30, s0;
	s31 =	simm.s32 $0xB698  }
0x19a: {  	[hbm4b:s21+s5] =	stream.linear.scatter [tilespmem:s31], [sflag:$0x4], $0x80, $0x38;
	[tilespmem:$0x10A00] =	vst v63  }
0x19b: {  	s21 =	sadd.s32 $0x40, s0;
	s31 =	simm.s32 $0xB720  }
0x19c: {  	[hbm4b:s21+s5] =	stream.linear.scatter [tilespmem:s31], [sflag:$0x4], $0x80, $0x38;
	[tilespmem:$0x10A00] =	vst v63  }
0x19d: {  	s21 =	sadd.s32 $0x50, s0;
	s31 =	simm.s32 $0xB7A8  }
0x19e: {  	[hbm4b:s21+s5] =	stream.linear.scatter [tilespmem:s31], [sflag:$0x4], $0x80, $0x38;
	[tilespmem:$0x10A00] =	vst v63  }
0x19f: {  	s21 =	sadd.s32 $0x60, s0;
	s31 =	simm.s32 $0xB830  }
0x1a0: {  	[hbm4b:s21+s5] =	stream.linear.scatter [tilespmem:s31], [sflag:$0x4], $0x80, $0x38;
	[tilespmem:$0x10A00] =	vst v63  }
0x1a1: {  	s21 =	sadd.s32 $0x70, s0;
	s31 =	simm.s32 $0xB8B8  }
0x1a2: {  	[hbm4b:s21+s5] =	stream.linear.scatter [tilespmem:s31], [sflag:$0x4], $0x80, $0x38;
	[tilespmem:$0x10A00] =	vst v63  }
0x1a3: {  	s21 =	sadd.s32 $0x80, s0;
	s31 =	simm.s32 $0xB940  }
0x1a4: {  	[hbm4b:s21+s5] =	stream.linear.scatter [tilespmem:s31], [sflag:$0x4], $0x80, $0x38;
	[tilespmem:$0x10A00] =	vst v63  }
0x1a5: {  	s21 =	sadd.s32 $0x90, s0;
	s31 =	simm.s32 $0xB9C8  }
0x1a6: {  	[hbm4b:s21+s5] =	stream.linear.scatter [tilespmem:s31], [sflag:$0x4], $0x80, $0x38;
	[tilespmem:$0x10A00] =	vst v63  }
0x1a7: {  	s21 =	sadd.s32 $0xA0, s0;
	s31 =	simm.s32 $0xBA50  }
0x1a8: {  	[hbm4b:s21+s5] =	stream.linear.scatter [tilespmem:s31], [sflag:$0x4], $0x80, $0x38;
	[tilespmem:$0x10A00] =	vst v63  }
0x1a9: {  	s21 =	sadd.s32 $0xB0, s0;
	s31 =	simm.s32 $0xBAD8  }
0x1aa: {  	[hbm4b:s21+s5] =	stream.linear.scatter [tilespmem:s31], [sflag:$0x4], $0x80, $0x38;
	[tilespmem:$0x10A00] =	vst v63  }
0x1ab: {  	s21 =	sadd.s32 $0xC0, s0;
	s31 =	simm.s32 $0xBB60  }
0x1ac: {  	[hbm4b:s21+s5] =	stream.linear.scatter [tilespmem:s31], [sflag:$0x4], $0x80, $0x38;
	[tilespmem:$0x10A00] =	vst v63  }
0x1ad: {  	s21 =	sadd.s32 $0xD0, s0;
	s31 =	simm.s32 $0xBBE8  }
0x1ae: {  	[hbm4b:s21+s5] =	stream.linear.scatter [tilespmem:s31], [sflag:$0x4], $0x80, $0x38;
	[tilespmem:$0x10A00] =	vst v63  }
0x1af: {  	s21 =	sadd.s32 $0xE0, s0;
	s31 =	simm.s32 $0xBC70  }
0x1b0: {  	[hbm4b:s21+s5] =	stream.linear.scatter [tilespmem:s31], [sflag:$0x4], $0x80, $0x38;
	[tilespmem:$0x10A00] =	vst v63  }
0x1b1: {  	s0 =	sadd.s32 $0xF0, s0;
	s31 =	simm.s32 $0xBCF8  }
0x1b2: {  	[hbm4b:s0+s5] =	stream.linear.scatter [tilespmem:s31], [sflag:$0x4], $0x80, $0x38;
	[tilespmem:$0x10A00] =	vst v63  }
0x1b3: {  	s21 =	simm.s32 $0xBD80;
	s0 =	sadd.s32 s24, s18  }
0x1b4: {  	[hbm4b:s0+s5] =	stream.linear.scatter [tilespmem:s21], [sflag:$0x4], $0x80, $0x38;
	[tilespmem:$0x10A00] =	vst v63  }
0x1b5: {  	s31 =	simm.s32 $0xBE08;
	s24 =	sadd.s32 $0x10, s0  }
0x1b6: {  	[hbm4b:s24+s5] =	stream.linear.scatter [tilespmem:s31], [sflag:$0x4], $0x80, $0x38;
	[tilespmem:$0x10A00] =	vst v63  }
0x1b7: {  	s24 =	sadd.s32 $0x20, s0;
	s31 =	simm.s32 $0xBE90  }
0x1b8: {  	[hbm4b:s24+s5] =	stream.linear.scatter [tilespmem:s31], [sflag:$0x4], $0x80, $0x38;
	[tilespmem:$0x10A00] =	vst v63  }
0x1b9: {  	s24 =	sadd.s32 $0x30, s0;
	s31 =	simm.s32 $0xBF18  }
0x1ba: {  	[hbm4b:s24+s5] =	stream.linear.scatter [tilespmem:s31], [sflag:$0x4], $0x80, $0x38;
	[tilespmem:$0x10A00] =	vst v63  }
0x1bb: {  	s24 =	sadd.s32 $0x40, s0;
	s31 =	simm.s32 $0xBFA0  }
0x1bc: {  	[hbm4b:s24+s5] =	stream.linear.scatter [tilespmem:s31], [sflag:$0x4], $0x80, $0x38;
	[tilespmem:$0x10A00] =	vst v63  }
0x1bd: {  	s24 =	sadd.s32 $0x50, s0;
	s31 =	simm.s32 $0xC028  }
0x1be: {  	[hbm4b:s24+s5] =	stream.linear.scatter [tilespmem:s31], [sflag:$0x4], $0x80, $0x38;
	[tilespmem:$0x10A00] =	vst v63  }
0x1bf: {  	s24 =	sadd.s32 $0x60, s0;
	s31 =	simm.s32 $0xC0B0  }
0x1c0: {  	[hbm4b:s24+s5] =	stream.linear.scatter [tilespmem:s31], [sflag:$0x4], $0x80, $0x38;
	[tilespmem:$0x10A00] =	vst v63  }
0x1c1: {  	s24 =	sadd.s32 $0x70, s0;
	s31 =	simm.s32 $0xC138  }
0x1c2: {  	[hbm4b:s24+s5] =	stream.linear.scatter [tilespmem:s31], [sflag:$0x4], $0x80, $0x38;
	[tilespmem:$0x10A00] =	vst v63  }
0x1c3: {  	s24 =	sadd.s32 $0x80, s0;
	s31 =	simm.s32 $0xC1C0  }
0x1c4: {  	[hbm4b:s24+s5] =	stream.linear.scatter [tilespmem:s31], [sflag:$0x4], $0x80, $0x38;
	[tilespmem:$0x10A00] =	vst v63  }
0x1c5: {  	s24 =	sadd.s32 $0x90, s0;
	s31 =	simm.s32 $0xC248  }
0x1c6: {  	[hbm4b:s24+s5] =	stream.linear.scatter [tilespmem:s31], [sflag:$0x4], $0x80, $0x38;
	[tilespmem:$0x10A00] =	vst v63  }
0x1c7: {  	s24 =	sadd.s32 $0xA0, s0;
	s31 =	simm.s32 $0xC2D0  }
0x1c8: {  	[hbm4b:s24+s5] =	stream.linear.scatter [tilespmem:s31], [sflag:$0x4], $0x80, $0x38;
	[tilespmem:$0x10A00] =	vst v63  }
0x1c9: {  	s24 =	sadd.s32 $0xB0, s0;
	s31 =	simm.s32 $0xC358  }
0x1ca: {  	[hbm4b:s24+s5] =	stream.linear.scatter [tilespmem:s31], [sflag:$0x4], $0x80, $0x38;
	[tilespmem:$0x10A00] =	vst v63  }
0x1cb: {  	s24 =	sadd.s32 $0xC0, s0;
	s31 =	simm.s32 $0xC3E0  }
0x1cc: {  	[hbm4b:s24+s5] =	stream.linear.scatter [tilespmem:s31], [sflag:$0x4], $0x80, $0x38;
	[tilespmem:$0x10A00] =	vst v63  }
0x1cd: {  	s24 =	sadd.s32 $0xD0, s0;
	s31 =	simm.s32 $0xC468  }
0x1ce: {  	[hbm4b:s24+s5] =	stream.linear.scatter [tilespmem:s31], [sflag:$0x4], $0x80, $0x38;
	[tilespmem:$0x10A00] =	vst v63  }
0x1cf: {  	s24 =	sadd.s32 $0xE0, s0;
	s31 =	simm.s32 $0xC4F0  }
0x1d0: {  	[hbm4b:s24+s5] =	stream.linear.scatter [tilespmem:s31], [sflag:$0x4], $0x80, $0x38;
	[tilespmem:$0x10A00] =	vst v63  }
0x1d1: {  	s21 =	simm.s32 $0xC578;
	s0 =	sadd.s32 $0xF0, s0  }
0x1d2: {  	[hbm4b:s0+s5] =	stream.linear.scatter [tilespmem:s21], [sflag:$0x4], $0x80, $0x38;
	[tilespmem:$0x10A00] =	vst v63  }
0x1d3: {  	_ =	swait.ge [sflag:s26], $0x4000  }
0x1d4: {  	[sflag:s26] =	ssyncset.done $0x0  }
0x1d5: {  	s0 =	simm.s32 @!p0 $0x1;
	[sflag:s26] =	ssyncadd.s32 $0xFFFFC000  }
0x1d6: {  	_ =	swait.ge @!p0 [sflag:s0], $0x80  }
0x1d7: {  	[sflag:s0] =	ssyncset.done @!p0 $0x0  }
0x1d8: {  	[sflag:s0] =	ssyncadd.s32 @!p0 $0xFFFFFF80  }
0x1d9: {  	_ =	swait.ge @!p0 [sflag:s0], $0x80  }
0x1da: {  	s6 =	sadd.s32 @!p0 s6, s19;
	s3 =	simm.s32 @!p0 $0x0;
	[sflag:s0] =	ssyncset.done @!p0 $0x0  }
0x1db: {  	s21 =	simm.s32 @!p0 $0x200;
	[sflag:s0] =	ssyncadd.s32 @!p0 $0xFFFFFF80;
	s0 =	simm.s32 @!p0 $0x100  }
0x1dc: {  	[tilespmem:s21], [sflag:$0x3] =	stream.indirect.gather @!p0 [hbm4b:s7+s0], $0x40, s3, s0, $0xb8;
	[tilespmem:$0x10A00] =	vst v63  }
0x1dd: {  	s21 =	sshll.u32 @!p0 s6, $0x3  }
0x1de: {  	s24 =	sand.u32 @!p0 $0x7E0000, s6;
	s6 =	sshrl.u32 @!p0 s6, $0x7;
	s21 =	sand.u32 @!p0 $0x1F800, s21  }
0x1df: {  	s6 =	sand.u32 @!p0 $0x380, s6;
	s21 =	sor.u32 @!p0 s24, s21  }
0x1e0: {  	s6 =	sor.u32 @!p0 s6, s21  }
0x1e1: {  	s6 =	sshrl.u32 @!p0 s6, $0x3  }
0x1e2: {  	s6 =	sadd.s32 @!p0 s2, s6  }
0x1e3: {  	[tilespmem:s0], [sflag:$0x2] =	stream.linear.gather @!p0 [hbm4b:s6+s3], $0x80, $0x38;
	[tilespmem:$0x10A00] =	vst v63  }
0x1e4: {  	s0 =	sadd.s32 @!p0 $0x80, s6;
	s6 =	simm.s32 @!p0 $0x180  }
0x1e5: {  	[tilespmem:s6], [sflag:$0x2] =	stream.linear.gather @!p0 [hbm4b:s0+s3], $0x80, $0x38;
	[tilespmem:$0x10A00] =	vst v63  }
0x1e6: {  	p0 =	por p0, !p1  }
0x1e7: {  	_ =	swait.ge @p0 [sflag:s8], $0x800  }
0x1e8: {  	[sflag:s8] =	ssyncset.done @p0 $0x0  }
0x1e9: {  	[sflag:s8] =	ssyncadd.s32 @p0 $0xFFFFF800  }
0x1ea: {  	_ =	swait.ge @p0 [sflag:s8], $0x800  }
0x1eb: {  	[sflag:s8] =	ssyncset.done @p0 $0x0  }
0x1ec: {  	[sflag:s8] =	ssyncadd.s32 @p0 $0xFFFFF800  }
0x1ed: {  	_ =	swait.ge @p0 [sflag:s8], $0x800  }
0x1ee: {  	[sflag:s8] =	ssyncset.done @p0 $0x0  }
0x1ef: {  	[sflag:s8] =	ssyncadd.s32 @p0 $0xFFFFF800  }
0x1f0: {  	_ =	swait.ge @p0 [sflag:s8], $0x800  }
0x1f1: {  	[sflag:s8] =	ssyncset.done @p0 $0x0  }
0x1f2: {  	[sflag:s8] =	ssyncadd.s32 @p0 $0xFFFFF800  }
0x1f3: {  	_ =	swait.ge @p0 [sflag:s8], $0x800  }
0x1f4: {  	[sflag:s8] =	ssyncset.done @p0 $0x0  }
0x1f5: {  	[sflag:s8] =	ssyncadd.s32 @p0 $0xFFFFF800  }
0x1f6: {  	_ =	swait.ge @p0 [sflag:s8], $0x800  }
0x1f7: {  	[sflag:s8] =	ssyncset.done @p0 $0x0  }
0x1f8: {  	[sflag:s8] =	ssyncadd.s32 @p0 $0xFFFFF800  }
0x1f9: {  	_ =	swait.ge @p0 [sflag:s8], $0x800  }
0x1fa: {  	[sflag:s8] =	ssyncset.done @p0 $0x0  }
0x1fb: {  	[sflag:s8] =	ssyncadd.s32 @p0 $0xFFFFF800  }
0x1fc: {  	s24 =	simm.s32 $0x1;
	_ =	swait.ge @p0 [sflag:s8], $0x800  }
0x1fd: {  	s31 =	simm.s32 $0x0;
	v8 =	vmov s24;
	[sflag:s8] =	ssyncset.done @p0 $0x0  }
0x1fe: {  	v9 =	vmov s31;
	s24 =	simm.s32 $0x6200;
	v14 =	vand.u32 $0x7F, v8;
	[sflag:s8] =	ssyncadd.s32 @p0 $0xFFFFF800  }
0x1ff: {  	v18 =	vand.u32 $0x7E, v9;
	v9 =	vadd.s32 v0, v14;
	v8 =	vld [tilespmem:s24+$0xFFFFE040]  }
0x200: {  	v11 =	vadd.s32 v0, v18;
	v10 =	vld [tilespmem:s24+$0xFFFFE000];
	_ =	sdelay $0x3  }
0x201: {  	[tilespmem:v9+s10+$0x0] =	vst.idx.msk $0xffff, v8  }
0x202: {  	[tilespmem:v11+s10+$0x0] =	vst.idx.msk $0xffff, v10;
	v9 =	vadd.s32 v1, v14;
	v8 =	vld [tilespmem:s24+$0xFFFFE050]  }
0x203: {  	v11 =	vadd.s32 v1, v18;
	v10 =	vld [tilespmem:s24+$0xFFFFE010];
	_ =	sdelay $0x3  }
0x204: {  	[tilespmem:v9+s10+$0x0] =	vst.idx.msk $0xffff, v8  }
0x205: {  	[tilespmem:v11+s10+$0x0] =	vst.idx.msk $0xffff, v10;
	v11 =	vadd.s32 v2, v14;
	v10 =	vld [tilespmem:s24+$0xFFFFE060]  }
0x206: {  	v13 =	vadd.s32 v2, v18;
	s3 =	simm.s32 $0x3;
	v12 =	vld [tilespmem:s24+$0xFFFFE020]  }
0x207: {  	s6 =	simm.s32 $0x2;
	v8 =	vmov s3  }
0x208: {  	v9 =	vmov s6;
	s6 =	simm.s32 $0x6280;
	v8 =	vand.u32 $0x7F, v8  }
0x209: {  	v9 =	vand.u32 $0x7E, v9;
	v15 =	vld [tilespmem:s6+$0xFFFFE040];
	v16 =	vadd.s32 v0, v8  }
0x20a: {  	v17 =	vld [tilespmem:s6+$0xFFFFE000];
	v19 =	vadd.s32 v0, v9;
	[tilespmem:v11+s10+$0x0] =	vst.idx.msk $0xffff, v10  }
0x20b: {  	[tilespmem:v13+s10+$0x0] =	vst.idx.msk $0xffff, v12;
	v11 =	vadd.s32 v3, v14;
	v10 =	vld [tilespmem:s24+$0xFFFFE070]  }
0x20c: {  	v13 =	vadd.s32 v3, v18;
	v12 =	vld [tilespmem:s24+$0xFFFFE030];
	_ =	sdelay $0x1  }
0x20d: {  	[tilespmem:v16+s10+$0x0] =	vst.idx.msk $0xffff, v15  }
0x20e: {  	[tilespmem:v19+s10+$0x0] =	vst.idx.msk $0xffff, v17;
	v16 =	vadd.s32 v1, v8;
	v15 =	vld [tilespmem:s6+$0xFFFFE050]  }
0x20f: {  	v19 =	vadd.s32 v1, v9;
	v17 =	vld [tilespmem:s6+$0xFFFFE010];
	[tilespmem:v11+s10+$0x0] =	vst.idx.msk $0xffff, v10  }
0x210: {  	[tilespmem:v13+s10+$0x0] =	vst.idx.msk $0xffff, v12;
	v11 =	vadd.s32 v4, v14;
	v10 =	vld [tilespmem:s24+$0x40]  }
0x211: {  	v13 =	vadd.s32 v4, v18;
	v12 =	vld [tilespmem:s24+$0x0];
	_ =	sdelay $0x1  }
0x212: {  	[tilespmem:v16+s10+$0x0] =	vst.idx.msk $0xffff, v15  }
0x213: {  	[tilespmem:v19+s10+$0x0] =	vst.idx.msk $0xffff, v17;
	v16 =	vadd.s32 v2, v8;
	v15 =	vld [tilespmem:s6+$0xFFFFE060]  }
0x214: {  	s21 =	simm.s32 $0x5;
	v19 =	vadd.s32 v2, v9;
	v17 =	vld [tilespmem:s6+$0xFFFFE020];
	[tilespmem:v11+s10+$0x0] =	vst.idx.msk $0xffff, v10  }
0x215: {  	s31 =	simm.s32 $0x4;
	v10 =	vmov s21;
	[tilespmem:v13+s10+$0x0] =	vst.idx.msk $0xffff, v12;
	v13 =	vadd.s32 v5, v14;
	v12 =	vld [tilespmem:s24+$0x50]  }
0x216: {  	s29 =	simm.s32 $0x6300;
	v21 =	vadd.s32 v5, v18;
	v11 =	vmov s31;
	v10 =	vand.u32 $0x7F, v10;
	v20 =	vld [tilespmem:s24+$0x10]  }
0x217: {  	v22 =	vld [tilespmem:s29+$0xFFFFE040];
	v11 =	vand.u32 $0x7E, v11;
	v23 =	vadd.s32 v0, v10  }
0x218: {  	v59 =	vld [tilespmem:s29+$0xFFFFE000];
	[tilespmem:v16+s10+$0x0] =	vst.idx.msk $0xffff, v15;
	v60 =	vadd.s32 v0, v11  }
0x219: {  	[tilespmem:v19+s10+$0x0] =	vst.idx.msk $0xffff, v17;
	v16 =	vadd.s32 v3, v8;
	v15 =	vld [tilespmem:s6+$0xFFFFE070]  }
0x21a: {  	v19 =	vadd.s32 v3, v9;
	v17 =	vld [tilespmem:s6+$0xFFFFE030];
	[tilespmem:v13+s10+$0x0] =	vst.idx.msk $0xffff, v12  }
0x21b: {  	[tilespmem:v21+s10+$0x0] =	vst.idx.msk $0xffff, v20;
	v13 =	vadd.s32 v6, v14;
	v12 =	vld [tilespmem:s24+$0x60]  }
0x21c: {  	v21 =	vadd.s32 v6, v18;
	[tilespmem:v23+s10+$0x0] =	vst.idx.msk $0xffff, v22;
	v20 =	vld [tilespmem:s24+$0x20]  }
0x21d: {  	[tilespmem:v60+s10+$0x0] =	vst.idx.msk $0xffff, v59;
	v23 =	vadd.s32 v1, v10;
	v22 =	vld [tilespmem:s29+$0xFFFFE050]  }
0x21e: {  	v61 =	vadd.s32 v1, v11;
	[tilespmem:v16+s10+$0x0] =	vst.idx.msk $0xffff, v15;
	v24 =	vld [tilespmem:s29+$0xFFFFE010]  }
0x21f: {  	v63 =	vadd.s32 v4, v8;
	[tilespmem:v19+s10+$0x0] =	vst.idx.msk $0xffff, v17;
	v62 =	vld [tilespmem:s6+$0x40]  }
0x220: {  	v17 =	vadd.s32 v4, v9;
	v16 =	vld [tilespmem:s6+$0x0];
	[tilespmem:v13+s10+$0x0] =	vst.idx.msk $0xffff, v12  }
0x221: {  	v15 =	vadd.s32 v7, v14;
	[tilespmem:v21+s10+$0x0] =	vst.idx.msk $0xffff, v20;
	v13 =	vld [tilespmem:s24+$0x70]  }
0x222: {  	v14 =	vadd.s32 v7, v18;
	[tilespmem:v23+s10+$0x0] =	vst.idx.msk $0xffff, v22;
	v12 =	vld [tilespmem:s24+$0x30]  }
0x223: {  	s0 =	simm.s32 $0x8;
	v19 =	vadd.s32 v2, v10;
	[tilespmem:v61+s10+$0x0] =	vst.idx.msk $0xffff, v24;
	v18 =	vld [tilespmem:s29+$0xFFFFE060]  }
0x224: {  	s3 =	simm.s32 $0x6;
	s21 =	simm.s32 $0x7;
	v21 =	vadd.s32 v2, v11;
	[tilespmem:v63+s10+$0x0] =	vst.idx.msk $0xffff, v62;
	s24 =	simm.s32 $0x6300;
	v20 =	vld [tilespmem:s29+$0xFFFFE020]  }
.LBB2_8:
0x225: {  	p0 =	slt.u32 s0, $0x7E;
	v22 =	vmov s21;
	[tilespmem:v17+s10+$0x0] =	vst.idx.msk $0xffff, v16;
	v16 =	vld [tilespmem:s6+$0x50];
	v17 =	vadd.s32 v5, v8  }
0x226: {  	v23 =	vmov s3;
	s29 =	sadd.s32 $0x80, s29;
	v25 =	vadd.s32 v5, v9;
	s3 =	smov.u32 s0;
	v22 =	vand.u32 $0x7F, v22;
	v24 =	vld [tilespmem:s6+$0x10];
	[tilespmem:v15+s10+$0x0] =	vst.idx.msk $0xffff, v13  }
0x227: {  	v23 =	vand.u32 $0x7E, v23;
	v13 =	vld [tilespmem:s29+$0xFFFFE040];
	v15 =	vadd.s32 v0, v22;
	[tilespmem:v14+s10+$0x0] =	vst.idx.msk $0xffff, v12  }
0x228: {  	v14 =	vadd.s32 v0, v23;
	v12 =	vld [tilespmem:s29+$0xFFFFE000];
	[tilespmem:v19+s10+$0x0] =	vst.idx.msk $0xffff, v18  }
0x229: {  	v19 =	vadd.s32 v3, v10;
	[tilespmem:v21+s10+$0x0] =	vst.idx.msk $0xffff, v20;
	v18 =	vld [tilespmem:s24+$0xFFFFE070]  }
0x22a: {  	v21 =	vadd.s32 v3, v11;
	v20 =	vld [tilespmem:s24+$0xFFFFE030];
	[tilespmem:v17+s10+$0x0] =	vst.idx.msk $0xffff, v16  }
0x22b: {  	[tilespmem:v25+s10+$0x0] =	vst.idx.msk $0xffff, v24;
	v24 =	vld [tilespmem:s6+$0x60];
	v25 =	vadd.s32 v6, v8  }
0x22c: {  	[tilespmem:v15+s10+$0x0] =	vst.idx.msk $0xffff, v13;
	v13 =	vld [tilespmem:s6+$0x20];
	v15 =	vadd.s32 v6, v9  }
0x22d: {  	[tilespmem:v14+s10+$0x0] =	vst.idx.msk $0xffff, v12;
	v12 =	vld [tilespmem:s29+$0xFFFFE050];
	v14 =	vadd.s32 v1, v22  }
0x22e: {  	v27 =	vadd.s32 v1, v23;
	v26 =	vld [tilespmem:s29+$0xFFFFE010];
	[tilespmem:v19+s10+$0x0] =	vst.idx.msk $0xffff, v18  }
0x22f: {  	v29 =	vadd.s32 v4, v10;
	[tilespmem:v21+s10+$0x0] =	vst.idx.msk $0xffff, v20;
	v28 =	vld [tilespmem:s24+$0x40]  }
.Ltmp3:
0x230: {  	v17 =	vadd.s32 v4, v11;
	v16 =	vld [tilespmem:s24+$0x0];
	[tilespmem:v25+s10+$0x0] =	vst.idx.msk $0xffff, v24;
	(pc) =	sbr.rel @p0 .LBB2_8-.Ltmp3, $4  }
0x231: {  	[tilespmem:v15+s10+$0x0] =	vst.idx.msk $0xffff, v13;
	v13 =	vld [tilespmem:s6+$0x70];
	v15 =	vadd.s32 v7, v8;
	v8 =	vmov v10;
	v10 =	vmov v22  }
0x232: {  	[tilespmem:v14+s10+$0x0] =	vst.idx.msk $0xffff, v12;
	v12 =	vld [tilespmem:s6+$0x30];
	v14 =	vadd.s32 v7, v9;
	v9 =	vmov v11;
	v11 =	vmov v23;
	s6 =	smov.u32 s24;
	s24 =	smov.u32 s29  }
0x233: {  	v19 =	vadd.s32 v2, v10;
	[tilespmem:v27+s10+$0x0] =	vst.idx.msk $0xffff, v26;
	v18 =	vld [tilespmem:s29+$0xFFFFE060]  }
0x234: {  	s0 =	sadd.s32 $0x2, s0;
	s21 =	sadd.s32 $0x1, s3;
	v21 =	vadd.s32 v2, v11;
	v20 =	vld [tilespmem:s29+$0xFFFFE020];
	[tilespmem:v29+s10+$0x0] =	vst.idx.msk $0xffff, v28  }
0x235: {  	v22 =	vmov s21  }
0x236: {  	v23 =	vmov s3;
	s29 =	sadd.s32 $0x80, s29;
	v22 =	vand.u32 $0x7F, v22  }
0x237: {  	v23 =	vand.u32 $0x7E, v23;
	v24 =	vld [tilespmem:s29+$0xFFFFE040];
	v25 =	vadd.s32 v0, v22  }
0x238: {  	v26 =	vld [tilespmem:s29+$0xFFFFE000];
	v27 =	vadd.s32 v0, v23;
	_ =	sdelay $0x3  }
0x239: {  	[tilespmem:v25+s10+$0x0] =	vst.idx.msk $0xffff, v24  }
0x23a: {  	v56 =	vadd.s32 v1, v22;
	[tilespmem:v27+s10+$0x0] =	vst.idx.msk $0xffff, v26;
	v24 =	vld [tilespmem:s29+$0xFFFFE050]  }
0x23b: {  	v57 =	vadd.s32 v1, v23;
	v26 =	vld [tilespmem:s29+$0xFFFFE010];
	_ =	sdelay $0x3  }
0x23c: {  	[tilespmem:v56+s10+$0x0] =	vst.idx.msk $0xffff, v24  }
0x23d: {  	v58 =	vadd.s32 v2, v22;
	[tilespmem:v57+s10+$0x0] =	vst.idx.msk $0xffff, v26;
	v24 =	vld [tilespmem:s29+$0xFFFFE060]  }
0x23e: {  	v59 =	vadd.s32 v2, v23;
	v26 =	vld [tilespmem:s29+$0xFFFFE020];
	_ =	sdelay $0x1  }
0x23f: {  	[tilespmem:v19+s10+$0x0] =	vst.idx.msk $0xffff, v18  }
0x240: {  	v60 =	vadd.s32 v3, v10;
	[tilespmem:v21+s10+$0x0] =	vst.idx.msk $0xffff, v20;
	v18 =	vld [tilespmem:s24+$0xFFFFE070]  }
0x241: {  	v61 =	vadd.s32 v3, v11;
	v20 =	vld [tilespmem:s24+$0xFFFFE030];
	[tilespmem:v58+s10+$0x0] =	vst.idx.msk $0xffff, v24  }
0x242: {  	v62 =	vadd.s32 v3, v22;
	[tilespmem:v59+s10+$0x0] =	vst.idx.msk $0xffff, v26;
	v24 =	vld [tilespmem:s29+$0xFFFFE070]  }
0x243: {  	v63 =	vadd.s32 v3, v23;
	v26 =	vld [tilespmem:s29+$0xFFFFE030]  }
0x244: {  	[tilespmem:v17+s10+$0x0] =	vst.idx.msk $0xffff, v16  }
0x245: {  	[tilespmem:v60+s10+$0x0] =	vst.idx.msk $0xffff, v18  }
0x246: {  	v29 =	vadd.s32 v4, v10;
	[tilespmem:v61+s10+$0x0] =	vst.idx.msk $0xffff, v20;
	v28 =	vld [tilespmem:s24+$0x40]  }
0x247: {  	v31 =	vadd.s32 v4, v11;
	v30 =	vld [tilespmem:s24+$0x0];
	[tilespmem:v62+s10+$0x0] =	vst.idx.msk $0xffff, v24  }
0x248: {  	v33 =	vadd.s32 v4, v22;
	[tilespmem:v63+s10+$0x0] =	vst.idx.msk $0xffff, v26;
	v32 =	vld [tilespmem:s29+$0x40]  }
0x249: {  	[tilespmem:v15+s10+$0x0] =	vst.idx.msk $0xffff, v13;
	v35 =	vadd.s32 v4, v23;
	v34 =	vld [tilespmem:s29+$0x0]  }
0x24a: {  	v36 =	vld [tilespmem:s6+$0x50];
	v37 =	vadd.s32 v5, v8;
	[tilespmem:v14+s10+$0x0] =	vst.idx.msk $0xffff, v12  }
0x24b: {  	v39 =	vadd.s32 v5, v9;
	v38 =	vld [tilespmem:s6+$0x10];
	[tilespmem:v29+s10+$0x0] =	vst.idx.msk $0xffff, v28  }
0x24c: {  	v40 =	vadd.s32 v5, v10;
	[tilespmem:v31+s10+$0x0] =	vst.idx.msk $0xffff, v30;
	v16 =	vld [tilespmem:s24+$0x50]  }
0x24d: {  	v41 =	vadd.s32 v5, v11;
	v18 =	vld [tilespmem:s24+$0x10];
	[tilespmem:v33+s10+$0x0] =	vst.idx.msk $0xffff, v32  }
0x24e: {  	v43 =	vadd.s32 v5, v22;
	[tilespmem:v35+s10+$0x0] =	vst.idx.msk $0xffff, v34;
	v42 =	vld [tilespmem:s29+$0x50]  }
0x24f: {  	v45 =	vadd.s32 v5, v23;
	[tilespmem:v37+s10+$0x0] =	vst.idx.msk $0xffff, v36;
	v44 =	vld [tilespmem:s29+$0x10]  }
0x250: {  	v47 =	vadd.s32 v6, v8;
	[tilespmem:v39+s10+$0x0] =	vst.idx.msk $0xffff, v38;
	v46 =	vld [tilespmem:s6+$0x60]  }
0x251: {  	v49 =	vadd.s32 v6, v9;
	v48 =	vld [tilespmem:s6+$0x20];
	[tilespmem:v40+s10+$0x0] =	vst.idx.msk $0xffff, v16  }
0x252: {  	v50 =	vadd.s32 v6, v10;
	[tilespmem:v41+s10+$0x0] =	vst.idx.msk $0xffff, v18;
	v16 =	vld [tilespmem:s24+$0x60]  }
0x253: {  	v51 =	vadd.s32 v6, v11;
	v18 =	vld [tilespmem:s24+$0x20];
	[tilespmem:v43+s10+$0x0] =	vst.idx.msk $0xffff, v42  }
0x254: {  	v52 =	vadd.s32 v6, v22;
	[tilespmem:v45+s10+$0x0] =	vst.idx.msk $0xffff, v44;
	v13 =	vld [tilespmem:s29+$0x60]  }
0x255: {  	v54 =	vadd.s32 v6, v23;
	[tilespmem:v47+s10+$0x0] =	vst.idx.msk $0xffff, v46;
	v53 =	vld [tilespmem:s29+$0x20]  }
0x256: {  	v8 =	vadd.s32 v7, v8;
	[tilespmem:v49+s10+$0x0] =	vst.idx.msk $0xffff, v48;
	v55 =	vld [tilespmem:s6+$0x70]  }
0x257: {  	v56 =	vld [tilespmem:s6+$0x30];
	v57 =	vadd.s32 v7, v9;
	[tilespmem:v50+s10+$0x0] =	vst.idx.msk $0xffff, v16  }
0x258: {  	v58 =	vadd.s32 v7, v10;
	[tilespmem:v51+s10+$0x0] =	vst.idx.msk $0xffff, v18;
	v16 =	vld [tilespmem:s24+$0x70]  }
0x259: {  	v60 =	vadd.s32 v7, v11;
	v59 =	vld [tilespmem:s24+$0x30];
	[tilespmem:v52+s10+$0x0] =	vst.idx.msk $0xffff, v13  }
0x25a: {  	v62 =	vadd.s32 v7, v22;
	[tilespmem:v54+s10+$0x0] =	vst.idx.msk $0xffff, v53;
	v61 =	vld [tilespmem:s29+$0x70]  }
0x25b: {  	[tilespmem:v8+s10+$0x0] =	vst.idx.msk $0xffff, v55;
	v63 =	vadd.s32 v7, v23;
	v8 =	vld [tilespmem:s29+$0x30]  }
0x25c: {  	s0 =	sadd.s32 s1, s20;
	[tilespmem:v57+s10+$0x0] =	vst.idx.msk $0xffff, v56  }
0x25d: {  	s20 =	sshll.u32 s0, $0x3;
	[tilespmem:v58+s10+$0x0] =	vst.idx.msk $0xffff, v16  }
0x25e: {  	s0 =	sand.u32 $0x3F00, s0;
	s3 =	sand.u32 $0xFFE0000, s20;
	[tilespmem:v60+s10+$0x0] =	vst.idx.msk $0xffff, v59  }
0x25f: {  	s6 =	sor.u32 s0, s3;
	[tilespmem:v62+s10+$0x0] =	vst.idx.msk $0xffff, v61  }
0x260: {  	s0 =	sadd.s32 s4, s6;
	[tilespmem:v63+s10+$0x0] =	vst.idx.msk $0xffff, v8  }
0x261: {  	[hbm4b:s0+s5] =	stream.linear.scatter [tilespmem:s10], [sflag:$0x5], $0x80, $0x38;
	[tilespmem:$0x10A00] =	vst v63  }
0x262: {  	s21 =	sadd.s32 $0x10, s0;
	s24 =	simm.s32 $0xC688  }
0x263: {  	[hbm4b:s21+s5] =	stream.linear.scatter [tilespmem:s24], [sflag:$0x5], $0x80, $0x38;
	[tilespmem:$0x10A00] =	vst v63  }
0x264: {  	s31 =	simm.s32 $0xC710;
	s29 =	sadd.s32 $0x20, s0  }
0x265: {  	[hbm4b:s29+s5] =	stream.linear.scatter [tilespmem:s31], [sflag:$0x5], $0x80, $0x38;
	[tilespmem:$0x10A00] =	vst v63  }
0x266: {  	s21 =	sadd.s32 $0x30, s0;
	s24 =	simm.s32 $0xC798  }
0x267: {  	[hbm4b:s21+s5] =	stream.linear.scatter [tilespmem:s24], [sflag:$0x5], $0x80, $0x38;
	[tilespmem:$0x10A00] =	vst v63  }
0x268: {  	s29 =	sadd.s32 $0x40, s0;
	s31 =	simm.s32 $0xC820  }
0x269: {  	[hbm4b:s29+s5] =	stream.linear.scatter [tilespmem:s31], [sflag:$0x5], $0x80, $0x38;
	[tilespmem:$0x10A00] =	vst v63  }
0x26a: {  	s21 =	sadd.s32 $0x50, s0;
	s24 =	simm.s32 $0xC8A8  }
0x26b: {  	[hbm4b:s21+s5] =	stream.linear.scatter [tilespmem:s24], [sflag:$0x5], $0x80, $0x38;
	[tilespmem:$0x10A00] =	vst v63  }
0x26c: {  	s29 =	sadd.s32 $0x60, s0;
	s31 =	simm.s32 $0xC930  }
0x26d: {  	[hbm4b:s29+s5] =	stream.linear.scatter [tilespmem:s31], [sflag:$0x5], $0x80, $0x38;
	[tilespmem:$0x10A00] =	vst v63  }
0x26e: {  	s21 =	sadd.s32 $0x70, s0;
	s24 =	simm.s32 $0xC9B8  }
0x26f: {  	[hbm4b:s21+s5] =	stream.linear.scatter [tilespmem:s24], [sflag:$0x5], $0x80, $0x38;
	[tilespmem:$0x10A00] =	vst v63  }
0x270: {  	s29 =	sadd.s32 $0x80, s0;
	s31 =	simm.s32 $0xCA40  }
0x271: {  	[hbm4b:s29+s5] =	stream.linear.scatter [tilespmem:s31], [sflag:$0x5], $0x80, $0x38;
	[tilespmem:$0x10A00] =	vst v63  }
0x272: {  	s21 =	sadd.s32 $0x90, s0;
	s24 =	simm.s32 $0xCAC8  }
0x273: {  	[hbm4b:s21+s5] =	stream.linear.scatter [tilespmem:s24], [sflag:$0x5], $0x80, $0x38;
	[tilespmem:$0x10A00] =	vst v63  }
0x274: {  	s29 =	sadd.s32 $0xA0, s0;
	s31 =	simm.s32 $0xCB50  }
0x275: {  	[hbm4b:s29+s5] =	stream.linear.scatter [tilespmem:s31], [sflag:$0x5], $0x80, $0x38;
	[tilespmem:$0x10A00] =	vst v63  }
0x276: {  	s21 =	sadd.s32 $0xB0, s0;
	s24 =	simm.s32 $0xCBD8  }
0x277: {  	[hbm4b:s21+s5] =	stream.linear.scatter [tilespmem:s24], [sflag:$0x5], $0x80, $0x38;
	[tilespmem:$0x10A00] =	vst v63  }
0x278: {  	s29 =	sadd.s32 $0xC0, s0;
	s31 =	simm.s32 $0xCC60  }
0x279: {  	[hbm4b:s29+s5] =	stream.linear.scatter [tilespmem:s31], [sflag:$0x5], $0x80, $0x38;
	[tilespmem:$0x10A00] =	vst v63  }
0x27a: {  	s20 =	sadd.s32 $0xD0, s0;
	s21 =	simm.s32 $0xCCE8  }
0x27b: {  	[hbm4b:s20+s5] =	stream.linear.scatter [tilespmem:s21], [sflag:$0x5], $0x80, $0x38;
	[tilespmem:$0x10A00] =	vst v63  }
0x27c: {  	s24 =	sadd.s32 $0xE0, s0;
	s29 =	simm.s32 $0xCD70  }
0x27d: {  	[hbm4b:s24+s5] =	stream.linear.scatter [tilespmem:s29], [sflag:$0x5], $0x80, $0x38;
	[tilespmem:$0x10A00] =	vst v63  }
0x27e: {  	s0 =	sadd.s32 $0xF0, s0;
	s31 =	simm.s32 $0xCDF8  }
0x27f: {  	[hbm4b:s0+s5] =	stream.linear.scatter [tilespmem:s31], [sflag:$0x5], $0x80, $0x38;
	[tilespmem:$0x10A00] =	vst v63  }
0x280: {  	s20 =	simm.s32 $0xCE80;
	s0 =	sadd.s32 s6, s12  }
0x281: {  	[hbm4b:s0+s5] =	stream.linear.scatter [tilespmem:s20], [sflag:$0x5], $0x80, $0x38;
	[tilespmem:$0x10A00] =	vst v63  }
0x282: {  	s24 =	simm.s32 $0xCF08;
	s21 =	sadd.s32 $0x10, s0  }
0x283: {  	[hbm4b:s21+s5] =	stream.linear.scatter [tilespmem:s24], [sflag:$0x5], $0x80, $0x38;
	[tilespmem:$0x10A00] =	vst v63  }
0x284: {  	s31 =	simm.s32 $0xCF90;
	s29 =	sadd.s32 $0x20, s0  }
0x285: {  	[hbm4b:s29+s5] =	stream.linear.scatter [tilespmem:s31], [sflag:$0x5], $0x80, $0x38;
	[tilespmem:$0x10A00] =	vst v63  }
0x286: {  	s21 =	sadd.s32 $0x30, s0;
	s24 =	simm.s32 $0xD018  }
0x287: {  	[hbm4b:s21+s5] =	stream.linear.scatter [tilespmem:s24], [sflag:$0x5], $0x80, $0x38;
	[tilespmem:$0x10A00] =	vst v63  }
0x288: {  	s29 =	sadd.s32 $0x40, s0;
	s31 =	simm.s32 $0xD0A0  }
0x289: {  	[hbm4b:s29+s5] =	stream.linear.scatter [tilespmem:s31], [sflag:$0x5], $0x80, $0x38;
	[tilespmem:$0x10A00] =	vst v63  }
0x28a: {  	s21 =	sadd.s32 $0x50, s0;
	s24 =	simm.s32 $0xD128  }
0x28b: {  	[hbm4b:s21+s5] =	stream.linear.scatter [tilespmem:s24], [sflag:$0x5], $0x80, $0x38;
	[tilespmem:$0x10A00] =	vst v63  }
0x28c: {  	s29 =	sadd.s32 $0x60, s0;
	s31 =	simm.s32 $0xD1B0  }
0x28d: {  	[hbm4b:s29+s5] =	stream.linear.scatter [tilespmem:s31], [sflag:$0x5], $0x80, $0x38;
	[tilespmem:$0x10A00] =	vst v63  }
0x28e: {  	s21 =	sadd.s32 $0x70, s0;
	s24 =	simm.s32 $0xD238  }
0x28f: {  	[hbm4b:s21+s5] =	stream.linear.scatter [tilespmem:s24], [sflag:$0x5], $0x80, $0x38;
	[tilespmem:$0x10A00] =	vst v63  }
0x290: {  	s29 =	sadd.s32 $0x80, s0;
	s31 =	simm.s32 $0xD2C0  }
0x291: {  	[hbm4b:s29+s5] =	stream.linear.scatter [tilespmem:s31], [sflag:$0x5], $0x80, $0x38;
	[tilespmem:$0x10A00] =	vst v63  }
0x292: {  	s21 =	sadd.s32 $0x90, s0;
	s24 =	simm.s32 $0xD348  }
0x293: {  	[hbm4b:s21+s5] =	stream.linear.scatter [tilespmem:s24], [sflag:$0x5], $0x80, $0x38;
	[tilespmem:$0x10A00] =	vst v63  }
0x294: {  	s29 =	sadd.s32 $0xA0, s0;
	s31 =	simm.s32 $0xD3D0  }
0x295: {  	[hbm4b:s29+s5] =	stream.linear.scatter [tilespmem:s31], [sflag:$0x5], $0x80, $0x38;
	[tilespmem:$0x10A00] =	vst v63  }
0x296: {  	s21 =	sadd.s32 $0xB0, s0;
	s24 =	simm.s32 $0xD458  }
0x297: {  	[hbm4b:s21+s5] =	stream.linear.scatter [tilespmem:s24], [sflag:$0x5], $0x80, $0x38;
	[tilespmem:$0x10A00] =	vst v63  }
0x298: {  	s29 =	sadd.s32 $0xC0, s0;
	s31 =	simm.s32 $0xD4E0  }
0x299: {  	[hbm4b:s29+s5] =	stream.linear.scatter [tilespmem:s31], [sflag:$0x5], $0x80, $0x38;
	[tilespmem:$0x10A00] =	vst v63  }
0x29a: {  	s20 =	sadd.s32 $0xD0, s0;
	s21 =	simm.s32 $0xD568  }
0x29b: {  	[hbm4b:s20+s5] =	stream.linear.scatter [tilespmem:s21], [sflag:$0x5], $0x80, $0x38;
	[tilespmem:$0x10A00] =	vst v63  }
0x29c: {  	s24 =	sadd.s32 $0xE0, s0;
	s29 =	simm.s32 $0xD5F0  }
0x29d: {  	[hbm4b:s24+s5] =	stream.linear.scatter [tilespmem:s29], [sflag:$0x5], $0x80, $0x38;
	[tilespmem:$0x10A00] =	vst v63  }
0x29e: {  	s0 =	sadd.s32 $0xF0, s0;
	s31 =	simm.s32 $0xD678  }
0x29f: {  	[hbm4b:s0+s5] =	stream.linear.scatter [tilespmem:s31], [sflag:$0x5], $0x80, $0x38;
	[tilespmem:$0x10A00] =	vst v63  }
0x2a0: {  	s20 =	simm.s32 $0xD700;
	s0 =	sadd.s32 s6, s13  }
0x2a1: {  	[hbm4b:s0+s5] =	stream.linear.scatter [tilespmem:s20], [sflag:$0x5], $0x80, $0x38;
	[tilespmem:$0x10A00] =	vst v63  }
0x2a2: {  	s24 =	simm.s32 $0xD788;
	s21 =	sadd.s32 $0x10, s0  }
0x2a3: {  	[hbm4b:s21+s5] =	stream.linear.scatter [tilespmem:s24], [sflag:$0x5], $0x80, $0x38;
	[tilespmem:$0x10A00] =	vst v63  }
0x2a4: {  	s31 =	simm.s32 $0xD810;
	s29 =	sadd.s32 $0x20, s0  }
0x2a5: {  	[hbm4b:s29+s5] =	stream.linear.scatter [tilespmem:s31], [sflag:$0x5], $0x80, $0x38;
	[tilespmem:$0x10A00] =	vst v63  }
0x2a6: {  	s21 =	sadd.s32 $0x30, s0;
	s24 =	simm.s32 $0xD898  }
0x2a7: {  	[hbm4b:s21+s5] =	stream.linear.scatter [tilespmem:s24], [sflag:$0x5], $0x80, $0x38;
	[tilespmem:$0x10A00] =	vst v63  }
0x2a8: {  	s29 =	sadd.s32 $0x40, s0;
	s31 =	simm.s32 $0xD920  }
0x2a9: {  	[hbm4b:s29+s5] =	stream.linear.scatter [tilespmem:s31], [sflag:$0x5], $0x80, $0x38;
	[tilespmem:$0x10A00] =	vst v63  }
0x2aa: {  	s21 =	sadd.s32 $0x50, s0;
	s24 =	simm.s32 $0xD9A8  }
0x2ab: {  	[hbm4b:s21+s5] =	stream.linear.scatter [tilespmem:s24], [sflag:$0x5], $0x80, $0x38;
	[tilespmem:$0x10A00] =	vst v63  }
0x2ac: {  	s29 =	sadd.s32 $0x60, s0;
	s31 =	simm.s32 $0xDA30  }
0x2ad: {  	[hbm4b:s29+s5] =	stream.linear.scatter [tilespmem:s31], [sflag:$0x5], $0x80, $0x38;
	[tilespmem:$0x10A00] =	vst v63  }
0x2ae: {  	s21 =	sadd.s32 $0x70, s0;
	s24 =	simm.s32 $0xDAB8  }
0x2af: {  	[hbm4b:s21+s5] =	stream.linear.scatter [tilespmem:s24], [sflag:$0x5], $0x80, $0x38;
	[tilespmem:$0x10A00] =	vst v63  }
0x2b0: {  	s29 =	sadd.s32 $0x80, s0;
	s31 =	simm.s32 $0xDB40  }
0x2b1: {  	[hbm4b:s29+s5] =	stream.linear.scatter [tilespmem:s31], [sflag:$0x5], $0x80, $0x38;
	[tilespmem:$0x10A00] =	vst v63  }
0x2b2: {  	s21 =	sadd.s32 $0x90, s0;
	s24 =	simm.s32 $0xDBC8  }
0x2b3: {  	[hbm4b:s21+s5] =	stream.linear.scatter [tilespmem:s24], [sflag:$0x5], $0x80, $0x38;
	[tilespmem:$0x10A00] =	vst v63  }
0x2b4: {  	s29 =	sadd.s32 $0xA0, s0;
	s31 =	simm.s32 $0xDC50  }
0x2b5: {  	[hbm4b:s29+s5] =	stream.linear.scatter [tilespmem:s31], [sflag:$0x5], $0x80, $0x38;
	[tilespmem:$0x10A00] =	vst v63  }
0x2b6: {  	s21 =	sadd.s32 $0xB0, s0;
	s24 =	simm.s32 $0xDCD8  }
0x2b7: {  	[hbm4b:s21+s5] =	stream.linear.scatter [tilespmem:s24], [sflag:$0x5], $0x80, $0x38;
	[tilespmem:$0x10A00] =	vst v63  }
0x2b8: {  	s29 =	sadd.s32 $0xC0, s0;
	s31 =	simm.s32 $0xDD60  }
0x2b9: {  	[hbm4b:s29+s5] =	stream.linear.scatter [tilespmem:s31], [sflag:$0x5], $0x80, $0x38;
	[tilespmem:$0x10A00] =	vst v63  }
0x2ba: {  	s20 =	sadd.s32 $0xD0, s0;
	s21 =	simm.s32 $0xDDE8  }
0x2bb: {  	[hbm4b:s20+s5] =	stream.linear.scatter [tilespmem:s21], [sflag:$0x5], $0x80, $0x38;
	[tilespmem:$0x10A00] =	vst v63  }
0x2bc: {  	s24 =	sadd.s32 $0xE0, s0;
	s29 =	simm.s32 $0xDE70  }
0x2bd: {  	[hbm4b:s24+s5] =	stream.linear.scatter [tilespmem:s29], [sflag:$0x5], $0x80, $0x38;
	[tilespmem:$0x10A00] =	vst v63  }
0x2be: {  	s0 =	sadd.s32 $0xF0, s0;
	s31 =	simm.s32 $0xDEF8  }
0x2bf: {  	[hbm4b:s0+s5] =	stream.linear.scatter [tilespmem:s31], [sflag:$0x5], $0x80, $0x38;
	[tilespmem:$0x10A00] =	vst v63  }
0x2c0: {  	s20 =	simm.s32 $0xDF80;
	s0 =	sadd.s32 s6, s14  }
0x2c1: {  	[hbm4b:s0+s5] =	stream.linear.scatter [tilespmem:s20], [sflag:$0x5], $0x80, $0x38;
	[tilespmem:$0x10A00] =	vst v63  }
0x2c2: {  	s24 =	simm.s32 $0xE008;
	s21 =	sadd.s32 $0x10, s0  }
0x2c3: {  	[hbm4b:s21+s5] =	stream.linear.scatter [tilespmem:s24], [sflag:$0x5], $0x80, $0x38;
	[tilespmem:$0x10A00] =	vst v63  }
0x2c4: {  	s31 =	simm.s32 $0xE090;
	s29 =	sadd.s32 $0x20, s0  }
0x2c5: {  	[hbm4b:s29+s5] =	stream.linear.scatter [tilespmem:s31], [sflag:$0x5], $0x80, $0x38;
	[tilespmem:$0x10A00] =	vst v63  }
0x2c6: {  	s21 =	sadd.s32 $0x30, s0;
	s24 =	simm.s32 $0xE118  }
0x2c7: {  	[hbm4b:s21+s5] =	stream.linear.scatter [tilespmem:s24], [sflag:$0x5], $0x80, $0x38;
	[tilespmem:$0x10A00] =	vst v63  }
0x2c8: {  	s29 =	sadd.s32 $0x40, s0;
	s31 =	simm.s32 $0xE1A0  }
0x2c9: {  	[hbm4b:s29+s5] =	stream.linear.scatter [tilespmem:s31], [sflag:$0x5], $0x80, $0x38;
	[tilespmem:$0x10A00] =	vst v63  }
0x2ca: {  	s21 =	sadd.s32 $0x50, s0;
	s24 =	simm.s32 $0xE228  }
0x2cb: {  	[hbm4b:s21+s5] =	stream.linear.scatter [tilespmem:s24], [sflag:$0x5], $0x80, $0x38;
	[tilespmem:$0x10A00] =	vst v63  }
0x2cc: {  	s29 =	sadd.s32 $0x60, s0;
	s31 =	simm.s32 $0xE2B0  }
0x2cd: {  	[hbm4b:s29+s5] =	stream.linear.scatter [tilespmem:s31], [sflag:$0x5], $0x80, $0x38;
	[tilespmem:$0x10A00] =	vst v63  }
0x2ce: {  	s21 =	sadd.s32 $0x70, s0;
	s24 =	simm.s32 $0xE338  }
0x2cf: {  	[hbm4b:s21+s5] =	stream.linear.scatter [tilespmem:s24], [sflag:$0x5], $0x80, $0x38;
	[tilespmem:$0x10A00] =	vst v63  }
0x2d0: {  	s29 =	sadd.s32 $0x80, s0;
	s31 =	simm.s32 $0xE3C0  }
0x2d1: {  	[hbm4b:s29+s5] =	stream.linear.scatter [tilespmem:s31], [sflag:$0x5], $0x80, $0x38;
	[tilespmem:$0x10A00] =	vst v63  }
0x2d2: {  	s21 =	sadd.s32 $0x90, s0;
	s24 =	simm.s32 $0xE448  }
0x2d3: {  	[hbm4b:s21+s5] =	stream.linear.scatter [tilespmem:s24], [sflag:$0x5], $0x80, $0x38;
	[tilespmem:$0x10A00] =	vst v63  }
0x2d4: {  	s29 =	sadd.s32 $0xA0, s0;
	s31 =	simm.s32 $0xE4D0  }
0x2d5: {  	[hbm4b:s29+s5] =	stream.linear.scatter [tilespmem:s31], [sflag:$0x5], $0x80, $0x38;
	[tilespmem:$0x10A00] =	vst v63  }
0x2d6: {  	s21 =	sadd.s32 $0xB0, s0;
	s24 =	simm.s32 $0xE558  }
0x2d7: {  	[hbm4b:s21+s5] =	stream.linear.scatter [tilespmem:s24], [sflag:$0x5], $0x80, $0x38;
	[tilespmem:$0x10A00] =	vst v63  }
0x2d8: {  	s29 =	sadd.s32 $0xC0, s0;
	s31 =	simm.s32 $0xE5E0  }
0x2d9: {  	[hbm4b:s29+s5] =	stream.linear.scatter [tilespmem:s31], [sflag:$0x5], $0x80, $0x38;
	[tilespmem:$0x10A00] =	vst v63  }
0x2da: {  	s20 =	sadd.s32 $0xD0, s0;
	s21 =	simm.s32 $0xE668  }
0x2db: {  	[hbm4b:s20+s5] =	stream.linear.scatter [tilespmem:s21], [sflag:$0x5], $0x80, $0x38;
	[tilespmem:$0x10A00] =	vst v63  }
0x2dc: {  	s24 =	sadd.s32 $0xE0, s0;
	s29 =	simm.s32 $0xE6F0  }
0x2dd: {  	[hbm4b:s24+s5] =	stream.linear.scatter [tilespmem:s29], [sflag:$0x5], $0x80, $0x38;
	[tilespmem:$0x10A00] =	vst v63  }
0x2de: {  	s0 =	sadd.s32 $0xF0, s0;
	s31 =	simm.s32 $0xE778  }
0x2df: {  	[hbm4b:s0+s5] =	stream.linear.scatter [tilespmem:s31], [sflag:$0x5], $0x80, $0x38;
	[tilespmem:$0x10A00] =	vst v63  }
0x2e0: {  	s20 =	simm.s32 $0xE800;
	s0 =	sadd.s32 s6, s15  }
0x2e1: {  	[hbm4b:s0+s5] =	stream.linear.scatter [tilespmem:s20], [sflag:$0x5], $0x80, $0x38;
	[tilespmem:$0x10A00] =	vst v63  }
0x2e2: {  	s24 =	simm.s32 $0xE888;
	s21 =	sadd.s32 $0x10, s0  }
0x2e3: {  	[hbm4b:s21+s5] =	stream.linear.scatter [tilespmem:s24], [sflag:$0x5], $0x80, $0x38;
	[tilespmem:$0x10A00] =	vst v63  }
0x2e4: {  	s31 =	simm.s32 $0xE910;
	s29 =	sadd.s32 $0x20, s0  }
0x2e5: {  	[hbm4b:s29+s5] =	stream.linear.scatter [tilespmem:s31], [sflag:$0x5], $0x80, $0x38;
	[tilespmem:$0x10A00] =	vst v63  }
0x2e6: {  	s21 =	sadd.s32 $0x30, s0;
	s24 =	simm.s32 $0xE998  }
0x2e7: {  	[hbm4b:s21+s5] =	stream.linear.scatter [tilespmem:s24], [sflag:$0x5], $0x80, $0x38;
	[tilespmem:$0x10A00] =	vst v63  }
0x2e8: {  	s29 =	sadd.s32 $0x40, s0;
	s31 =	simm.s32 $0xEA20  }
0x2e9: {  	[hbm4b:s29+s5] =	stream.linear.scatter [tilespmem:s31], [sflag:$0x5], $0x80, $0x38;
	[tilespmem:$0x10A00] =	vst v63  }
0x2ea: {  	s21 =	sadd.s32 $0x50, s0;
	s24 =	simm.s32 $0xEAA8  }
0x2eb: {  	[hbm4b:s21+s5] =	stream.linear.scatter [tilespmem:s24], [sflag:$0x5], $0x80, $0x38;
	[tilespmem:$0x10A00] =	vst v63  }
0x2ec: {  	s29 =	sadd.s32 $0x60, s0;
	s31 =	simm.s32 $0xEB30  }
0x2ed: {  	[hbm4b:s29+s5] =	stream.linear.scatter [tilespmem:s31], [sflag:$0x5], $0x80, $0x38;
	[tilespmem:$0x10A00] =	vst v63  }
0x2ee: {  	s21 =	sadd.s32 $0x70, s0;
	s24 =	simm.s32 $0xEBB8  }
0x2ef: {  	[hbm4b:s21+s5] =	stream.linear.scatter [tilespmem:s24], [sflag:$0x5], $0x80, $0x38;
	[tilespmem:$0x10A00] =	vst v63  }
0x2f0: {  	s29 =	sadd.s32 $0x80, s0;
	s31 =	simm.s32 $0xEC40  }
0x2f1: {  	[hbm4b:s29+s5] =	stream.linear.scatter [tilespmem:s31], [sflag:$0x5], $0x80, $0x38;
	[tilespmem:$0x10A00] =	vst v63  }
0x2f2: {  	s21 =	sadd.s32 $0x90, s0;
	s24 =	simm.s32 $0xECC8  }
0x2f3: {  	[hbm4b:s21+s5] =	stream.linear.scatter [tilespmem:s24], [sflag:$0x5], $0x80, $0x38;
	[tilespmem:$0x10A00] =	vst v63  }
0x2f4: {  	s29 =	sadd.s32 $0xA0, s0;
	s31 =	simm.s32 $0xED50  }
0x2f5: {  	[hbm4b:s29+s5] =	stream.linear.scatter [tilespmem:s31], [sflag:$0x5], $0x80, $0x38;
	[tilespmem:$0x10A00] =	vst v63  }
0x2f6: {  	s21 =	sadd.s32 $0xB0, s0;
	s24 =	simm.s32 $0xEDD8  }
0x2f7: {  	[hbm4b:s21+s5] =	stream.linear.scatter [tilespmem:s24], [sflag:$0x5], $0x80, $0x38;
	[tilespmem:$0x10A00] =	vst v63  }
0x2f8: {  	s29 =	sadd.s32 $0xC0, s0;
	s31 =	simm.s32 $0xEE60  }
0x2f9: {  	[hbm4b:s29+s5] =	stream.linear.scatter [tilespmem:s31], [sflag:$0x5], $0x80, $0x38;
	[tilespmem:$0x10A00] =	vst v63  }
0x2fa: {  	s20 =	sadd.s32 $0xD0, s0;
	s21 =	simm.s32 $0xEEE8  }
0x2fb: {  	[hbm4b:s20+s5] =	stream.linear.scatter [tilespmem:s21], [sflag:$0x5], $0x80, $0x38;
	[tilespmem:$0x10A00] =	vst v63  }
0x2fc: {  	s24 =	sadd.s32 $0xE0, s0;
	s29 =	simm.s32 $0xEF70  }
0x2fd: {  	[hbm4b:s24+s5] =	stream.linear.scatter [tilespmem:s29], [sflag:$0x5], $0x80, $0x38;
	[tilespmem:$0x10A00] =	vst v63  }
0x2fe: {  	s0 =	sadd.s32 $0xF0, s0;
	s31 =	simm.s32 $0xEFF8  }
0x2ff: {  	[hbm4b:s0+s5] =	stream.linear.scatter [tilespmem:s31], [sflag:$0x5], $0x80, $0x38;
	[tilespmem:$0x10A00] =	vst v63  }
0x300: {  	s20 =	simm.s32 $0xF080;
	s0 =	sadd.s32 s6, s16  }
0x301: {  	[hbm4b:s0+s5] =	stream.linear.scatter [tilespmem:s20], [sflag:$0x5], $0x80, $0x38;
	[tilespmem:$0x10A00] =	vst v63  }
0x302: {  	s24 =	simm.s32 $0xF108;
	s21 =	sadd.s32 $0x10, s0  }
0x303: {  	[hbm4b:s21+s5] =	stream.linear.scatter [tilespmem:s24], [sflag:$0x5], $0x80, $0x38;
	[tilespmem:$0x10A00] =	vst v63  }
0x304: {  	s31 =	simm.s32 $0xF190;
	s29 =	sadd.s32 $0x20, s0  }
0x305: {  	[hbm4b:s29+s5] =	stream.linear.scatter [tilespmem:s31], [sflag:$0x5], $0x80, $0x38;
	[tilespmem:$0x10A00] =	vst v63  }
0x306: {  	s21 =	sadd.s32 $0x30, s0;
	s24 =	simm.s32 $0xF218  }
0x307: {  	[hbm4b:s21+s5] =	stream.linear.scatter [tilespmem:s24], [sflag:$0x5], $0x80, $0x38;
	[tilespmem:$0x10A00] =	vst v63  }
0x308: {  	s29 =	sadd.s32 $0x40, s0;
	s31 =	simm.s32 $0xF2A0  }
0x309: {  	[hbm4b:s29+s5] =	stream.linear.scatter [tilespmem:s31], [sflag:$0x5], $0x80, $0x38;
	[tilespmem:$0x10A00] =	vst v63  }
0x30a: {  	s21 =	sadd.s32 $0x50, s0;
	s24 =	simm.s32 $0xF328  }
0x30b: {  	[hbm4b:s21+s5] =	stream.linear.scatter [tilespmem:s24], [sflag:$0x5], $0x80, $0x38;
	[tilespmem:$0x10A00] =	vst v63  }
0x30c: {  	s29 =	sadd.s32 $0x60, s0;
	s31 =	simm.s32 $0xF3B0  }
0x30d: {  	[hbm4b:s29+s5] =	stream.linear.scatter [tilespmem:s31], [sflag:$0x5], $0x80, $0x38;
	[tilespmem:$0x10A00] =	vst v63  }
0x30e: {  	s21 =	sadd.s32 $0x70, s0;
	s24 =	simm.s32 $0xF438  }
0x30f: {  	[hbm4b:s21+s5] =	stream.linear.scatter [tilespmem:s24], [sflag:$0x5], $0x80, $0x38;
	[tilespmem:$0x10A00] =	vst v63  }
0x310: {  	s29 =	sadd.s32 $0x80, s0;
	s31 =	simm.s32 $0xF4C0  }
0x311: {  	[hbm4b:s29+s5] =	stream.linear.scatter [tilespmem:s31], [sflag:$0x5], $0x80, $0x38;
	[tilespmem:$0x10A00] =	vst v63  }
0x312: {  	s21 =	sadd.s32 $0x90, s0;
	s24 =	simm.s32 $0xF548  }
0x313: {  	[hbm4b:s21+s5] =	stream.linear.scatter [tilespmem:s24], [sflag:$0x5], $0x80, $0x38;
	[tilespmem:$0x10A00] =	vst v63  }
0x314: {  	s29 =	sadd.s32 $0xA0, s0;
	s31 =	simm.s32 $0xF5D0  }
0x315: {  	[hbm4b:s29+s5] =	stream.linear.scatter [tilespmem:s31], [sflag:$0x5], $0x80, $0x38;
	[tilespmem:$0x10A00] =	vst v63  }
0x316: {  	s21 =	sadd.s32 $0xB0, s0;
	s24 =	simm.s32 $0xF658  }
0x317: {  	[hbm4b:s21+s5] =	stream.linear.scatter [tilespmem:s24], [sflag:$0x5], $0x80, $0x38;
	[tilespmem:$0x10A00] =	vst v63  }
0x318: {  	s29 =	sadd.s32 $0xC0, s0;
	s31 =	simm.s32 $0xF6E0  }
0x319: {  	[hbm4b:s29+s5] =	stream.linear.scatter [tilespmem:s31], [sflag:$0x5], $0x80, $0x38;
	[tilespmem:$0x10A00] =	vst v63  }
0x31a: {  	s21 =	sadd.s32 $0xD0, s0;
	s24 =	simm.s32 $0xF768  }
0x31b: {  	[hbm4b:s21+s5] =	stream.linear.scatter [tilespmem:s24], [sflag:$0x5], $0x80, $0x38;
	[tilespmem:$0x10A00] =	vst v63  }
0x31c: {  	s29 =	sadd.s32 $0xE0, s0;
	s31 =	simm.s32 $0xF7F0  }
0x31d: {  	[hbm4b:s29+s5] =	stream.linear.scatter [tilespmem:s31], [sflag:$0x5], $0x80, $0x38;
	[tilespmem:$0x10A00] =	vst v63  }
0x31e: {  	s0 =	sadd.s32 $0xF0, s0;
	s21 =	simm.s32 $0xF878  }
0x31f: {  	[hbm4b:s0+s5] =	stream.linear.scatter [tilespmem:s21], [sflag:$0x5], $0x80, $0x38;
	[tilespmem:$0x10A00] =	vst v63  }
0x320: {  	s24 =	simm.s32 $0xF900;
	s0 =	sadd.s32 s6, s17  }
0x321: {  	[hbm4b:s0+s5] =	stream.linear.scatter [tilespmem:s24], [sflag:$0x5], $0x80, $0x38;
	[tilespmem:$0x10A00] =	vst v63  }
0x322: {  	s31 =	simm.s32 $0xF988;
	s29 =	sadd.s32 $0x10, s0  }
0x323: {  	[hbm4b:s29+s5] =	stream.linear.scatter [tilespmem:s31], [sflag:$0x5], $0x80, $0x38;
	[tilespmem:$0x10A00] =	vst v63  }
0x324: {  	s21 =	sadd.s32 $0x20, s0;
	s24 =	simm.s32 $0xFA10  }
0x325: {  	[hbm4b:s21+s5] =	stream.linear.scatter [tilespmem:s24], [sflag:$0x5], $0x80, $0x38;
	[tilespmem:$0x10A00] =	vst v63  }
0x326: {  	s29 =	sadd.s32 $0x30, s0;
	s31 =	simm.s32 $0xFA98  }
0x327: {  	[hbm4b:s29+s5] =	stream.linear.scatter [tilespmem:s31], [sflag:$0x5], $0x80, $0x38;
	[tilespmem:$0x10A00] =	vst v63  }
0x328: {  	s21 =	sadd.s32 $0x40, s0;
	s24 =	simm.s32 $0xFB20  }
0x329: {  	[hbm4b:s21+s5] =	stream.linear.scatter [tilespmem:s24], [sflag:$0x5], $0x80, $0x38;
	[tilespmem:$0x10A00] =	vst v63  }
0x32a: {  	s29 =	sadd.s32 $0x50, s0;
	s31 =	simm.s32 $0xFBA8  }
0x32b: {  	[hbm4b:s29+s5] =	stream.linear.scatter [tilespmem:s31], [sflag:$0x5], $0x80, $0x38;
	[tilespmem:$0x10A00] =	vst v63  }
0x32c: {  	s21 =	sadd.s32 $0x60, s0;
	s24 =	simm.s32 $0xFC30  }
0x32d: {  	[hbm4b:s21+s5] =	stream.linear.scatter [tilespmem:s24], [sflag:$0x5], $0x80, $0x38;
	[tilespmem:$0x10A00] =	vst v63  }
0x32e: {  	s29 =	sadd.s32 $0x70, s0;
	s31 =	simm.s32 $0xFCB8  }
0x32f: {  	[hbm4b:s29+s5] =	stream.linear.scatter [tilespmem:s31], [sflag:$0x5], $0x80, $0x38;
	[tilespmem:$0x10A00] =	vst v63  }
0x330: {  	s21 =	sadd.s32 $0x80, s0;
	s24 =	simm.s32 $0xFD40  }
0x331: {  	[hbm4b:s21+s5] =	stream.linear.scatter [tilespmem:s24], [sflag:$0x5], $0x80, $0x38;
	[tilespmem:$0x10A00] =	vst v63  }
0x332: {  	s29 =	sadd.s32 $0x90, s0;
	s31 =	simm.s32 $0xFDC8  }
0x333: {  	[hbm4b:s29+s5] =	stream.linear.scatter [tilespmem:s31], [sflag:$0x5], $0x80, $0x38;
	[tilespmem:$0x10A00] =	vst v63  }
0x334: {  	s21 =	sadd.s32 $0xA0, s0;
	s24 =	simm.s32 $0xFE50  }
0x335: {  	[hbm4b:s21+s5] =	stream.linear.scatter [tilespmem:s24], [sflag:$0x5], $0x80, $0x38;
	[tilespmem:$0x10A00] =	vst v63  }
0x336: {  	s29 =	sadd.s32 $0xB0, s0;
	s31 =	simm.s32 $0xFED8  }
0x337: {  	[hbm4b:s29+s5] =	stream.linear.scatter [tilespmem:s31], [sflag:$0x5], $0x80, $0x38;
	[tilespmem:$0x10A00] =	vst v63  }
0x338: {  	s21 =	sadd.s32 $0xC0, s0;
	s24 =	simm.s32 $0xFF60  }
0x339: {  	[hbm4b:s21+s5] =	stream.linear.scatter [tilespmem:s24], [sflag:$0x5], $0x80, $0x38;
	[tilespmem:$0x10A00] =	vst v63  }
0x33a: {  	s29 =	sadd.s32 $0xD0, s0;
	s31 =	simm.s32 $0xFFE8  }
0x33b: {  	[hbm4b:s29+s5] =	stream.linear.scatter [tilespmem:s31], [sflag:$0x5], $0x80, $0x38;
	[tilespmem:$0x10A00] =	vst v63  }
0x33c: {  	s21 =	sadd.s32 $0xE0, s0;
	s24 =	simm.s32 $0x10070  }
0x33d: {  	[hbm4b:s21+s5] =	stream.linear.scatter [tilespmem:s24], [sflag:$0x5], $0x80, $0x38;
	[tilespmem:$0x10A00] =	vst v63  }
0x33e: {  	s0 =	sadd.s32 $0xF0, s0;
	s29 =	simm.s32 $0x100F8  }
0x33f: {  	[hbm4b:s0+s5] =	stream.linear.scatter [tilespmem:s29], [sflag:$0x5], $0x80, $0x38;
	[tilespmem:$0x10A00] =	vst v63  }
0x340: {  	s31 =	simm.s32 $0x10180;
	s0 =	sadd.s32 s6, s18  }
0x341: {  	[hbm4b:s0+s5] =	stream.linear.scatter [tilespmem:s31], [sflag:$0x5], $0x80, $0x38;
	[tilespmem:$0x10A00] =	vst v63  }
0x342: {  	s20 =	simm.s32 $0x10208;
	s6 =	sadd.s32 $0x10, s0  }
0x343: {  	[hbm4b:s6+s5] =	stream.linear.scatter [tilespmem:s20], [sflag:$0x5], $0x80, $0x38;
	[tilespmem:$0x10A00] =	vst v63  }
0x344: {  	s24 =	simm.s32 $0x10290;
	s21 =	sadd.s32 $0x20, s0  }
0x345: {  	[hbm4b:s21+s5] =	stream.linear.scatter [tilespmem:s24], [sflag:$0x5], $0x80, $0x38;
	[tilespmem:$0x10A00] =	vst v63  }
0x346: {  	s29 =	sadd.s32 $0x30, s0;
	s31 =	simm.s32 $0x10318  }
0x347: {  	[hbm4b:s29+s5] =	stream.linear.scatter [tilespmem:s31], [sflag:$0x5], $0x80, $0x38;
	[tilespmem:$0x10A00] =	vst v63  }
0x348: {  	s6 =	sadd.s32 $0x40, s0;
	s20 =	simm.s32 $0x103A0  }
0x349: {  	[hbm4b:s6+s5] =	stream.linear.scatter [tilespmem:s20], [sflag:$0x5], $0x80, $0x38;
	[tilespmem:$0x10A00] =	vst v63  }
0x34a: {  	s21 =	sadd.s32 $0x50, s0;
	s24 =	simm.s32 $0x10428  }
0x34b: {  	[hbm4b:s21+s5] =	stream.linear.scatter [tilespmem:s24], [sflag:$0x5], $0x80, $0x38;
	[tilespmem:$0x10A00] =	vst v63  }
0x34c: {  	s29 =	sadd.s32 $0x60, s0;
	s31 =	simm.s32 $0x104B0  }
0x34d: {  	[hbm4b:s29+s5] =	stream.linear.scatter [tilespmem:s31], [sflag:$0x5], $0x80, $0x38;
	[tilespmem:$0x10A00] =	vst v63  }
0x34e: {  	s6 =	sadd.s32 $0x70, s0;
	s20 =	simm.s32 $0x10538  }
0x34f: {  	[hbm4b:s6+s5] =	stream.linear.scatter [tilespmem:s20], [sflag:$0x5], $0x80, $0x38;
	[tilespmem:$0x10A00] =	vst v63  }
0x350: {  	s21 =	sadd.s32 $0x80, s0;
	s24 =	simm.s32 $0x105C0  }
0x351: {  	[hbm4b:s21+s5] =	stream.linear.scatter [tilespmem:s24], [sflag:$0x5], $0x80, $0x38;
	[tilespmem:$0x10A00] =	vst v63  }
0x352: {  	s29 =	sadd.s32 $0x90, s0;
	s31 =	simm.s32 $0x10648  }
0x353: {  	[hbm4b:s29+s5] =	stream.linear.scatter [tilespmem:s31], [sflag:$0x5], $0x80, $0x38;
	[tilespmem:$0x10A00] =	vst v63  }
0x354: {  	s20 =	sadd.s32 $0xA0, s0  }
0x355: {  	[hbm4b:s20+s5] =	stream.linear.scatter [tilespmem:s22], [sflag:$0x5], $0x80, $0x38;
	[tilespmem:$0x10A00] =	vst v63  }
0x356: {  	s21 =	sadd.s32 $0xB0, s0;
	s24 =	simm.s32 $0x10758  }
0x357: {  	[hbm4b:s21+s5] =	stream.linear.scatter [tilespmem:s24], [sflag:$0x5], $0x80, $0x38;
	[tilespmem:$0x10A00] =	vst v63  }
0x358: {  	s9 =	sadd.s32 $0x1, s9;
	s29 =	sadd.s32 $0xC0, s0;
	s31 =	simm.s32 $0x107E0  }
0x359: {  	[hbm4b:s29+s5] =	stream.linear.scatter [tilespmem:s31], [sflag:$0x5], $0x80, $0x38;
	[tilespmem:$0x10A00] =	vst v63  }
0x35a: {  	p0 =	sne.s32 s9, $0xC8;
	s20 =	sadd.s32 $0xD0, s0;
	s21 =	simm.s32 $0x10868  }
0x35b: {  	[hbm4b:s20+s5] =	stream.linear.scatter [tilespmem:s21], [sflag:$0x5], $0x80, $0x38;
	[tilespmem:$0x10A00] =	vst v63  }
.Ltmp4:
0x35c: {  	_ = 	snop;
	(pc) =	sbr.rel @p0 .LBB2_2-.Ltmp4, $4  }
0x35d: {  	s24 =	sadd.s32 $0xE0, s0;
	s29 =	simm.s32 $0x108F0  }
0x35e: {  	[hbm4b:s24+s5] =	stream.linear.scatter [tilespmem:s29], [sflag:$0x5], $0x80, $0x38;
	[tilespmem:$0x10A00] =	vst v63  }
0x35f: {  	s0 =	sadd.s32 $0xF0, s0;
	s31 =	simm.s32 $0x10978  }
0x360: {  	[hbm4b:s0+s5] =	stream.linear.scatter [tilespmem:s31], [sflag:$0x5], $0x80, $0x38;
	[tilespmem:$0x10A00] =	vst v63  }
0x361: {  	_ =	swait.ge [sflag:s25], $0x800  }
0x362: {  	[sflag:s25] =	ssyncset.done $0x0  }
0x363: {  	[sflag:s25] =	ssyncadd.s32 $0xFFFFF800  }
0x364: {  	_ =	swait.ge [sflag:s25], $0x800  }
0x365: {  	[sflag:s25] =	ssyncset.done $0x0  }
0x366: {  	[sflag:s25] =	ssyncadd.s32 $0xFFFFF800  }
0x367: {  	_ =	swait.ge [sflag:s25], $0x800  }
0x368: {  	[sflag:s25] =	ssyncset.done $0x0  }
0x369: {  	[sflag:s25] =	ssyncadd.s32 $0xFFFFF800  }
0x36a: {  	_ =	swait.ge [sflag:s25], $0x800  }
0x36b: {  	[sflag:s25] =	ssyncset.done $0x0  }
0x36c: {  	[sflag:s25] =	ssyncadd.s32 $0xFFFFF800  }
0x36d: {  	_ =	swait.ge [sflag:s25], $0x800  }
0x36e: {  	[sflag:s25] =	ssyncset.done $0x0  }
0x36f: {  	[sflag:s25] =	ssyncadd.s32 $0xFFFFF800  }
0x370: {  	_ =	swait.ge [sflag:s25], $0x800  }
0x371: {  	[sflag:s25] =	ssyncset.done $0x0  }
0x372: {  	[sflag:s25] =	ssyncadd.s32 $0xFFFFF800  }
0x373: {  	_ =	swait.ge [sflag:s25], $0x800  }
0x374: {  	[sflag:s25] =	ssyncset.done $0x0  }
0x375: {  	[sflag:s25] =	ssyncadd.s32 $0xFFFFF800  }
0x376: {  	_ =	swait.ge [sflag:s25], $0x800  }
0x377: {  	[sflag:s25] =	ssyncset.done $0x0  }
0x378: {  	[sflag:s25] =	ssyncadd.s32 $0xFFFFF800  }
0x379: {  	_ =	swait.ge [sflag:s8], $0x800  }
0x37a: {  	[sflag:s8] =	ssyncset.done $0x0  }
0x37b: {  	[sflag:s8] =	ssyncadd.s32 $0xFFFFF800  }
0x37c: {  	_ =	swait.ge [sflag:s8], $0x800  }
0x37d: {  	[sflag:s8] =	ssyncset.done $0x0  }
0x37e: {  	[sflag:s8] =	ssyncadd.s32 $0xFFFFF800  }
0x37f: {  	_ =	swait.ge [sflag:s8], $0x800  }
0x380: {  	[sflag:s8] =	ssyncset.done $0x0  }
0x381: {  	[sflag:s8] =	ssyncadd.s32 $0xFFFFF800  }
0x382: {  	_ =	swait.ge [sflag:s8], $0x800  }
0x383: {  	[sflag:s8] =	ssyncset.done $0x0  }
0x384: {  	[sflag:s8] =	ssyncadd.s32 $0xFFFFF800  }
0x385: {  	_ =	swait.ge [sflag:s8], $0x800  }
0x386: {  	[sflag:s8] =	ssyncset.done $0x0  }
0x387: {  	[sflag:s8] =	ssyncadd.s32 $0xFFFFF800  }
0x388: {  	_ =	swait.ge [sflag:s8], $0x800  }
0x389: {  	[sflag:s8] =	ssyncset.done $0x0  }
0x38a: {  	[sflag:s8] =	ssyncadd.s32 $0xFFFFF800  }
0x38b: {  	_ =	swait.ge [sflag:s8], $0x800  }
0x38c: {  	[sflag:s8] =	ssyncset.done $0x0  }
0x38d: {  	[sflag:s8] =	ssyncadd.s32 $0xFFFFF800  }
0x38e: {  	_ =	swait.ge [sflag:s8], $0x800  }
0x38f: {  	s3 =	rddreg [dreg:$0x9]  }
0x390: {  	s0 =	rddreg [dreg:$0x8];
	s3 =	sadd.s32 $0x1, s3  }
0x391: {  	p0 =	sne.s32 s3, s0  }
.Ltmp5:
0x392: {  	_ = 	snop;
	(pc) =	sbr.rel @p0 .LBB2_1-.Ltmp5, $3  }
0x393: {  	_ =	sdelay $0x1  }
0x394: {  	[sflag:s8] =	ssyncset.done $0x0  }
0x395: {  	[sflag:s8] =	ssyncadd.s32 $0xFFFFF800  }
0x396: {  	_ =	sfence.sel $0x180000  }
0x397: {  	[bflag:$0x0] =	sbarrier.arrive $0xFFFF  }
0x398: {  	_ =	strace $0x90000047  }
0x399: {  	s0 =	stileid.u32;
	[bflag:$0x2] =	sbarrier.arrive $0xFFFF  }
0x39a: {  	p0 =	sne.s32 s0, $0x0;
	s0 =	rddreg [dreg:$0x3]  }
0x39b: {  	s0 =	sadd.s32 @!p0 $0x100000, s0  }
0x39c: {  	[sflag:s0] =	ssyncadd.tile.s32 @!p0 $0x1;
	_ =	shalt  }
.Lfunc_end2:
_tile_overlayer_lowered:
.L_overlay_start_2:
0x39d: {  	(tag) =	ssettag $0x2  }
0x39e: {  	s0 =	rddreg [dreg:$0x0];
	s2 =	stileid.u32  }
0x39f: {  	s1 =	rddreg [dreg:$0x1];
	p0 =	sne.s32 s2, $0x0  }
0x3a0: {  	s3 =	rddreg [dreg:$0x2];
	[bflag:$0x3] =	sbarrier.arrive $0xFFFF;
	s2 =	simm.s32 @!p0 $0x1C06  }
0x3a1: {  	[timem:s3], [sflag:s2] =	dma.local @!p0 [hbm:s0], s1  }
0x3a2: {  	s0 =	simm.s32 @!p0 $0x6  }
0x3a3: {  	_ =	swait.ge @!p0 [sflag:s0], s1  }
0x3a4: {  	s1 =	ssub.s32 @!p0 $0x0, s1;
	[sflag:s0] =	ssyncset.done @!p0 $0x0  }
0x3a5: {  	[sflag:s0] =	ssyncadd.s32 @!p0 s1  }
0x3a6: {  	[bflag:$0x3] =	sbarrier.arrive $0xFFFF  }
0x3a7: {  	_ =	shalt  }

</sc_bundles>
